<compile_context>
chip_gen: v7x
topology: tpu7x:2x2x1
jax: 0.10.2.dev20260603
libtpu: 0.0.44.dev20260713+nightly
codegen_flags: <defaults>
</compile_context>

<pallas_src>
import functools

import jax
import jax.numpy as jnp
from jax import lax
from jax.experimental import pallas as pl
from jax.experimental.pallas import tpu as pltpu
from jax.experimental.pallas import tpu_sc as plsc

_B = 16384
_P = 64
_D = 128
_BLK = 128
_B1 = 2048
_ROWS = 16


def _sc_lookup_body(rank_hbm, file_hbm, ranks_hbm, files_hbm, out_hbm,
                    idx_r, idx_f, rows_r, rows_f, sem_r, sem_f):
    wid = lax.axis_index("s") * 2 + lax.axis_index("c")

    @pl.when(wid < _P // _ROWS)
    def _():
        base = wid * _ROWS
        pltpu.sync_copy(ranks_hbm.at[pl.ds(base, _ROWS)], idx_r)
        pltpu.sync_copy(files_hbm.at[pl.ds(base, _ROWS)], idx_f)
        cp_r = pltpu.async_copy(rank_hbm.at[idx_r], rows_r, sem_r)
        cp_f = pltpu.async_copy(file_hbm.at[idx_f], rows_f, sem_f)
        cp_r.wait()
        cp_f.wait()
        for i in range(_ROWS):
            for j in range(_D // 16):
                sl = pl.ds(j * 16, 16)
                rows_f[i, sl] = rows_f[i, sl] + rows_r[i, sl]
        pltpu.sync_copy(rows_f, out_hbm.at[pl.ds(base, _ROWS)])


_sc_lookup = functools.partial(
    pl.kernel,
    out_type=jax.ShapeDtypeStruct((_P, _D), jnp.float32),
    mesh=plsc.VectorSubcoreMesh(core_axis_name="c", subcore_axis_name="s"),
    scratch_types=[
        pltpu.VMEM((_ROWS,), jnp.int32),
        pltpu.VMEM((_ROWS,), jnp.int32),
        pltpu.VMEM((_ROWS, _D), jnp.float32),
        pltpu.VMEM((_ROWS, _D), jnp.float32),
        pltpu.SemaphoreType.DMA,
        pltpu.SemaphoreType.DMA,
    ],
)(_sc_lookup_body)


def _tc_head_body(rank_ref, file_ref, out_ref):
    r = rank_ref[...]
    f = file_ref[...]
    rank_part = jnp.broadcast_to(r[:, None, :], (8, 8, _D))
    file_part = jnp.broadcast_to(f[None, :, :], (8, 8, _D))
    table = (rank_part + file_part).reshape(_P, _D)
    out_ref[...] = jnp.broadcast_to(table[None, :, :], (_BLK, _P, _D))


def _tc_tail_body(partial_hbm, table_ref, out_ref):
    del partial_hbm
    out_ref[...] = jnp.broadcast_to(table_ref[...][None, :, :], (_BLK, _P, _D))


def kernel(rank_embed, file_embed, batch_size):
    positions = jnp.arange(_P, dtype=jnp.int32)
    table = _sc_lookup(rank_embed, file_embed, positions // 8, positions % 8)
    head = pl.pallas_call(
        _tc_head_body,
        grid=(_B1 // _BLK,),
        in_specs=[
            pl.BlockSpec((8, _D), lambda i: (0, 0)),
            pl.BlockSpec((8, _D), lambda i: (0, 0)),
        ],
        out_specs=pl.BlockSpec((_BLK, _P, _D), lambda i: (i, 0, 0)),
        out_shape=jax.ShapeDtypeStruct((_B, _P, _D), jnp.float32),
    )(rank_embed, file_embed)
    return pl.pallas_call(
        _tc_tail_body,
        grid=((_B - _B1) // _BLK,),
        in_specs=[
            pl.BlockSpec(memory_space=pltpu.MemorySpace.HBM),
            pl.BlockSpec((_P, _D), lambda i: (0, 0)),
        ],
        out_specs=pl.BlockSpec(
            (_BLK, _P, _D), lambda i: (i + _B1 // _BLK, 0, 0)),
        out_shape=jax.ShapeDtypeStruct((_B, _P, _D), jnp.float32),
        input_output_aliases={0: 0},
    )(head, table)

# --- scband reference (transcript-rebuilt; emitter-appended) ---
"""Pipeline reference for scband-positional-embedding-49881750175970 (READ-ONLY COPY).

The authoritative reference and input builder live on the scoring server;
editing this copy changes nothing except your own understanding.
"""

import jax, jax.numpy as jnp
import numpy as np

EMBED_DIM = 128
BATCH = 16384

def setup_inputs(seed: int = 0) -> dict:
    key = jax.random.key(seed)
    k1, k2 = jax.random.split(key)
    rank_embed = jax.random.normal(k1, (8, EMBED_DIM), dtype=jnp.float32)
    file_embed = jax.random.normal(k2, (8, EMBED_DIM), dtype=jnp.float32)
    return {"rank_embed": rank_embed, "file_embed": file_embed, "batch_size": BATCH}

def reference(rank_embed, file_embed, batch_size):
    positions = jnp.arange(64, dtype=jnp.int64)[None, :]  # [1, 64]
    positions = jnp.broadcast_to(positions, (BATCH, 64))  # expand
    positions = positions + (batch_size - batch_size)
    ranks = positions // 8
    files = positions % 8
    rank_emb = jnp.take(rank_embed, ranks, axis=0)  # [B, 64, D]
    file_emb = jnp.take(file_embed, files, axis=0)  # [B, 64, D]
    return rank_emb + file_emb

if __name__ == "__main__":
    import jax
    _d = setup_inputs()
    print(jax.jit(kernel)(*tuple(_d.values())))

</pallas_src>

<mosaic_0001>
#map = affine_map<(d0, d1) -> (0, 0)>
#map1 = affine_map<(d0, d1) -> (0)>
module attributes {stable_mosaic.version = 14 : i64} {
  func.func @_sc_lookup_body(%arg0: i32, %arg1: i32, %arg2: memref<8x128xf32, #tpu.memory_space<hbm>>, %arg3: memref<8x128xf32, #tpu.memory_space<hbm>>, %arg4: memref<64xi32, #tpu.memory_space<hbm>>, %arg5: memref<64xi32, #tpu.memory_space<hbm>>, %arg6: memref<64x128xf32, #tpu.memory_space<hbm>>, %arg7: memref<16xi32, #tpu.memory_space<vmem>>, %arg8: memref<16xi32, #tpu.memory_space<vmem>>, %arg9: memref<16x128xf32, #tpu.memory_space<vmem>>, %arg10: memref<16x128xf32, #tpu.memory_space<vmem>>, %arg11: memref<!tpu.dma_semaphore, #tpu.memory_space<semaphore_mem>>, %arg12: memref<!tpu.dma_semaphore, #tpu.memory_space<semaphore_mem>>) attributes {dimension_semantics = [#tpu.dimension_semantics<core_parallel>, #tpu.dimension_semantics<subcore_parallel>], iteration_bounds = array<i64: 2, 16>, scalar_prefetch = 0 : i64, scratch_operands = 6 : i64, tpu.core_type = #tpu.core_type<sc_vector_subcore>, window_params = [{transform_indices = #map}, {transform_indices = #map}, {transform_indices = #map1}, {transform_indices = #map1}, {transform_indices = #map}]} {
    %mul3A = arith.constant 2 : i32
    %mul3A_0 = arith.muli %arg1, %mul3A : i32
    %add3A = arith.addi %mul3A_0, %arg0 : i32
    %lt3A = arith.constant 4 : i32
    %lt3A_1 = arith.cmpi slt, %add3A, %lt3A : i32
    %convert_element_type3A = arith.extui %lt3A_1 : i1 to i32
    %cond3A = arith.constant 0 : i32
    %cond3A_2 = arith.cmpi ne, %convert_element_type3A, %cond3A : i32
    scf.if %cond3A_2 {
      %mul3A_3 = arith.constant 16 : i32
      %mul3A_4 = arith.muli %add3A, %mul3A_3 : i32
      "tpu.region"() ({
        %run_scoped3A = tpu.sem_alloc : memref<!tpu.dma_semaphore, #tpu.memory_space<semaphore_mem>>
        %dma_start3A_2189 = tpu.memref_slice %arg4[%mul3A_4] : memref<64xi32, #tpu.memory_space<hbm>> -> memref<16xi32, #tpu.memory_space<hbm>>
        %dma_start3A_2190 = tpu.memref_slice %arg4[%mul3A_4] : memref<64xi32, #tpu.memory_space<hbm>> -> memref<16xi32, #tpu.memory_space<hbm>>
        tpu.enqueue_dma source(%dma_start3A_2190 : memref<16xi32, #tpu.memory_space<hbm>>) target(%arg7 : memref<16xi32, #tpu.memory_space<vmem>>) target_semaphore(%run_scoped3A : memref<!tpu.dma_semaphore, #tpu.memory_space<semaphore_mem>>)
        %dma_wait3A_2191 = tpu.memref_slice %arg4[%mul3A_4] : memref<64xi32, #tpu.memory_space<hbm>> -> memref<16xi32, #tpu.memory_space<hbm>>
        %dma_wait3A_2192 = tpu.memref_slice %arg4[%mul3A_4] : memref<64xi32, #tpu.memory_space<hbm>> -> memref<16xi32, #tpu.memory_space<hbm>>
        tpu.wait_dma2 semaphore(%run_scoped3A : memref<!tpu.dma_semaphore, #tpu.memory_space<semaphore_mem>>) src(%dma_wait3A_2192 : memref<16xi32, #tpu.memory_space<hbm>>) dst(%arg7 : memref<16xi32, #tpu.memory_space<vmem>>)
        tpu.yield
      }) : () -> ()
      "tpu.region"() ({
        %run_scoped3A = tpu.sem_alloc : memref<!tpu.dma_semaphore, #tpu.memory_space<semaphore_mem>>
        %dma_start3A_2189 = tpu.memref_slice %arg5[%mul3A_4] : memref<64xi32, #tpu.memory_space<hbm>> -> memref<16xi32, #tpu.memory_space<hbm>>
        %dma_start3A_2190 = tpu.memref_slice %arg5[%mul3A_4] : memref<64xi32, #tpu.memory_space<hbm>> -> memref<16xi32, #tpu.memory_space<hbm>>
        tpu.enqueue_dma source(%dma_start3A_2190 : memref<16xi32, #tpu.memory_space<hbm>>) target(%arg8 : memref<16xi32, #tpu.memory_space<vmem>>) target_semaphore(%run_scoped3A : memref<!tpu.dma_semaphore, #tpu.memory_space<semaphore_mem>>)
        %dma_wait3A_2191 = tpu.memref_slice %arg5[%mul3A_4] : memref<64xi32, #tpu.memory_space<hbm>> -> memref<16xi32, #tpu.memory_space<hbm>>
        %dma_wait3A_2192 = tpu.memref_slice %arg5[%mul3A_4] : memref<64xi32, #tpu.memory_space<hbm>> -> memref<16xi32, #tpu.memory_space<hbm>>
        tpu.wait_dma2 semaphore(%run_scoped3A : memref<!tpu.dma_semaphore, #tpu.memory_space<semaphore_mem>>) src(%dma_wait3A_2192 : memref<16xi32, #tpu.memory_space<hbm>>) dst(%arg8 : memref<16xi32, #tpu.memory_space<vmem>>)
        tpu.yield
      }) : () -> ()
      %dma_start3A = arith.constant 0 : i32
      %dma_start3A_5 = arith.constant 0 : i32
      %dma_start3A_6 = tpu.memref_slice %arg2[%dma_start3A, %dma_start3A_5] : memref<8x128xf32, #tpu.memory_space<hbm>> -> memref<8x128xf32, #tpu.memory_space<hbm>>
      tpu.enqueue_indirect_dma source(%dma_start3A_6 : memref<8x128xf32, #tpu.memory_space<hbm>>) target(%arg9 : memref<16x128xf32, #tpu.memory_space<vmem>>) offsets(%arg7 : memref<16xi32, #tpu.memory_space<vmem>>) semaphore(%arg11 : memref<!tpu.dma_semaphore, #tpu.memory_space<semaphore_mem>>)
      %dma_start3A_7 = arith.constant 0 : i32
      %dma_start3A_8 = arith.constant 0 : i32
      %dma_start3A_9 = tpu.memref_slice %arg3[%dma_start3A_7, %dma_start3A_8] : memref<8x128xf32, #tpu.memory_space<hbm>> -> memref<8x128xf32, #tpu.memory_space<hbm>>
      tpu.enqueue_indirect_dma source(%dma_start3A_9 : memref<8x128xf32, #tpu.memory_space<hbm>>) target(%arg10 : memref<16x128xf32, #tpu.memory_space<vmem>>) offsets(%arg8 : memref<16xi32, #tpu.memory_space<vmem>>) semaphore(%arg12 : memref<!tpu.dma_semaphore, #tpu.memory_space<semaphore_mem>>)
      %dma_wait3A = arith.constant 0 : i32
      %dma_wait3A_10 = arith.constant 0 : i32
      %dma_wait3A_11 = tpu.memref_slice %arg2[%dma_wait3A, %dma_wait3A_10] : memref<8x128xf32, #tpu.memory_space<hbm>> -> memref<8x128xf32, #tpu.memory_space<hbm>>
      tpu.wait_indirect_dma semaphore(%arg11 : memref<!tpu.dma_semaphore, #tpu.memory_space<semaphore_mem>>) src(%dma_wait3A_11 : memref<8x128xf32, #tpu.memory_space<hbm>>) dst(%arg9 : memref<16x128xf32, #tpu.memory_space<vmem>>)
      %dma_wait3A_12 = arith.constant 0 : i32
      %dma_wait3A_13 = arith.constant 0 : i32
      %dma_wait3A_14 = tpu.memref_slice %arg3[%dma_wait3A_12, %dma_wait3A_13] : memref<8x128xf32, #tpu.memory_space<hbm>> -> memref<8x128xf32, #tpu.memory_space<hbm>>
      tpu.wait_indirect_dma semaphore(%arg12 : memref<!tpu.dma_semaphore, #tpu.memory_space<semaphore_mem>>) src(%dma_wait3A_14 : memref<8x128xf32, #tpu.memory_space<hbm>>) dst(%arg10 : memref<16x128xf32, #tpu.memory_space<vmem>>)
      %get3A = arith.constant 0 : i32
      %get3A_15 = arith.index_cast %get3A : i32 to index
      %get3A_16 = arith.constant 0 : index
      %get3A_17 = tpu.vector_load %arg10[%get3A_15, %get3A_16] {strides = array<i32>} : memref<16x128xf32, #tpu.memory_space<vmem>>, vector<1x16xf32>,
      %get3A_18 = vector.shape_cast %get3A_17 : vector<1x16xf32> to vector<16xf32>
      %get3A_19 = arith.constant 0 : i32
      %get3A_20 = arith.index_cast %get3A_19 : i32 to index
      %get3A_21 = arith.constant 0 : index
      %get3A_22 = tpu.vector_load %arg9[%get3A_20, %get3A_21] {strides = array<i32>} : memref<16x128xf32, #tpu.memory_space<vmem>>, vector<1x16xf32>,
      %get3A_23 = vector.shape_cast %get3A_22 : vector<1x16xf32> to vector<16xf32>
      %add3A_24 = arith.addf %get3A_18, %get3A_23 : vector<16xf32>
      %swap3A = arith.constant 0 : i32
      %swap3A_25 = arith.index_cast %swap3A : i32 to index
      %swap3A_26 = arith.constant 0 : index
      %swap3A_27 = tpu.vector_load %arg10[%swap3A_25, %swap3A_26] {strides = array<i32>} : memref<16x128xf32, #tpu.memory_space<vmem>>, vector<1x16xf32>,
      %swap3A_28 = vector.shape_cast %swap3A_27 : vector<1x16xf32> to vector<16xf32>
      %swap3A_29 = vector.shape_cast %add3A_24 : vector<16xf32> to vector<1x16xf32>
      tpu.vector_store %arg10[%swap3A_25, %swap3A_26], %swap3A_29 {strides = array<i32>} : memref<16x128xf32, #tpu.memory_space<vmem>>, vector<1x16xf32>,
      %get3A_30 = arith.constant 0 : i32
      %get3A_31 = arith.index_cast %get3A_30 : i32 to index
      %get3A_32 = arith.constant 16 : index
      %get3A_33 = tpu.vector_load %arg10[%get3A_31, %get3A_32] {strides = array<i32>} : memref<16x128xf32, #tpu.memory_space<vmem>>, vector<1x16xf32>,
      %get3A_34 = vector.shape_cast %get3A_33 : vector<1x16xf32> to vector<16xf32>
      %get3A_35 = arith.constant 0 : i32
      %get3A_36 = arith.index_cast %get3A_35 : i32 to index
      %get3A_37 = arith.constant 16 : index
      %get3A_38 = tpu.vector_load %arg9[%get3A_36, %get3A_37] {strides = array<i32>} : memref<16x128xf32, #tpu.memory_space<vmem>>, vector<1x16xf32>,
      %get3A_39 = vector.shape_cast %get3A_38 : vector<1x16xf32> to vector<16xf32>
      %add3A_40 = arith.addf %get3A_34, %get3A_39 : vector<16xf32>
      %swap3A_41 = arith.constant 0 : i32
      %swap3A_42 = arith.index_cast %swap3A_41 : i32 to index
      %swap3A_43 = arith.constant 16 : index
      %swap3A_44 = tpu.vector_load %arg10[%swap3A_42, %swap3A_43] {strides = array<i32>} : memref<16x128xf32, #tpu.memory_space<vmem>>, vector<1x16xf32>,
      %swap3A_45 = vector.shape_cast %swap3A_44 : vector<1x16xf32> to vector<16xf32>
      %swap3A_46 = vector.shape_cast %add3A_40 : vector<16xf32> to vector<1x16xf32>
      tpu.vector_store %arg10[%swap3A_42, %swap3A_43], %swap3A_46 {strides = array<i32>} : memref<16x128xf32, #tpu.memory_space<vmem>>, vector<1x16xf32>,
      %get3A_47 = arith.constant 0 : i32
      %get3A_48 = arith.index_cast %get3A_47 : i32 to index
      %get3A_49 = arith.constant 32 : index
      %get3A_50 = tpu.vector_load %arg10[%get3A_48, %get3A_49] {strides = array<i32>} : memref<16x128xf32, #tpu.memory_space<vmem>>, vector<1x16xf32>,
      %get3A_51 = vector.shape_cast %get3A_50 : vector<1x16xf32> to vector<16xf32>
      %get3A_52 = arith.constant 0 : i32
      %get3A_53 = arith.index_cast %get3A_52 : i32 to index
      %get3A_54 = arith.constant 32 : index
      %get3A_55 = tpu.vector_load %arg9[%get3A_53, %get3A_54] {strides = array<i32>} : memref<16x128xf32, #tpu.memory_space<vmem>>, vector<1x16xf32>,
      %get3A_56 = vector.shape_cast %get3A_55 : vector<1x16xf32> to vector<16xf32>
      %add3A_57 = arith.addf %get3A_51, %get3A_56 : vector<16xf32>
      %swap3A_58 = arith.constant 0 : i32
      %swap3A_59 = arith.index_cast %swap3A_58 : i32 to index
      %swap3A_60 = arith.constant 32 : index
      %swap3A_61 = tpu.vector_load %arg10[%swap3A_59, %swap3A_60] {strides = array<i32>} : memref<16x128xf32, #tpu.memory_space<vmem>>, vector<1x16xf32>,
      %swap3A_62 = vector.shape_cast %swap3A_61 : vector<1x16xf32> to vector<16xf32>
      %swap3A_63 = vector.shape_cast %add3A_57 : vector<16xf32> to vector<1x16xf32>
      tpu.vector_store %arg10[%swap3A_59, %swap3A_60], %swap3A_63 {strides = array<i32>} : memref<16x128xf32, #tpu.memory_space<vmem>>, vector<1x16xf32>,
      %get3A_64 = arith.constant 0 : i32
      %get3A_65 = arith.index_cast %get3A_64 : i32 to index
      %get3A_66 = arith.constant 48 : index
      %get3A_67 = tpu.vector_load %arg10[%get3A_65, %get3A_66] {strides = array<i32>} : memref<16x128xf32, #tpu.memory_space<vmem>>, vector<1x16xf32>,
      %get3A_68 = vector.shape_cast %get3A_67 : vector<1x16xf32> to vector<16xf32>
      %get3A_69 = arith.constant 0 : i32
      %get3A_70 = arith.index_cast %get3A_69 : i32 to index
      %get3A_71 = arith.constant 48 : index
      %get3A_72 = tpu.vector_load %arg9[%get3A_70, %get3A_71] {strides = array<i32>} : memref<16x128xf32, #tpu.memory_space<vmem>>, vector<1x16xf32>,
      %get3A_73 = vector.shape_cast %get3A_72 : vector<1x16xf32> to vector<16xf32>
      %add3A_74 = arith.addf %get3A_68, %get3A_73 : vector<16xf32>
      %swap3A_75 = arith.constant 0 : i32
      %swap3A_76 = arith.index_cast %swap3A_75 : i32 to index
      %swap3A_77 = arith.constant 48 : index
      %swap3A_78 = tpu.vector_load %arg10[%swap3A_76, %swap3A_77] {strides = array<i32>} : memref<16x128xf32, #tpu.memory_space<vmem>>, vector<1x16xf32>,
      %swap3A_79 = vector.shape_cast %swap3A_78 : vector<1x16xf32> to vector<16xf32>
      %swap3A_80 = vector.shape_cast %add3A_74 : vector<16xf32> to vector<1x16xf32>
      tpu.vector_store %arg10[%swap3A_76, %swap3A_77], %swap3A_80 {strides = array<i32>} : memref<16x128xf32, #tpu.memory_space<vmem>>, vector<1x16xf32>,
      %get3A_81 = arith.constant 0 : i32
      %get3A_82 = arith.index_cast %get3A_81 : i32 to index
      %get3A_83 = arith.constant 64 : index
      %get3A_84 = tpu.vector_load %arg10[%get3A_82, %get3A_83] {strides = array<i32>} : memref<16x128xf32, #tpu.memory_space<vmem>>, vector<1x16xf32>,
      %get3A_85 = vector.shape_cast %get3A_84 : vector<1x16xf32> to vector<16xf32>
      %get3A_86 = arith.constant 0 : i32
      %get3A_87 = arith.index_cast %get3A_86 : i32 to index
      %get3A_88 = arith.constant 64 : index
      %get3A_89 = tpu.vector_load %arg9[%get3A_87, %get3A_88] {strides = array<i32>} : memref<16x128xf32, #tpu.memory_space<vmem>>, vector<1x16xf32>,
      %get3A_90 = vector.shape_cast %get3A_89 : vector<1x16xf32> to vector<16xf32>
      %add3A_91 = arith.addf %get3A_85, %get3A_90 : vector<16xf32>
      %swap3A_92 = arith.constant 0 : i32
      %swap3A_93 = arith.index_cast %swap3A_92 : i32 to index
      %swap3A_94 = arith.constant 64 : index
      %swap3A_95 = tpu.vector_load %arg10[%swap3A_93, %swap3A_94] {strides = array<i32>} : memref<16x128xf32, #tpu.memory_space<vmem>>, vector<1x16xf32>,
      %swap3A_96 = vector.shape_cast %swap3A_95 : vector<1x16xf32> to vector<16xf32>
      %swap3A_97 = vector.shape_cast %add3A_91 : vector<16xf32> to vector<1x16xf32>
      tpu.vector_store %arg10[%swap3A_93, %swap3A_94], %swap3A_97 {strides = array<i32>} : memref<16x128xf32, #tpu.memory_space<vmem>>, vector<1x16xf32>,
      %get3A_98 = arith.constant 0 : i32
      %get3A_99 = arith.index_cast %get3A_98 : i32 to index
      %get3A_100 = arith.constant 80 : index
      %get3A_101 = tpu.vector_load %arg10[%get3A_99, %get3A_100] {strides = array<i32>} : memref<16x128xf32, #tpu.memory_space<vmem>>, vector<1x16xf32>,
      %get3A_102 = vector.shape_cast %get3A_101 : vector<1x16xf32> to vector<16xf32>
      %get3A_103 = arith.constant 0 : i32
      %get3A_104 = arith.index_cast %get3A_103 : i32 to index
      %get3A_105 = arith.constant 80 : index
      %get3A_106 = tpu.vector_load %arg9[%get3A_104, %get3A_105] {strides = array<i32>} : memref<16x128xf32, #tpu.memory_space<vmem>>, vector<1x16xf32>,
      %get3A_107 = vector.shape_cast %get3A_106 : vector<1x16xf32> to vector<16xf32>
      %add3A_108 = arith.addf %get3A_102, %get3A_107 : vector<16xf32>
      %swap3A_109 = arith.constant 0 : i32
      %swap3A_110 = arith.index_cast %swap3A_109 : i32 to index
      %swap3A_111 = arith.constant 80 : index
      %swap3A_112 = tpu.vector_load %arg10[%swap3A_110, %swap3A_111] {strides = array<i32>} : memref<16x128xf32, #tpu.memory_space<vmem>>, vector<1x16xf32>,
      %swap3A_113 = vector.shape_cast %swap3A_112 : vector<1x16xf32> to vector<16xf32>
      %swap3A_114 = vector.shape_cast %add3A_108 : vector<16xf32> to vector<1x16xf32>
      tpu.vector_store %arg10[%swap3A_110, %swap3A_111], %swap3A_114 {strides = array<i32>} : memref<16x128xf32, #tpu.memory_space<vmem>>, vector<1x16xf32>,
      %get3A_115 = arith.constant 0 : i32
      %get3A_116 = arith.index_cast %get3A_115 : i32 to index
      %get3A_117 = arith.constant 96 : index
      %get3A_118 = tpu.vector_load %arg10[%get3A_116, %get3A_117] {strides = array<i32>} : memref<16x128xf32, #tpu.memory_space<vmem>>, vector<1x16xf32>,
      %get3A_119 = vector.shape_cast %get3A_118 : vector<1x16xf32> to vector<16xf32>
      %get3A_120 = arith.constant 0 : i32
      %get3A_121 = arith.index_cast %get3A_120 : i32 to index
      %get3A_122 = arith.constant 96 : index
      %get3A_123 = tpu.vector_load %arg9[%get3A_121, %get3A_122] {strides = array<i32>} : memref<16x128xf32, #tpu.memory_space<vmem>>, vector<1x16xf32>,
      %get3A_124 = vector.shape_cast %get3A_123 : vector<1x16xf32> to vector<16xf32>
      %add3A_125 = arith.addf %get3A_119, %get3A_124 : vector<16xf32>
      %swap3A_126 = arith.constant 0 : i32
      %swap3A_127 = arith.index_cast %swap3A_126 : i32 to index
      %swap3A_128 = arith.constant 96 : index
      %swap3A_129 = tpu.vector_load %arg10[%swap3A_127, %swap3A_128] {strides = array<i32>} : memref<16x128xf32, #tpu.memory_space<vmem>>, vector<1x16xf32>,
      %swap3A_130 = vector.shape_cast %swap3A_129 : vector<1x16xf32> to vector<16xf32>
      %swap3A_131 = vector.shape_cast %add3A_125 : vector<16xf32> to vector<1x16xf32>
      tpu.vector_store %arg10[%swap3A_127, %swap3A_128], %swap3A_131 {strides = array<i32>} : memref<16x128xf32, #tpu.memory_space<vmem>>, vector<1x16xf32>,
      %get3A_132 = arith.constant 0 : i32
      %get3A_133 = arith.index_cast %get3A_132 : i32 to index
      %get3A_134 = arith.constant 112 : index
      %get3A_135 = tpu.vector_load %arg10[%get3A_133, %get3A_134] {strides = array<i32>} : memref<16x128xf32, #tpu.memory_space<vmem>>, vector<1x16xf32>,
      %get3A_136 = vector.shape_cast %get3A_135 : vector<1x16xf32> to vector<16xf32>
      %get3A_137 = arith.constant 0 : i32
      %get3A_138 = arith.index_cast %get3A_137 : i32 to index
      %get3A_139 = arith.constant 112 : index
      %get3A_140 = tpu.vector_load %arg9[%get3A_138, %get3A_139] {strides = array<i32>} : memref<16x128xf32, #tpu.memory_space<vmem>>, vector<1x16xf32>,
      %get3A_141 = vector.shape_cast %get3A_140 : vector<1x16xf32> to vector<16xf32>
      %add3A_142 = arith.addf %get3A_136, %get3A_141 : vector<16xf32>
      %swap3A_143 = arith.constant 0 : i32
      %swap3A_144 = arith.index_cast %swap3A_143 : i32 to index
      %swap3A_145 = arith.constant 112 : index
      %swap3A_146 = tpu.vector_load %arg10[%swap3A_144, %swap3A_145] {strides = array<i32>} : memref<16x128xf32, #tpu.memory_space<vmem>>, vector<1x16xf32>,
      %swap3A_147 = vector.shape_cast %swap3A_146 : vector<1x16xf32> to vector<16xf32>
      %swap3A_148 = vector.shape_cast %add3A_142 : vector<16xf32> to vector<1x16xf32>
      tpu.vector_store %arg10[%swap3A_144, %swap3A_145], %swap3A_148 {strides = array<i32>} : memref<16x128xf32, #tpu.memory_space<vmem>>, vector<1x16xf32>,
      %get3A_149 = arith.constant 1 : i32
      %get3A_150 = arith.index_cast %get3A_149 : i32 to index
      %get3A_151 = arith.constant 0 : index
      %get3A_152 = tpu.vector_load %arg10[%get3A_150, %get3A_151] {strides = array<i32>} : memref<16x128xf32, #tpu.memory_space<vmem>>, vector<1x16xf32>,
      %get3A_153 = vector.shape_cast %get3A_152 : vector<1x16xf32> to vector<16xf32>
      %get3A_154 = arith.constant 1 : i32
      %get3A_155 = arith.index_cast %get3A_154 : i32 to index
      %get3A_156 = arith.constant 0 : index
      %get3A_157 = tpu.vector_load %arg9[%get3A_155, %get3A_156] {strides = array<i32>} : memref<16x128xf32, #tpu.memory_space<vmem>>, vector<1x16xf32>,
      %get3A_158 = vector.shape_cast %get3A_157 : vector<1x16xf32> to vector<16xf32>
      %add3A_159 = arith.addf %get3A_153, %get3A_158 : vector<16xf32>
      %swap3A_160 = arith.constant 1 : i32
      %swap3A_161 = arith.index_cast %swap3A_160 : i32 to index
      %swap3A_162 = arith.constant 0 : index
      %swap3A_163 = tpu.vector_load %arg10[%swap3A_161, %swap3A_162] {strides = array<i32>} : memref<16x128xf32, #tpu.memory_space<vmem>>, vector<1x16xf32>,
      %swap3A_164 = vector.shape_cast %swap3A_163 : vector<1x16xf32> to vector<16xf32>
      %swap3A_165 = vector.shape_cast %add3A_159 : vector<16xf32> to vector<1x16xf32>
      tpu.vector_store %arg10[%swap3A_161, %swap3A_162], %swap3A_165 {strides = array<i32>} : memref<16x128xf32, #tpu.memory_space<vmem>>, vector<1x16xf32>,
      %get3A_166 = arith.constant 1 : i32
      %get3A_167 = arith.index_cast %get3A_166 : i32 to index
      %get3A_168 = arith.constant 16 : index
      %get3A_169 = tpu.vector_load %arg10[%get3A_167, %get3A_168] {strides = array<i32>} : memref<16x128xf32, #tpu.memory_space<vmem>>, vector<1x16xf32>,
      %get3A_170 = vector.shape_cast %get3A_169 : vector<1x16xf32> to vector<16xf32>
      %get3A_171 = arith.constant 1 : i32
      %get3A_172 = arith.index_cast %get3A_171 : i32 to index
      %get3A_173 = arith.constant 16 : index
      %get3A_174 = tpu.vector_load %arg9[%get3A_172, %get3A_173] {strides = array<i32>} : memref<16x128xf32, #tpu.memory_space<vmem>>, vector<1x16xf32>,
      %get3A_175 = vector.shape_cast %get3A_174 : vector<1x16xf32> to vector<16xf32>
      %add3A_176 = arith.addf %get3A_170, %get3A_175 : vector<16xf32>
      %swap3A_177 = arith.constant 1 : i32
      %swap3A_178 = arith.index_cast %swap3A_177 : i32 to index
      %swap3A_179 = arith.constant 16 : index
      %swap3A_180 = tpu.vector_load %arg10[%swap3A_178, %swap3A_179] {strides = array<i32>} : memref<16x128xf32, #tpu.memory_space<vmem>>, vector<1x16xf32>,
      %swap3A_181 = vector.shape_cast %swap3A_180 : vector<1x16xf32> to vector<16xf32>
      %swap3A_182 = vector.shape_cast %add3A_176 : vector<16xf32> to vector<1x16xf32>
      tpu.vector_store %arg10[%swap3A_178, %swap3A_179], %swap3A_182 {strides = array<i32>} : memref<16x128xf32, #tpu.memory_space<vmem>>, vector<1x16xf32>,
      %get3A_183 = arith.constant 1 : i32
      %get3A_184 = arith.index_cast %get3A_183 : i32 to index
      %get3A_185 = arith.constant 32 : index
      %get3A_186 = tpu.vector_load %arg10[%get3A_184, %get3A_185] {strides = array<i32>} : memref<16x128xf32, #tpu.memory_space<vmem>>, vector<1x16xf32>,
      %get3A_187 = vector.shape_cast %get3A_186 : vector<1x16xf32> to vector<16xf32>
      %get3A_188 = arith.constant 1 : i32
      %get3A_189 = arith.index_cast %get3A_188 : i32 to index
      %get3A_190 = arith.constant 32 : index
      %get3A_191 = tpu.vector_load %arg9[%get3A_189, %get3A_190] {strides = array<i32>} : memref<16x128xf32, #tpu.memory_space<vmem>>, vector<1x16xf32>,
      %get3A_192 = vector.shape_cast %get3A_191 : vector<1x16xf32> to vector<16xf32>
      %add3A_193 = arith.addf %get3A_187, %get3A_192 : vector<16xf32>
      %swap3A_194 = arith.constant 1 : i32
      %swap3A_195 = arith.index_cast %swap3A_194 : i32 to index
      %swap3A_196 = arith.constant 32 : index
      %swap3A_197 = tpu.vector_load %arg10[%swap3A_195, %swap3A_196] {strides = array<i32>} : memref<16x128xf32, #tpu.memory_space<vmem>>, vector<1x16xf32>,
      %swap3A_198 = vector.shape_cast %swap3A_197 : vector<1x16xf32> to vector<16xf32>
      %swap3A_199 = vector.shape_cast %add3A_193 : vector<16xf32> to vector<1x16xf32>
      tpu.vector_store %arg10[%swap3A_195, %swap3A_196], %swap3A_199 {strides = array<i32>} : memref<16x128xf32, #tpu.memory_space<vmem>>, vector<1x16xf32>,
      %get3A_200 = arith.constant 1 : i32
      %get3A_201 = arith.index_cast %get3A_200 : i32 to index
      %get3A_202 = arith.constant 48 : index
      %get3A_203 = tpu.vector_load %arg10[%get3A_201, %get3A_202] {strides = array<i32>} : memref<16x128xf32, #tpu.memory_space<vmem>>, vector<1x16xf32>,
      %get3A_204 = vector.shape_cast %get3A_203 : vector<1x16xf32> to vector<16xf32>
      %get3A_205 = arith.constant 1 : i32
      %get3A_206 = arith.index_cast %get3A_205 : i32 to index
      %get3A_207 = arith.constant 48 : index
      %get3A_208 = tpu.vector_load %arg9[%get3A_206, %get3A_207] {strides = array<i32>} : memref<16x128xf32, #tpu.memory_space<vmem>>, vector<1x16xf32>,
      %get3A_209 = vector.shape_cast %get3A_208 : vector<1x16xf32> to vector<16xf32>
      %add3A_210 = arith.addf %get3A_204, %get3A_209 : vector<16xf32>
      %swap3A_211 = arith.constant 1 : i32
      %swap3A_212 = arith.index_cast %swap3A_211 : i32 to index
      %swap3A_213 = arith.constant 48 : index
      %swap3A_214 = tpu.vector_load %arg10[%swap3A_212, %swap3A_213] {strides = array<i32>} : memref<16x128xf32, #tpu.memory_space<vmem>>, vector<1x16xf32>,
      %swap3A_215 = vector.shape_cast %swap3A_214 : vector<1x16xf32> to vector<16xf32>
      %swap3A_216 = vector.shape_cast %add3A_210 : vector<16xf32> to vector<1x16xf32>
      tpu.vector_store %arg10[%swap3A_212, %swap3A_213], %swap3A_216 {strides = array<i32>} : memref<16x128xf32, #tpu.memory_space<vmem>>, vector<1x16xf32>,
      %get3A_217 = arith.constant 1 : i32
      %get3A_218 = arith.index_cast %get3A_217 : i32 to index
      %get3A_219 = arith.constant 64 : index
      %get3A_220 = tpu.vector_load %arg10[%get3A_218, %get3A_219] {strides = array<i32>} : memref<16x128xf32, #tpu.memory_space<vmem>>, vector<1x16xf32>,
      %get3A_221 = vector.shape_cast %get3A_220 : vector<1x16xf32> to vector<16xf32>
      %get3A_222 = arith.constant 1 : i32
      %get3A_223 = arith.index_cast %get3A_222 : i32 to index
      %get3A_224 = arith.constant 64 : index
      %get3A_225 = tpu.vector_load %arg9[%get3A_223, %get3A_224] {strides = array<i32>} : memref<16x128xf32, #tpu.memory_space<vmem>>, vector<1x16xf32>,
      %get3A_226 = vector.shape_cast %get3A_225 : vector<1x16xf32> to vector<16xf32>
      %add3A_227 = arith.addf %get3A_221, %get3A_226 : vector<16xf32>
      %swap3A_228 = arith.constant 1 : i32
      %swap3A_229 = arith.index_cast %swap3A_228 : i32 to index
      %swap3A_230 = arith.constant 64 : index
      %swap3A_231 = tpu.vector_load %arg10[%swap3A_229, %swap3A_230] {strides = array<i32>} : memref<16x128xf32, #tpu.memory_space<vmem>>, vector<1x16xf32>,
      %swap3A_232 = vector.shape_cast %swap3A_231 : vector<1x16xf32> to vector<16xf32>
      %swap3A_233 = vector.shape_cast %add3A_227 : vector<16xf32> to vector<1x16xf32>
      tpu.vector_store %arg10[%swap3A_229, %swap3A_230], %swap3A_233 {strides = array<i32>} : memref<16x128xf32, #tpu.memory_space<vmem>>, vector<1x16xf32>,
      %get3A_234 = arith.constant 1 : i32
      %get3A_235 = arith.index_cast %get3A_234 : i32 to index
      %get3A_236 = arith.constant 80 : index
      %get3A_237 = tpu.vector_load %arg10[%get3A_235, %get3A_236] {strides = array<i32>} : memref<16x128xf32, #tpu.memory_space<vmem>>, vector<1x16xf32>,
      %get3A_238 = vector.shape_cast %get3A_237 : vector<1x16xf32> to vector<16xf32>
      %get3A_239 = arith.constant 1 : i32
      %get3A_240 = arith.index_cast %get3A_239 : i32 to index
      %get3A_241 = arith.constant 80 : index
      %get3A_242 = tpu.vector_load %arg9[%get3A_240, %get3A_241] {strides = array<i32>} : memref<16x128xf32, #tpu.memory_space<vmem>>, vector<1x16xf32>,
      %get3A_243 = vector.shape_cast %get3A_242 : vector<1x16xf32> to vector<16xf32>
      %add3A_244 = arith.addf %get3A_238, %get3A_243 : vector<16xf32>
      %swap3A_245 = arith.constant 1 : i32
      %swap3A_246 = arith.index_cast %swap3A_245 : i32 to index
      %swap3A_247 = arith.constant 80 : index
      %swap3A_248 = tpu.vector_load %arg10[%swap3A_246, %swap3A_247] {strides = array<i32>} : memref<16x128xf32, #tpu.memory_space<vmem>>, vector<1x16xf32>,
      %swap3A_249 = vector.shape_cast %swap3A_248 : vector<1x16xf32> to vector<16xf32>
      %swap3A_250 = vector.shape_cast %add3A_244 : vector<16xf32> to vector<1x16xf32>
      tpu.vector_store %arg10[%swap3A_246, %swap3A_247], %swap3A_250 {strides = array<i32>} : memref<16x128xf32, #tpu.memory_space<vmem>>, vector<1x16xf32>,
      %get3A_251 = arith.constant 1 : i32
      %get3A_252 = arith.index_cast %get3A_251 : i32 to index
      %get3A_253 = arith.constant 96 : index
      %get3A_254 = tpu.vector_load %arg10[%get3A_252, %get3A_253] {strides = array<i32>} : memref<16x128xf32, #tpu.memory_space<vmem>>, vector<1x16xf32>,
      %get3A_255 = vector.shape_cast %get3A_254 : vector<1x16xf32> to vector<16xf32>
      %get3A_256 = arith.constant 1 : i32
      %get3A_257 = arith.index_cast %get3A_256 : i32 to index
      %get3A_258 = arith.constant 96 : index
      %get3A_259 = tpu.vector_load %arg9[%get3A_257, %get3A_258] {strides = array<i32>} : memref<16x128xf32, #tpu.memory_space<vmem>>, vector<1x16xf32>,
      %get3A_260 = vector.shape_cast %get3A_259 : vector<1x16xf32> to vector<16xf32>
      %add3A_261 = arith.addf %get3A_255, %get3A_260 : vector<16xf32>
      %swap3A_262 = arith.constant 1 : i32
      %swap3A_263 = arith.index_cast %swap3A_262 : i32 to index
      %swap3A_264 = arith.constant 96 : index
      %swap3A_265 = tpu.vector_load %arg10[%swap3A_263, %swap3A_264] {strides = array<i32>} : memref<16x128xf32, #tpu.memory_space<vmem>>, vector<1x16xf32>,
      %swap3A_266 = vector.shape_cast %swap3A_265 : vector<1x16xf32> to vector<16xf32>
      %swap3A_267 = vector.shape_cast %add3A_261 : vector<16xf32> to vector<1x16xf32>
      tpu.vector_store %arg10[%swap3A_263, %swap3A_264], %swap3A_267 {strides = array<i32>} : memref<16x128xf32, #tpu.memory_space<vmem>>, vector<1x16xf32>,
      %get3A_268 = arith.constant 1 : i32
      %get3A_269 = arith.index_cast %get3A_268 : i32 to index
      %get3A_270 = arith.constant 112 : index
      %get3A_271 = tpu.vector_load %arg10[%get3A_269, %get3A_270] {strides = array<i32>} : memref<16x128xf32, #tpu.memory_space<vmem>>, vector<1x16xf32>,
      %get3A_272 = vector.shape_cast %get3A_271 : vector<1x16xf32> to vector<16xf32>
      %get3A_273 = arith.constant 1 : i32
      %get3A_274 = arith.index_cast %get3A_273 : i32 to index
      %get3A_275 = arith.constant 112 : index
      %get3A_276 = tpu.vector_load %arg9[%get3A_274, %get3A_275] {strides = array<i32>} : memref<16x128xf32, #tpu.memory_space<vmem>>, vector<1x16xf32>,
      %get3A_277 = vector.shape_cast %get3A_276 : vector<1x16xf32> to vector<16xf32>
      %add3A_278 = arith.addf %get3A_272, %get3A_277 : vector<16xf32>
      %swap3A_279 = arith.constant 1 : i32
      %swap3A_280 = arith.index_cast %swap3A_279 : i32 to index
      %swap3A_281 = arith.constant 112 : index
      %swap3A_282 = tpu.vector_load %arg10[%swap3A_280, %swap3A_281] {strides = array<i32>} : memref<16x128xf32, #tpu.memory_space<vmem>>, vector<1x16xf32>,
      %swap3A_283 = vector.shape_cast %swap3A_282 : vector<1x16xf32> to vector<16xf32>
      %swap3A_284 = vector.shape_cast %add3A_278 : vector<16xf32> to vector<1x16xf32>
      tpu.vector_store %arg10[%swap3A_280, %swap3A_281], %swap3A_284 {strides = array<i32>} : memref<16x128xf32, #tpu.memory_space<vmem>>, vector<1x16xf32>,
      %get3A_285 = arith.constant 2 : i32
      %get3A_286 = arith.index_cast %get3A_285 : i32 to index
      %get3A_287 = arith.constant 0 : index
      %get3A_288 = tpu.vector_load %arg10[%get3A_286, %get3A_287] {strides = array<i32>} : memref<16x128xf32, #tpu.memory_space<vmem>>, vector<1x16xf32>,
      %get3A_289 = vector.shape_cast %get3A_288 : vector<1x16xf32> to vector<16xf32>
      %get3A_290 = arith.constant 2 : i32
      %get3A_291 = arith.index_cast %get3A_290 : i32 to index
      %get3A_292 = arith.constant 0 : index
      %get3A_293 = tpu.vector_load %arg9[%get3A_291, %get3A_292] {strides = array<i32>} : memref<16x128xf32, #tpu.memory_space<vmem>>, vector<1x16xf32>,
      %get3A_294 = vector.shape_cast %get3A_293 : vector<1x16xf32> to vector<16xf32>
      %add3A_295 = arith.addf %get3A_289, %get3A_294 : vector<16xf32>
      %swap3A_296 = arith.constant 2 : i32
      %swap3A_297 = arith.index_cast %swap3A_296 : i32 to index
      %swap3A_298 = arith.constant 0 : index
      %swap3A_299 = tpu.vector_load %arg10[%swap3A_297, %swap3A_298] {strides = array<i32>} : memref<16x128xf32, #tpu.memory_space<vmem>>, vector<1x16xf32>,
      %swap3A_300 = vector.shape_cast %swap3A_299 : vector<1x16xf32> to vector<16xf32>
      %swap3A_301 = vector.shape_cast %add3A_295 : vector<16xf32> to vector<1x16xf32>
      tpu.vector_store %arg10[%swap3A_297, %swap3A_298], %swap3A_301 {strides = array<i32>} : memref<16x128xf32, #tpu.memory_space<vmem>>, vector<1x16xf32>,
      %get3A_302 = arith.constant 2 : i32
      %get3A_303 = arith.index_cast %get3A_302 : i32 to index
      %get3A_304 = arith.constant 16 : index
      %get3A_305 = tpu.vector_load %arg10[%get3A_303, %get3A_304] {strides = array<i32>} : memref<16x128xf32, #tpu.memory_space<vmem>>, vector<1x16xf32>,
      %get3A_306 = vector.shape_cast %get3A_305 : vector<1x16xf32> to vector<16xf32>
      %get3A_307 = arith.constant 2 : i32
      %get3A_308 = arith.index_cast %get3A_307 : i32 to index
      %get3A_309 = arith.constant 16 : index
      %get3A_310 = tpu.vector_load %arg9[%get3A_308, %get3A_309] {strides = array<i32>} : memref<16x128xf32, #tpu.memory_space<vmem>>, vector<1x16xf32>,
      %get3A_311 = vector.shape_cast %get3A_310 : vector<1x16xf32> to vector<16xf32>
      %add3A_312 = arith.addf %get3A_306, %get3A_311 : vector<16xf32>
      %swap3A_313 = arith.constant 2 : i32
      %swap3A_314 = arith.index_cast %swap3A_313 : i32 to index
      %swap3A_315 = arith.constant 16 : index
      %swap3A_316 = tpu.vector_load %arg10[%swap3A_314, %swap3A_315] {strides = array<i32>} : memref<16x128xf32, #tpu.memory_space<vmem>>, vector<1x16xf32>,
      %swap3A_317 = vector.shape_cast %swap3A_316 : vector<1x16xf32> to vector<16xf32>
      %swap3A_318 = vector.shape_cast %add3A_312 : vector<16xf32> to vector<1x16xf32>
      tpu.vector_store %arg10[%swap3A_314, %swap3A_315], %swap3A_318 {strides = array<i32>} : memref<16x128xf32, #tpu.memory_space<vmem>>, vector<1x16xf32>,
      %get3A_319 = arith.constant 2 : i32
      %get3A_320 = arith.index_cast %get3A_319 : i32 to index
      %get3A_321 = arith.constant 32 : index
      %get3A_322 = tpu.vector_load %arg10[%get3A_320, %get3A_321] {strides = array<i32>} : memref<16x128xf32, #tpu.memory_space<vmem>>, vector<1x16xf32>,
      %get3A_323 = vector.shape_cast %get3A_322 : vector<1x16xf32> to vector<16xf32>
      %get3A_324 = arith.constant 2 : i32
      %get3A_325 = arith.index_cast %get3A_324 : i32 to index
      %get3A_326 = arith.constant 32 : index
      %get3A_327 = tpu.vector_load %arg9[%get3A_325, %get3A_326] {strides = array<i32>} : memref<16x128xf32, #tpu.memory_space<vmem>>, vector<1x16xf32>,
      %get3A_328 = vector.shape_cast %get3A_327 : vector<1x16xf32> to vector<16xf32>
      %add3A_329 = arith.addf %get3A_323, %get3A_328 : vector<16xf32>
      %swap3A_330 = arith.constant 2 : i32
      %swap3A_331 = arith.index_cast %swap3A_330 : i32 to index
      %swap3A_332 = arith.constant 32 : index
      %swap3A_333 = tpu.vector_load %arg10[%swap3A_331, %swap3A_332] {strides = array<i32>} : memref<16x128xf32, #tpu.memory_space<vmem>>, vector<1x16xf32>,
      %swap3A_334 = vector.shape_cast %swap3A_333 : vector<1x16xf32> to vector<16xf32>
      %swap3A_335 = vector.shape_cast %add3A_329 : vector<16xf32> to vector<1x16xf32>
      tpu.vector_store %arg10[%swap3A_331, %swap3A_332], %swap3A_335 {strides = array<i32>} : memref<16x128xf32, #tpu.memory_space<vmem>>, vector<1x16xf32>,
      %get3A_336 = arith.constant 2 : i32
      %get3A_337 = arith.index_cast %get3A_336 : i32 to index
      %get3A_338 = arith.constant 48 : index
      %get3A_339 = tpu.vector_load %arg10[%get3A_337, %get3A_338] {strides = array<i32>} : memref<16x128xf32, #tpu.memory_space<vmem>>, vector<1x16xf32>,
      %get3A_340 = vector.shape_cast %get3A_339 : vector<1x16xf32> to vector<16xf32>
      %get3A_341 = arith.constant 2 : i32
      %get3A_342 = arith.index_cast %get3A_341 : i32 to index
      %get3A_343 = arith.constant 48 : index
      %get3A_344 = tpu.vector_load %arg9[%get3A_342, %get3A_343] {strides = array<i32>} : memref<16x128xf32, #tpu.memory_space<vmem>>, vector<1x16xf32>,
      %get3A_345 = vector.shape_cast %get3A_344 : vector<1x16xf32> to vector<16xf32>
      %add3A_346 = arith.addf %get3A_340, %get3A_345 : vector<16xf32>
      %swap3A_347 = arith.constant 2 : i32
      %swap3A_348 = arith.index_cast %swap3A_347 : i32 to index
      %swap3A_349 = arith.constant 48 : index
      %swap3A_350 = tpu.vector_load %arg10[%swap3A_348, %swap3A_349] {strides = array<i32>} : memref<16x128xf32, #tpu.memory_space<vmem>>, vector<1x16xf32>,
      %swap3A_351 = vector.shape_cast %swap3A_350 : vector<1x16xf32> to vector<16xf32>
      %swap3A_352 = vector.shape_cast %add3A_346 : vector<16xf32> to vector<1x16xf32>
      tpu.vector_store %arg10[%swap3A_348, %swap3A_349], %swap3A_352 {strides = array<i32>} : memref<16x128xf32, #tpu.memory_space<vmem>>, vector<1x16xf32>,
      %get3A_353 = arith.constant 2 : i32
      %get3A_354 = arith.index_cast %get3A_353 : i32 to index
      %get3A_355 = arith.constant 64 : index
      %get3A_356 = tpu.vector_load %arg10[%get3A_354, %get3A_355] {strides = array<i32>} : memref<16x128xf32, #tpu.memory_space<vmem>>, vector<1x16xf32>,
      %get3A_357 = vector.shape_cast %get3A_356 : vector<1x16xf32> to vector<16xf32>
      %get3A_358 = arith.constant 2 : i32
      %get3A_359 = arith.index_cast %get3A_358 : i32 to index
      %get3A_360 = arith.constant 64 : index
      %get3A_361 = tpu.vector_load %arg9[%get3A_359, %get3A_360] {strides = array<i32>} : memref<16x128xf32, #tpu.memory_space<vmem>>, vector<1x16xf32>,
      %get3A_362 = vector.shape_cast %get3A_361 : vector<1x16xf32> to vector<16xf32>
      %add3A_363 = arith.addf %get3A_357, %get3A_362 : vector<16xf32>
      %swap3A_364 = arith.constant 2 : i32
      %swap3A_365 = arith.index_cast %swap3A_364 : i32 to index
      %swap3A_366 = arith.constant 64 : index
      %swap3A_367 = tpu.vector_load %arg10[%swap3A_365, %swap3A_366] {strides = array<i32>} : memref<16x128xf32, #tpu.memory_space<vmem>>, vector<1x16xf32>,
      %swap3A_368 = vector.shape_cast %swap3A_367 : vector<1x16xf32> to vector<16xf32>
      %swap3A_369 = vector.shape_cast %add3A_363 : vector<16xf32> to vector<1x16xf32>
      tpu.vector_store %arg10[%swap3A_365, %swap3A_366], %swap3A_369 {strides = array<i32>} : memref<16x128xf32, #tpu.memory_space<vmem>>, vector<1x16xf32>,
      %get3A_370 = arith.constant 2 : i32
      %get3A_371 = arith.index_cast %get3A_370 : i32 to index
      %get3A_372 = arith.constant 80 : index
      %get3A_373 = tpu.vector_load %arg10[%get3A_371, %get3A_372] {strides = array<i32>} : memref<16x128xf32, #tpu.memory_space<vmem>>, vector<1x16xf32>,
      %get3A_374 = vector.shape_cast %get3A_373 : vector<1x16xf32> to vector<16xf32>
      %get3A_375 = arith.constant 2 : i32
      %get3A_376 = arith.index_cast %get3A_375 : i32 to index
      %get3A_377 = arith.constant 80 : index
      %get3A_378 = tpu.vector_load %arg9[%get3A_376, %get3A_377] {strides = array<i32>} : memref<16x128xf32, #tpu.memory_space<vmem>>, vector<1x16xf32>,
      %get3A_379 = vector.shape_cast %get3A_378 : vector<1x16xf32> to vector<16xf32>
      %add3A_380 = arith.addf %get3A_374, %get3A_379 : vector<16xf32>
      %swap3A_381 = arith.constant 2 : i32
      %swap3A_382 = arith.index_cast %swap3A_381 : i32 to index
      %swap3A_383 = arith.constant 80 : index
      %swap3A_384 = tpu.vector_load %arg10[%swap3A_382, %swap3A_383] {strides = array<i32>} : memref<16x128xf32, #tpu.memory_space<vmem>>, vector<1x16xf32>,
      %swap3A_385 = vector.shape_cast %swap3A_384 : vector<1x16xf32> to vector<16xf32>
      %swap3A_386 = vector.shape_cast %add3A_380 : vector<16xf32> to vector<1x16xf32>
      tpu.vector_store %arg10[%swap3A_382, %swap3A_383], %swap3A_386 {strides = array<i32>} : memref<16x128xf32, #tpu.memory_space<vmem>>, vector<1x16xf32>,
      %get3A_387 = arith.constant 2 : i32
      %get3A_388 = arith.index_cast %get3A_387 : i32 to index
      %get3A_389 = arith.constant 96 : index
      %get3A_390 = tpu.vector_load %arg10[%get3A_388, %get3A_389] {strides = array<i32>} : memref<16x128xf32, #tpu.memory_space<vmem>>, vector<1x16xf32>,
      %get3A_391 = vector.shape_cast %get3A_390 : vector<1x16xf32> to vector<16xf32>
      %get3A_392 = arith.constant 2 : i32
      %get3A_393 = arith.index_cast %get3A_392 : i32 to index
      %get3A_394 = arith.constant 96 : index
      %get3A_395 = tpu.vector_load %arg9[%get3A_393, %get3A_394] {strides = array<i32>} : memref<16x128xf32, #tpu.memory_space<vmem>>, vector<1x16xf32>,
      %get3A_396 = vector.shape_cast %get3A_395 : vector<1x16xf32> to vector<16xf32>
      %add3A_397 = arith.addf %get3A_391, %get3A_396 : vector<16xf32>
      %swap3A_398 = arith.constant 2 : i32
      %swap3A_399 = arith.index_cast %swap3A_398 : i32 to index
      %swap3A_400 = arith.constant 96 : index
      %swap3A_401 = tpu.vector_load %arg10[%swap3A_399, %swap3A_400] {strides = array<i32>} : memref<16x128xf32, #tpu.memory_space<vmem>>, vector<1x16xf32>,
      %swap3A_402 = vector.shape_cast %swap3A_401 : vector<1x16xf32> to vector<16xf32>
      %swap3A_403 = vector.shape_cast %add3A_397 : vector<16xf32> to vector<1x16xf32>
      tpu.vector_store %arg10[%swap3A_399, %swap3A_400], %swap3A_403 {strides = array<i32>} : memref<16x128xf32, #tpu.memory_space<vmem>>, vector<1x16xf32>,
      %get3A_404 = arith.constant 2 : i32
      %get3A_405 = arith.index_cast %get3A_404 : i32 to index
      %get3A_406 = arith.constant 112 : index
      %get3A_407 = tpu.vector_load %arg10[%get3A_405, %get3A_406] {strides = array<i32>} : memref<16x128xf32, #tpu.memory_space<vmem>>, vector<1x16xf32>,
      %get3A_408 = vector.shape_cast %get3A_407 : vector<1x16xf32> to vector<16xf32>
      %get3A_409 = arith.constant 2 : i32
      %get3A_410 = arith.index_cast %get3A_409 : i32 to index
      %get3A_411 = arith.constant 112 : index
      %get3A_412 = tpu.vector_load %arg9[%get3A_410, %get3A_411] {strides = array<i32>} : memref<16x128xf32, #tpu.memory_space<vmem>>, vector<1x16xf32>,
      %get3A_413 = vector.shape_cast %get3A_412 : vector<1x16xf32> to vector<16xf32>
      %add3A_414 = arith.addf %get3A_408, %get3A_413 : vector<16xf32>
      %swap3A_415 = arith.constant 2 : i32
      %swap3A_416 = arith.index_cast %swap3A_415 : i32 to index
      %swap3A_417 = arith.constant 112 : index
      %swap3A_418 = tpu.vector_load %arg10[%swap3A_416, %swap3A_417] {strides = array<i32>} : memref<16x128xf32, #tpu.memory_space<vmem>>, vector<1x16xf32>,
      %swap3A_419 = vector.shape_cast %swap3A_418 : vector<1x16xf32> to vector<16xf32>
      %swap3A_420 = vector.shape_cast %add3A_414 : vector<16xf32> to vector<1x16xf32>
      tpu.vector_store %arg10[%swap3A_416, %swap3A_417], %swap3A_420 {strides = array<i32>} : memref<16x128xf32, #tpu.memory_space<vmem>>, vector<1x16xf32>,
      %get3A_421 = arith.constant 3 : i32
      %get3A_422 = arith.index_cast %get3A_421 : i32 to index
      %get3A_423 = arith.constant 0 : index
      %get3A_424 = tpu.vector_load %arg10[%get3A_422, %get3A_423] {strides = array<i32>} : memref<16x128xf32, #tpu.memory_space<vmem>>, vector<1x16xf32>,
      %get3A_425 = vector.shape_cast %get3A_424 : vector<1x16xf32> to vector<16xf32>
      %get3A_426 = arith.constant 3 : i32
      %get3A_427 = arith.index_cast %get3A_426 : i32 to index
      %get3A_428 = arith.constant 0 : index
      %get3A_429 = tpu.vector_load %arg9[%get3A_427, %get3A_428] {strides = array<i32>} : memref<16x128xf32, #tpu.memory_space<vmem>>, vector<1x16xf32>,
      %get3A_430 = vector.shape_cast %get3A_429 : vector<1x16xf32> to vector<16xf32>
      %add3A_431 = arith.addf %get3A_425, %get3A_430 : vector<16xf32>
      %swap3A_432 = arith.constant 3 : i32
      %swap3A_433 = arith.index_cast %swap3A_432 : i32 to index
      %swap3A_434 = arith.constant 0 : index
      %swap3A_435 = tpu.vector_load %arg10[%swap3A_433, %swap3A_434] {strides = array<i32>} : memref<16x128xf32, #tpu.memory_space<vmem>>, vector<1x16xf32>,
      %swap3A_436 = vector.shape_cast %swap3A_435 : vector<1x16xf32> to vector<16xf32>
      %swap3A_437 = vector.shape_cast %add3A_431 : vector<16xf32> to vector<1x16xf32>
      tpu.vector_store %arg10[%swap3A_433, %swap3A_434], %swap3A_437 {strides = array<i32>} : memref<16x128xf32, #tpu.memory_space<vmem>>, vector<1x16xf32>,
      %get3A_438 = arith.constant 3 : i32
      %get3A_439 = arith.index_cast %get3A_438 : i32 to index
      %get3A_440 = arith.constant 16 : index
      %get3A_441 = tpu.vector_load %arg10[%get3A_439, %get3A_440] {strides = array<i32>} : memref<16x128xf32, #tpu.memory_space<vmem>>, vector<1x16xf32>,
      %get3A_442 = vector.shape_cast %get3A_441 : vector<1x16xf32> to vector<16xf32>
      %get3A_443 = arith.constant 3 : i32
      %get3A_444 = arith.index_cast %get3A_443 : i32 to index
      %get3A_445 = arith.constant 16 : index
      %get3A_446 = tpu.vector_load %arg9[%get3A_444, %get3A_445] {strides = array<i32>} : memref<16x128xf32, #tpu.memory_space<vmem>>, vector<1x16xf32>,
      %get3A_447 = vector.shape_cast %get3A_446 : vector<1x16xf32> to vector<16xf32>
      %add3A_448 = arith.addf %get3A_442, %get3A_447 : vector<16xf32>
      %swap3A_449 = arith.constant 3 : i32
      %swap3A_450 = arith.index_cast %swap3A_449 : i32 to index
      %swap3A_451 = arith.constant 16 : index
      %swap3A_452 = tpu.vector_load %arg10[%swap3A_450, %swap3A_451] {strides = array<i32>} : memref<16x128xf32, #tpu.memory_space<vmem>>, vector<1x16xf32>,
      %swap3A_453 = vector.shape_cast %swap3A_452 : vector<1x16xf32> to vector<16xf32>
      %swap3A_454 = vector.shape_cast %add3A_448 : vector<16xf32> to vector<1x16xf32>
      tpu.vector_store %arg10[%swap3A_450, %swap3A_451], %swap3A_454 {strides = array<i32>} : memref<16x128xf32, #tpu.memory_space<vmem>>, vector<1x16xf32>,
      %get3A_455 = arith.constant 3 : i32
      %get3A_456 = arith.index_cast %get3A_455 : i32 to index
      %get3A_457 = arith.constant 32 : index
      %get3A_458 = tpu.vector_load %arg10[%get3A_456, %get3A_457] {strides = array<i32>} : memref<16x128xf32, #tpu.memory_space<vmem>>, vector<1x16xf32>,
      %get3A_459 = vector.shape_cast %get3A_458 : vector<1x16xf32> to vector<16xf32>
      %get3A_460 = arith.constant 3 : i32
      %get3A_461 = arith.index_cast %get3A_460 : i32 to index
      %get3A_462 = arith.constant 32 : index
      %get3A_463 = tpu.vector_load %arg9[%get3A_461, %get3A_462] {strides = array<i32>} : memref<16x128xf32, #tpu.memory_space<vmem>>, vector<1x16xf32>,
      %get3A_464 = vector.shape_cast %get3A_463 : vector<1x16xf32> to vector<16xf32>
      %add3A_465 = arith.addf %get3A_459, %get3A_464 : vector<16xf32>
      %swap3A_466 = arith.constant 3 : i32
      %swap3A_467 = arith.index_cast %swap3A_466 : i32 to index
      %swap3A_468 = arith.constant 32 : index
      %swap3A_469 = tpu.vector_load %arg10[%swap3A_467, %swap3A_468] {strides = array<i32>} : memref<16x128xf32, #tpu.memory_space<vmem>>, vector<1x16xf32>,
      %swap3A_470 = vector.shape_cast %swap3A_469 : vector<1x16xf32> to vector<16xf32>
      %swap3A_471 = vector.shape_cast %add3A_465 : vector<16xf32> to vector<1x16xf32>
      tpu.vector_store %arg10[%swap3A_467, %swap3A_468], %swap3A_471 {strides = array<i32>} : memref<16x128xf32, #tpu.memory_space<vmem>>, vector<1x16xf32>,
      %get3A_472 = arith.constant 3 : i32
      %get3A_473 = arith.index_cast %get3A_472 : i32 to index
      %get3A_474 = arith.constant 48 : index
      %get3A_475 = tpu.vector_load %arg10[%get3A_473, %get3A_474] {strides = array<i32>} : memref<16x128xf32, #tpu.memory_space<vmem>>, vector<1x16xf32>,
      %get3A_476 = vector.shape_cast %get3A_475 : vector<1x16xf32> to vector<16xf32>
      %get3A_477 = arith.constant 3 : i32
      %get3A_478 = arith.index_cast %get3A_477 : i32 to index
      %get3A_479 = arith.constant 48 : index
      %get3A_480 = tpu.vector_load %arg9[%get3A_478, %get3A_479] {strides = array<i32>} : memref<16x128xf32, #tpu.memory_space<vmem>>, vector<1x16xf32>,
      %get3A_481 = vector.shape_cast %get3A_480 : vector<1x16xf32> to vector<16xf32>
      %add3A_482 = arith.addf %get3A_476, %get3A_481 : vector<16xf32>
      %swap3A_483 = arith.constant 3 : i32
      %swap3A_484 = arith.index_cast %swap3A_483 : i32 to index
      %swap3A_485 = arith.constant 48 : index
      %swap3A_486 = tpu.vector_load %arg10[%swap3A_484, %swap3A_485] {strides = array<i32>} : memref<16x128xf32, #tpu.memory_space<vmem>>, vector<1x16xf32>,
      %swap3A_487 = vector.shape_cast %swap3A_486 : vector<1x16xf32> to vector<16xf32>
      %swap3A_488 = vector.shape_cast %add3A_482 : vector<16xf32> to vector<1x16xf32>
      tpu.vector_store %arg10[%swap3A_484, %swap3A_485], %swap3A_488 {strides = array<i32>} : memref<16x128xf32, #tpu.memory_space<vmem>>, vector<1x16xf32>,
      %get3A_489 = arith.constant 3 : i32
      %get3A_490 = arith.index_cast %get3A_489 : i32 to index
      %get3A_491 = arith.constant 64 : index
      %get3A_492 = tpu.vector_load %arg10[%get3A_490, %get3A_491] {strides = array<i32>} : memref<16x128xf32, #tpu.memory_space<vmem>>, vector<1x16xf32>,
      %get3A_493 = vector.shape_cast %get3A_492 : vector<1x16xf32> to vector<16xf32>
      %get3A_494 = arith.constant 3 : i32
      %get3A_495 = arith.index_cast %get3A_494 : i32 to index
      %get3A_496 = arith.constant 64 : index
      %get3A_497 = tpu.vector_load %arg9[%get3A_495, %get3A_496] {strides = array<i32>} : memref<16x128xf32, #tpu.memory_space<vmem>>, vector<1x16xf32>,
      %get3A_498 = vector.shape_cast %get3A_497 : vector<1x16xf32> to vector<16xf32>
      %add3A_499 = arith.addf %get3A_493, %get3A_498 : vector<16xf32>
      %swap3A_500 = arith.constant 3 : i32
      %swap3A_501 = arith.index_cast %swap3A_500 : i32 to index
      %swap3A_502 = arith.constant 64 : index
      %swap3A_503 = tpu.vector_load %arg10[%swap3A_501, %swap3A_502] {strides = array<i32>} : memref<16x128xf32, #tpu.memory_space<vmem>>, vector<1x16xf32>,
      %swap3A_504 = vector.shape_cast %swap3A_503 : vector<1x16xf32> to vector<16xf32>
      %swap3A_505 = vector.shape_cast %add3A_499 : vector<16xf32> to vector<1x16xf32>
      tpu.vector_store %arg10[%swap3A_501, %swap3A_502], %swap3A_505 {strides = array<i32>} : memref<16x128xf32, #tpu.memory_space<vmem>>, vector<1x16xf32>,
      %get3A_506 = arith.constant 3 : i32
      %get3A_507 = arith.index_cast %get3A_506 : i32 to index
      %get3A_508 = arith.constant 80 : index
      %get3A_509 = tpu.vector_load %arg10[%get3A_507, %get3A_508] {strides = array<i32>} : memref<16x128xf32, #tpu.memory_space<vmem>>, vector<1x16xf32>,
      %get3A_510 = vector.shape_cast %get3A_509 : vector<1x16xf32> to vector<16xf32>
      %get3A_511 = arith.constant 3 : i32
      %get3A_512 = arith.index_cast %get3A_511 : i32 to index
      %get3A_513 = arith.constant 80 : index
      %get3A_514 = tpu.vector_load %arg9[%get3A_512, %get3A_513] {strides = array<i32>} : memref<16x128xf32, #tpu.memory_space<vmem>>, vector<1x16xf32>,
      %get3A_515 = vector.shape_cast %get3A_514 : vector<1x16xf32> to vector<16xf32>
      %add3A_516 = arith.addf %get3A_510, %get3A_515 : vector<16xf32>
      %swap3A_517 = arith.constant 3 : i32
      %swap3A_518 = arith.index_cast %swap3A_517 : i32 to index
      %swap3A_519 = arith.constant 80 : index
      %swap3A_520 = tpu.vector_load %arg10[%swap3A_518, %swap3A_519] {strides = array<i32>} : memref<16x128xf32, #tpu.memory_space<vmem>>, vector<1x16xf32>,
      %swap3A_521 = vector.shape_cast %swap3A_520 : vector<1x16xf32> to vector<16xf32>
      %swap3A_522 = vector.shape_cast %add3A_516 : vector<16xf32> to vector<1x16xf32>
      tpu.vector_store %arg10[%swap3A_518, %swap3A_519], %swap3A_522 {strides = array<i32>} : memref<16x128xf32, #tpu.memory_space<vmem>>, vector<1x16xf32>,
      %get3A_523 = arith.constant 3 : i32
      %get3A_524 = arith.index_cast %get3A_523 : i32 to index
      %get3A_525 = arith.constant 96 : index
      %get3A_526 = tpu.vector_load %arg10[%get3A_524, %get3A_525] {strides = array<i32>} : memref<16x128xf32, #tpu.memory_space<vmem>>, vector<1x16xf32>,
      %get3A_527 = vector.shape_cast %get3A_526 : vector<1x16xf32> to vector<16xf32>
      %get3A_528 = arith.constant 3 : i32
      %get3A_529 = arith.index_cast %get3A_528 : i32 to index
      %get3A_530 = arith.constant 96 : index
      %get3A_531 = tpu.vector_load %arg9[%get3A_529, %get3A_530] {strides = array<i32>} : memref<16x128xf32, #tpu.memory_space<vmem>>, vector<1x16xf32>,
      %get3A_532 = vector.shape_cast %get3A_531 : vector<1x16xf32> to vector<16xf32>
      %add3A_533 = arith.addf %get3A_527, %get3A_532 : vector<16xf32>
      %swap3A_534 = arith.constant 3 : i32
      %swap3A_535 = arith.index_cast %swap3A_534 : i32 to index
      %swap3A_536 = arith.constant 96 : index
      %swap3A_537 = tpu.vector_load %arg10[%swap3A_535, %swap3A_536] {strides = array<i32>} : memref<16x128xf32, #tpu.memory_space<vmem>>, vector<1x16xf32>,
      %swap3A_538 = vector.shape_cast %swap3A_537 : vector<1x16xf32> to vector<16xf32>
      %swap3A_539 = vector.shape_cast %add3A_533 : vector<16xf32> to vector<1x16xf32>
      tpu.vector_store %arg10[%swap3A_535, %swap3A_536], %swap3A_539 {strides = array<i32>} : memref<16x128xf32, #tpu.memory_space<vmem>>, vector<1x16xf32>,
      %get3A_540 = arith.constant 3 : i32
      %get3A_541 = arith.index_cast %get3A_540 : i32 to index
      %get3A_542 = arith.constant 112 : index
      %get3A_543 = tpu.vector_load %arg10[%get3A_541, %get3A_542] {strides = array<i32>} : memref<16x128xf32, #tpu.memory_space<vmem>>, vector<1x16xf32>,
      %get3A_544 = vector.shape_cast %get3A_543 : vector<1x16xf32> to vector<16xf32>
      %get3A_545 = arith.constant 3 : i32
      %get3A_546 = arith.index_cast %get3A_545 : i32 to index
      %get3A_547 = arith.constant 112 : index
      %get3A_548 = tpu.vector_load %arg9[%get3A_546, %get3A_547] {strides = array<i32>} : memref<16x128xf32, #tpu.memory_space<vmem>>, vector<1x16xf32>,
      %get3A_549 = vector.shape_cast %get3A_548 : vector<1x16xf32> to vector<16xf32>
      %add3A_550 = arith.addf %get3A_544, %get3A_549 : vector<16xf32>
      %swap3A_551 = arith.constant 3 : i32
      %swap3A_552 = arith.index_cast %swap3A_551 : i32 to index
      %swap3A_553 = arith.constant 112 : index
      %swap3A_554 = tpu.vector_load %arg10[%swap3A_552, %swap3A_553] {strides = array<i32>} : memref<16x128xf32, #tpu.memory_space<vmem>>, vector<1x16xf32>,
      %swap3A_555 = vector.shape_cast %swap3A_554 : vector<1x16xf32> to vector<16xf32>
      %swap3A_556 = vector.shape_cast %add3A_550 : vector<16xf32> to vector<1x16xf32>
      tpu.vector_store %arg10[%swap3A_552, %swap3A_553], %swap3A_556 {strides = array<i32>} : memref<16x128xf32, #tpu.memory_space<vmem>>, vector<1x16xf32>,
      %get3A_557 = arith.constant 4 : i32
      %get3A_558 = arith.index_cast %get3A_557 : i32 to index
      %get3A_559 = arith.constant 0 : index
      %get3A_560 = tpu.vector_load %arg10[%get3A_558, %get3A_559] {strides = array<i32>} : memref<16x128xf32, #tpu.memory_space<vmem>>, vector<1x16xf32>,
      %get3A_561 = vector.shape_cast %get3A_560 : vector<1x16xf32> to vector<16xf32>
      %get3A_562 = arith.constant 4 : i32
      %get3A_563 = arith.index_cast %get3A_562 : i32 to index
      %get3A_564 = arith.constant 0 : index
      %get3A_565 = tpu.vector_load %arg9[%get3A_563, %get3A_564] {strides = array<i32>} : memref<16x128xf32, #tpu.memory_space<vmem>>, vector<1x16xf32>,
      %get3A_566 = vector.shape_cast %get3A_565 : vector<1x16xf32> to vector<16xf32>
      %add3A_567 = arith.addf %get3A_561, %get3A_566 : vector<16xf32>
      %swap3A_568 = arith.constant 4 : i32
      %swap3A_569 = arith.index_cast %swap3A_568 : i32 to index
      %swap3A_570 = arith.constant 0 : index
      %swap3A_571 = tpu.vector_load %arg10[%swap3A_569, %swap3A_570] {strides = array<i32>} : memref<16x128xf32, #tpu.memory_space<vmem>>, vector<1x16xf32>,
      %swap3A_572 = vector.shape_cast %swap3A_571 : vector<1x16xf32> to vector<16xf32>
      %swap3A_573 = vector.shape_cast %add3A_567 : vector<16xf32> to vector<1x16xf32>
      tpu.vector_store %arg10[%swap3A_569, %swap3A_570], %swap3A_573 {strides = array<i32>} : memref<16x128xf32, #tpu.memory_space<vmem>>, vector<1x16xf32>,
      %get3A_574 = arith.constant 4 : i32
      %get3A_575 = arith.index_cast %get3A_574 : i32 to index
      %get3A_576 = arith.constant 16 : index
      %get3A_577 = tpu.vector_load %arg10[%get3A_575, %get3A_576] {strides = array<i32>} : memref<16x128xf32, #tpu.memory_space<vmem>>, vector<1x16xf32>,
      %get3A_578 = vector.shape_cast %get3A_577 : vector<1x16xf32> to vector<16xf32>
      %get3A_579 = arith.constant 4 : i32
      %get3A_580 = arith.index_cast %get3A_579 : i32 to index
      %get3A_581 = arith.constant 16 : index
      %get3A_582 = tpu.vector_load %arg9[%get3A_580, %get3A_581] {strides = array<i32>} : memref<16x128xf32, #tpu.memory_space<vmem>>, vector<1x16xf32>,
      %get3A_583 = vector.shape_cast %get3A_582 : vector<1x16xf32> to vector<16xf32>
      %add3A_584 = arith.addf %get3A_578, %get3A_583 : vector<16xf32>
      %swap3A_585 = arith.constant 4 : i32
      %swap3A_586 = arith.index_cast %swap3A_585 : i32 to index
      %swap3A_587 = arith.constant 16 : index
      %swap3A_588 = tpu.vector_load %arg10[%swap3A_586, %swap3A_587] {strides = array<i32>} : memref<16x128xf32, #tpu.memory_space<vmem>>, vector<1x16xf32>,
      %swap3A_589 = vector.shape_cast %swap3A_588 : vector<1x16xf32> to vector<16xf32>
      %swap3A_590 = vector.shape_cast %add3A_584 : vector<16xf32> to vector<1x16xf32>
      tpu.vector_store %arg10[%swap3A_586, %swap3A_587], %swap3A_590 {strides = array<i32>} : memref<16x128xf32, #tpu.memory_space<vmem>>, vector<1x16xf32>,
      %get3A_591 = arith.constant 4 : i32
      %get3A_592 = arith.index_cast %get3A_591 : i32 to index
      %get3A_593 = arith.constant 32 : index
      %get3A_594 = tpu.vector_load %arg10[%get3A_592, %get3A_593] {strides = array<i32>} : memref<16x128xf32, #tpu.memory_space<vmem>>, vector<1x16xf32>,
      %get3A_595 = vector.shape_cast %get3A_594 : vector<1x16xf32> to vector<16xf32>
      %get3A_596 = arith.constant 4 : i32
      %get3A_597 = arith.index_cast %get3A_596 : i32 to index
      %get3A_598 = arith.constant 32 : index
      %get3A_599 = tpu.vector_load %arg9[%get3A_597, %get3A_598] {strides = array<i32>} : memref<16x128xf32, #tpu.memory_space<vmem>>, vector<1x16xf32>,
      %get3A_600 = vector.shape_cast %get3A_599 : vector<1x16xf32> to vector<16xf32>
      %add3A_601 = arith.addf %get3A_595, %get3A_600 : vector<16xf32>
      %swap3A_602 = arith.constant 4 : i32
      %swap3A_603 = arith.index_cast %swap3A_602 : i32 to index
      %swap3A_604 = arith.constant 32 : index
      %swap3A_605 = tpu.vector_load %arg10[%swap3A_603, %swap3A_604] {strides = array<i32>} : memref<16x128xf32, #tpu.memory_space<vmem>>, vector<1x16xf32>,
      %swap3A_606 = vector.shape_cast %swap3A_605 : vector<1x16xf32> to vector<16xf32>
      %swap3A_607 = vector.shape_cast %add3A_601 : vector<16xf32> to vector<1x16xf32>
      tpu.vector_store %arg10[%swap3A_603, %swap3A_604], %swap3A_607 {strides = array<i32>} : memref<16x128xf32, #tpu.memory_space<vmem>>, vector<1x16xf32>,
      %get3A_608 = arith.constant 4 : i32
      %get3A_609 = arith.index_cast %get3A_608 : i32 to index
      %get3A_610 = arith.constant 48 : index
      %get3A_611 = tpu.vector_load %arg10[%get3A_609, %get3A_610] {strides = array<i32>} : memref<16x128xf32, #tpu.memory_space<vmem>>, vector<1x16xf32>,
      %get3A_612 = vector.shape_cast %get3A_611 : vector<1x16xf32> to vector<16xf32>
      %get3A_613 = arith.constant 4 : i32
      %get3A_614 = arith.index_cast %get3A_613 : i32 to index
      %get3A_615 = arith.constant 48 : index
      %get3A_616 = tpu.vector_load %arg9[%get3A_614, %get3A_615] {strides = array<i32>} : memref<16x128xf32, #tpu.memory_space<vmem>>, vector<1x16xf32>,
      %get3A_617 = vector.shape_cast %get3A_616 : vector<1x16xf32> to vector<16xf32>
      %add3A_618 = arith.addf %get3A_612, %get3A_617 : vector<16xf32>
      %swap3A_619 = arith.constant 4 : i32
      %swap3A_620 = arith.index_cast %swap3A_619 : i32 to index
      %swap3A_621 = arith.constant 48 : index
      %swap3A_622 = tpu.vector_load %arg10[%swap3A_620, %swap3A_621] {strides = array<i32>} : memref<16x128xf32, #tpu.memory_space<vmem>>, vector<1x16xf32>,
      %swap3A_623 = vector.shape_cast %swap3A_622 : vector<1x16xf32> to vector<16xf32>
      %swap3A_624 = vector.shape_cast %add3A_618 : vector<16xf32> to vector<1x16xf32>
      tpu.vector_store %arg10[%swap3A_620, %swap3A_621], %swap3A_624 {strides = array<i32>} : memref<16x128xf32, #tpu.memory_space<vmem>>, vector<1x16xf32>,
      %get3A_625 = arith.constant 4 : i32
      %get3A_626 = arith.index_cast %get3A_625 : i32 to index
      %get3A_627 = arith.constant 64 : index
      %get3A_628 = tpu.vector_load %arg10[%get3A_626, %get3A_627] {strides = array<i32>} : memref<16x128xf32, #tpu.memory_space<vmem>>, vector<1x16xf32>,
      %get3A_629 = vector.shape_cast %get3A_628 : vector<1x16xf32> to vector<16xf32>
      %get3A_630 = arith.constant 4 : i32
      %get3A_631 = arith.index_cast %get3A_630 : i32 to index
      %get3A_632 = arith.constant 64 : index
      %get3A_633 = tpu.vector_load %arg9[%get3A_631, %get3A_632] {strides = array<i32>} : memref<16x128xf32, #tpu.memory_space<vmem>>, vector<1x16xf32>,
      %get3A_634 = vector.shape_cast %get3A_633 : vector<1x16xf32> to vector<16xf32>
      %add3A_635 = arith.addf %get3A_629, %get3A_634 : vector<16xf32>
      %swap3A_636 = arith.constant 4 : i32
      %swap3A_637 = arith.index_cast %swap3A_636 : i32 to index
      %swap3A_638 = arith.constant 64 : index
      %swap3A_639 = tpu.vector_load %arg10[%swap3A_637, %swap3A_638] {strides = array<i32>} : memref<16x128xf32, #tpu.memory_space<vmem>>, vector<1x16xf32>,
      %swap3A_640 = vector.shape_cast %swap3A_639 : vector<1x16xf32> to vector<16xf32>
      %swap3A_641 = vector.shape_cast %add3A_635 : vector<16xf32> to vector<1x16xf32>
      tpu.vector_store %arg10[%swap3A_637, %swap3A_638], %swap3A_641 {strides = array<i32>} : memref<16x128xf32, #tpu.memory_space<vmem>>, vector<1x16xf32>,
      %get3A_642 = arith.constant 4 : i32
      %get3A_643 = arith.index_cast %get3A_642 : i32 to index
      %get3A_644 = arith.constant 80 : index
      %get3A_645 = tpu.vector_load %arg10[%get3A_643, %get3A_644] {strides = array<i32>} : memref<16x128xf32, #tpu.memory_space<vmem>>, vector<1x16xf32>,
      %get3A_646 = vector.shape_cast %get3A_645 : vector<1x16xf32> to vector<16xf32>
      %get3A_647 = arith.constant 4 : i32
      %get3A_648 = arith.index_cast %get3A_647 : i32 to index
      %get3A_649 = arith.constant 80 : index
      %get3A_650 = tpu.vector_load %arg9[%get3A_648, %get3A_649] {strides = array<i32>} : memref<16x128xf32, #tpu.memory_space<vmem>>, vector<1x16xf32>,
      %get3A_651 = vector.shape_cast %get3A_650 : vector<1x16xf32> to vector<16xf32>
      %add3A_652 = arith.addf %get3A_646, %get3A_651 : vector<16xf32>
      %swap3A_653 = arith.constant 4 : i32
      %swap3A_654 = arith.index_cast %swap3A_653 : i32 to index
      %swap3A_655 = arith.constant 80 : index
      %swap3A_656 = tpu.vector_load %arg10[%swap3A_654, %swap3A_655] {strides = array<i32>} : memref<16x128xf32, #tpu.memory_space<vmem>>, vector<1x16xf32>,
      %swap3A_657 = vector.shape_cast %swap3A_656 : vector<1x16xf32> to vector<16xf32>
      %swap3A_658 = vector.shape_cast %add3A_652 : vector<16xf32> to vector<1x16xf32>
      tpu.vector_store %arg10[%swap3A_654, %swap3A_655], %swap3A_658 {strides = array<i32>} : memref<16x128xf32, #tpu.memory_space<vmem>>, vector<1x16xf32>,
      %get3A_659 = arith.constant 4 : i32
      %get3A_660 = arith.index_cast %get3A_659 : i32 to index
      %get3A_661 = arith.constant 96 : index
      %get3A_662 = tpu.vector_load %arg10[%get3A_660, %get3A_661] {strides = array<i32>} : memref<16x128xf32, #tpu.memory_space<vmem>>, vector<1x16xf32>,
      %get3A_663 = vector.shape_cast %get3A_662 : vector<1x16xf32> to vector<16xf32>
      %get3A_664 = arith.constant 4 : i32
      %get3A_665 = arith.index_cast %get3A_664 : i32 to index
      %get3A_666 = arith.constant 96 : index
      %get3A_667 = tpu.vector_load %arg9[%get3A_665, %get3A_666] {strides = array<i32>} : memref<16x128xf32, #tpu.memory_space<vmem>>, vector<1x16xf32>,
      %get3A_668 = vector.shape_cast %get3A_667 : vector<1x16xf32> to vector<16xf32>
      %add3A_669 = arith.addf %get3A_663, %get3A_668 : vector<16xf32>
      %swap3A_670 = arith.constant 4 : i32
      %swap3A_671 = arith.index_cast %swap3A_670 : i32 to index
      %swap3A_672 = arith.constant 96 : index
      %swap3A_673 = tpu.vector_load %arg10[%swap3A_671, %swap3A_672] {strides = array<i32>} : memref<16x128xf32, #tpu.memory_space<vmem>>, vector<1x16xf32>,
      %swap3A_674 = vector.shape_cast %swap3A_673 : vector<1x16xf32> to vector<16xf32>
      %swap3A_675 = vector.shape_cast %add3A_669 : vector<16xf32> to vector<1x16xf32>
      tpu.vector_store %arg10[%swap3A_671, %swap3A_672], %swap3A_675 {strides = array<i32>} : memref<16x128xf32, #tpu.memory_space<vmem>>, vector<1x16xf32>,
      %get3A_676 = arith.constant 4 : i32
      %get3A_677 = arith.index_cast %get3A_676 : i32 to index
      %get3A_678 = arith.constant 112 : index
      %get3A_679 = tpu.vector_load %arg10[%get3A_677, %get3A_678] {strides = array<i32>} : memref<16x128xf32, #tpu.memory_space<vmem>>, vector<1x16xf32>,
      %get3A_680 = vector.shape_cast %get3A_679 : vector<1x16xf32> to vector<16xf32>
      %get3A_681 = arith.constant 4 : i32
      %get3A_682 = arith.index_cast %get3A_681 : i32 to index
      %get3A_683 = arith.constant 112 : index
      %get3A_684 = tpu.vector_load %arg9[%get3A_682, %get3A_683] {strides = array<i32>} : memref<16x128xf32, #tpu.memory_space<vmem>>, vector<1x16xf32>,
      %get3A_685 = vector.shape_cast %get3A_684 : vector<1x16xf32> to vector<16xf32>
      %add3A_686 = arith.addf %get3A_680, %get3A_685 : vector<16xf32>
      %swap3A_687 = arith.constant 4 : i32
      %swap3A_688 = arith.index_cast %swap3A_687 : i32 to index
      %swap3A_689 = arith.constant 112 : index
      %swap3A_690 = tpu.vector_load %arg10[%swap3A_688, %swap3A_689] {strides = array<i32>} : memref<16x128xf32, #tpu.memory_space<vmem>>, vector<1x16xf32>,
      %swap3A_691 = vector.shape_cast %swap3A_690 : vector<1x16xf32> to vector<16xf32>
      %swap3A_692 = vector.shape_cast %add3A_686 : vector<16xf32> to vector<1x16xf32>
      tpu.vector_store %arg10[%swap3A_688, %swap3A_689], %swap3A_692 {strides = array<i32>} : memref<16x128xf32, #tpu.memory_space<vmem>>, vector<1x16xf32>,
      %get3A_693 = arith.constant 5 : i32
      %get3A_694 = arith.index_cast %get3A_693 : i32 to index
      %get3A_695 = arith.constant 0 : index
      %get3A_696 = tpu.vector_load %arg10[%get3A_694, %get3A_695] {strides = array<i32>} : memref<16x128xf32, #tpu.memory_space<vmem>>, vector<1x16xf32>,
      %get3A_697 = vector.shape_cast %get3A_696 : vector<1x16xf32> to vector<16xf32>
      %get3A_698 = arith.constant 5 : i32
      %get3A_699 = arith.index_cast %get3A_698 : i32 to index
      %get3A_700 = arith.constant 0 : index
      %get3A_701 = tpu.vector_load %arg9[%get3A_699, %get3A_700] {strides = array<i32>} : memref<16x128xf32, #tpu.memory_space<vmem>>, vector<1x16xf32>,
      %get3A_702 = vector.shape_cast %get3A_701 : vector<1x16xf32> to vector<16xf32>
      %add3A_703 = arith.addf %get3A_697, %get3A_702 : vector<16xf32>
      %swap3A_704 = arith.constant 5 : i32
      %swap3A_705 = arith.index_cast %swap3A_704 : i32 to index
      %swap3A_706 = arith.constant 0 : index
      %swap3A_707 = tpu.vector_load %arg10[%swap3A_705, %swap3A_706] {strides = array<i32>} : memref<16x128xf32, #tpu.memory_space<vmem>>, vector<1x16xf32>,
      %swap3A_708 = vector.shape_cast %swap3A_707 : vector<1x16xf32> to vector<16xf32>
      %swap3A_709 = vector.shape_cast %add3A_703 : vector<16xf32> to vector<1x16xf32>
      tpu.vector_store %arg10[%swap3A_705, %swap3A_706], %swap3A_709 {strides = array<i32>} : memref<16x128xf32, #tpu.memory_space<vmem>>, vector<1x16xf32>,
      %get3A_710 = arith.constant 5 : i32
      %get3A_711 = arith.index_cast %get3A_710 : i32 to index
      %get3A_712 = arith.constant 16 : index
      %get3A_713 = tpu.vector_load %arg10[%get3A_711, %get3A_712] {strides = array<i32>} : memref<16x128xf32, #tpu.memory_space<vmem>>, vector<1x16xf32>,
      %get3A_714 = vector.shape_cast %get3A_713 : vector<1x16xf32> to vector<16xf32>
      %get3A_715 = arith.constant 5 : i32
      %get3A_716 = arith.index_cast %get3A_715 : i32 to index
      %get3A_717 = arith.constant 16 : index
      %get3A_718 = tpu.vector_load %arg9[%get3A_716, %get3A_717] {strides = array<i32>} : memref<16x128xf32, #tpu.memory_space<vmem>>, vector<1x16xf32>,
      %get3A_719 = vector.shape_cast %get3A_718 : vector<1x16xf32> to vector<16xf32>
      %add3A_720 = arith.addf %get3A_714, %get3A_719 : vector<16xf32>
      %swap3A_721 = arith.constant 5 : i32
      %swap3A_722 = arith.index_cast %swap3A_721 : i32 to index
      %swap3A_723 = arith.constant 16 : index
      %swap3A_724 = tpu.vector_load %arg10[%swap3A_722, %swap3A_723] {strides = array<i32>} : memref<16x128xf32, #tpu.memory_space<vmem>>, vector<1x16xf32>,
      %swap3A_725 = vector.shape_cast %swap3A_724 : vector<1x16xf32> to vector<16xf32>
      %swap3A_726 = vector.shape_cast %add3A_720 : vector<16xf32> to vector<1x16xf32>
      tpu.vector_store %arg10[%swap3A_722, %swap3A_723], %swap3A_726 {strides = array<i32>} : memref<16x128xf32, #tpu.memory_space<vmem>>, vector<1x16xf32>,
      %get3A_727 = arith.constant 5 : i32
      %get3A_728 = arith.index_cast %get3A_727 : i32 to index
      %get3A_729 = arith.constant 32 : index
      %get3A_730 = tpu.vector_load %arg10[%get3A_728, %get3A_729] {strides = array<i32>} : memref<16x128xf32, #tpu.memory_space<vmem>>, vector<1x16xf32>,
      %get3A_731 = vector.shape_cast %get3A_730 : vector<1x16xf32> to vector<16xf32>
      %get3A_732 = arith.constant 5 : i32
      %get3A_733 = arith.index_cast %get3A_732 : i32 to index
      %get3A_734 = arith.constant 32 : index
      %get3A_735 = tpu.vector_load %arg9[%get3A_733, %get3A_734] {strides = array<i32>} : memref<16x128xf32, #tpu.memory_space<vmem>>, vector<1x16xf32>,
      %get3A_736 = vector.shape_cast %get3A_735 : vector<1x16xf32> to vector<16xf32>
      %add3A_737 = arith.addf %get3A_731, %get3A_736 : vector<16xf32>
      %swap3A_738 = arith.constant 5 : i32
      %swap3A_739 = arith.index_cast %swap3A_738 : i32 to index
      %swap3A_740 = arith.constant 32 : index
      %swap3A_741 = tpu.vector_load %arg10[%swap3A_739, %swap3A_740] {strides = array<i32>} : memref<16x128xf32, #tpu.memory_space<vmem>>, vector<1x16xf32>,
      %swap3A_742 = vector.shape_cast %swap3A_741 : vector<1x16xf32> to vector<16xf32>
      %swap3A_743 = vector.shape_cast %add3A_737 : vector<16xf32> to vector<1x16xf32>
      tpu.vector_store %arg10[%swap3A_739, %swap3A_740], %swap3A_743 {strides = array<i32>} : memref<16x128xf32, #tpu.memory_space<vmem>>, vector<1x16xf32>,
      %get3A_744 = arith.constant 5 : i32
      %get3A_745 = arith.index_cast %get3A_744 : i32 to index
      %get3A_746 = arith.constant 48 : index
      %get3A_747 = tpu.vector_load %arg10[%get3A_745, %get3A_746] {strides = array<i32>} : memref<16x128xf32, #tpu.memory_space<vmem>>, vector<1x16xf32>,
      %get3A_748 = vector.shape_cast %get3A_747 : vector<1x16xf32> to vector<16xf32>
      %get3A_749 = arith.constant 5 : i32
      %get3A_750 = arith.index_cast %get3A_749 : i32 to index
      %get3A_751 = arith.constant 48 : index
      %get3A_752 = tpu.vector_load %arg9[%get3A_750, %get3A_751] {strides = array<i32>} : memref<16x128xf32, #tpu.memory_space<vmem>>, vector<1x16xf32>,
      %get3A_753 = vector.shape_cast %get3A_752 : vector<1x16xf32> to vector<16xf32>
      %add3A_754 = arith.addf %get3A_748, %get3A_753 : vector<16xf32>
      %swap3A_755 = arith.constant 5 : i32
      %swap3A_756 = arith.index_cast %swap3A_755 : i32 to index
      %swap3A_757 = arith.constant 48 : index
      %swap3A_758 = tpu.vector_load %arg10[%swap3A_756, %swap3A_757] {strides = array<i32>} : memref<16x128xf32, #tpu.memory_space<vmem>>, vector<1x16xf32>,
      %swap3A_759 = vector.shape_cast %swap3A_758 : vector<1x16xf32> to vector<16xf32>
      %swap3A_760 = vector.shape_cast %add3A_754 : vector<16xf32> to vector<1x16xf32>
      tpu.vector_store %arg10[%swap3A_756, %swap3A_757], %swap3A_760 {strides = array<i32>} : memref<16x128xf32, #tpu.memory_space<vmem>>, vector<1x16xf32>,
      %get3A_761 = arith.constant 5 : i32
      %get3A_762 = arith.index_cast %get3A_761 : i32 to index
      %get3A_763 = arith.constant 64 : index
      %get3A_764 = tpu.vector_load %arg10[%get3A_762, %get3A_763] {strides = array<i32>} : memref<16x128xf32, #tpu.memory_space<vmem>>, vector<1x16xf32>,
      %get3A_765 = vector.shape_cast %get3A_764 : vector<1x16xf32> to vector<16xf32>
      %get3A_766 = arith.constant 5 : i32
      %get3A_767 = arith.index_cast %get3A_766 : i32 to index
      %get3A_768 = arith.constant 64 : index
      %get3A_769 = tpu.vector_load %arg9[%get3A_767, %get3A_768] {strides = array<i32>} : memref<16x128xf32, #tpu.memory_space<vmem>>, vector<1x16xf32>,
      %get3A_770 = vector.shape_cast %get3A_769 : vector<1x16xf32> to vector<16xf32>
      %add3A_771 = arith.addf %get3A_765, %get3A_770 : vector<16xf32>
      %swap3A_772 = arith.constant 5 : i32
      %swap3A_773 = arith.index_cast %swap3A_772 : i32 to index
      %swap3A_774 = arith.constant 64 : index
      %swap3A_775 = tpu.vector_load %arg10[%swap3A_773, %swap3A_774] {strides = array<i32>} : memref<16x128xf32, #tpu.memory_space<vmem>>, vector<1x16xf32>,
      %swap3A_776 = vector.shape_cast %swap3A_775 : vector<1x16xf32> to vector<16xf32>
      %swap3A_777 = vector.shape_cast %add3A_771 : vector<16xf32> to vector<1x16xf32>
      tpu.vector_store %arg10[%swap3A_773, %swap3A_774], %swap3A_777 {strides = array<i32>} : memref<16x128xf32, #tpu.memory_space<vmem>>, vector<1x16xf32>,
      %get3A_778 = arith.constant 5 : i32
      %get3A_779 = arith.index_cast %get3A_778 : i32 to index
      %get3A_780 = arith.constant 80 : index
      %get3A_781 = tpu.vector_load %arg10[%get3A_779, %get3A_780] {strides = array<i32>} : memref<16x128xf32, #tpu.memory_space<vmem>>, vector<1x16xf32>,
      %get3A_782 = vector.shape_cast %get3A_781 : vector<1x16xf32> to vector<16xf32>
      %get3A_783 = arith.constant 5 : i32
      %get3A_784 = arith.index_cast %get3A_783 : i32 to index
      %get3A_785 = arith.constant 80 : index
      %get3A_786 = tpu.vector_load %arg9[%get3A_784, %get3A_785] {strides = array<i32>} : memref<16x128xf32, #tpu.memory_space<vmem>>, vector<1x16xf32>,
      %get3A_787 = vector.shape_cast %get3A_786 : vector<1x16xf32> to vector<16xf32>
      %add3A_788 = arith.addf %get3A_782, %get3A_787 : vector<16xf32>
      %swap3A_789 = arith.constant 5 : i32
      %swap3A_790 = arith.index_cast %swap3A_789 : i32 to index
      %swap3A_791 = arith.constant 80 : index
      %swap3A_792 = tpu.vector_load %arg10[%swap3A_790, %swap3A_791] {strides = array<i32>} : memref<16x128xf32, #tpu.memory_space<vmem>>, vector<1x16xf32>,
      %swap3A_793 = vector.shape_cast %swap3A_792 : vector<1x16xf32> to vector<16xf32>
      %swap3A_794 = vector.shape_cast %add3A_788 : vector<16xf32> to vector<1x16xf32>
      tpu.vector_store %arg10[%swap3A_790, %swap3A_791], %swap3A_794 {strides = array<i32>} : memref<16x128xf32, #tpu.memory_space<vmem>>, vector<1x16xf32>,
      %get3A_795 = arith.constant 5 : i32
      %get3A_796 = arith.index_cast %get3A_795 : i32 to index
      %get3A_797 = arith.constant 96 : index
      %get3A_798 = tpu.vector_load %arg10[%get3A_796, %get3A_797] {strides = array<i32>} : memref<16x128xf32, #tpu.memory_space<vmem>>, vector<1x16xf32>,
      %get3A_799 = vector.shape_cast %get3A_798 : vector<1x16xf32> to vector<16xf32>
      %get3A_800 = arith.constant 5 : i32
      %get3A_801 = arith.index_cast %get3A_800 : i32 to index
      %get3A_802 = arith.constant 96 : index
      %get3A_803 = tpu.vector_load %arg9[%get3A_801, %get3A_802] {strides = array<i32>} : memref<16x128xf32, #tpu.memory_space<vmem>>, vector<1x16xf32>,
      %get3A_804 = vector.shape_cast %get3A_803 : vector<1x16xf32> to vector<16xf32>
      %add3A_805 = arith.addf %get3A_799, %get3A_804 : vector<16xf32>
      %swap3A_806 = arith.constant 5 : i32
      %swap3A_807 = arith.index_cast %swap3A_806 : i32 to index
      %swap3A_808 = arith.constant 96 : index
      %swap3A_809 = tpu.vector_load %arg10[%swap3A_807, %swap3A_808] {strides = array<i32>} : memref<16x128xf32, #tpu.memory_space<vmem>>, vector<1x16xf32>,
      %swap3A_810 = vector.shape_cast %swap3A_809 : vector<1x16xf32> to vector<16xf32>
      %swap3A_811 = vector.shape_cast %add3A_805 : vector<16xf32> to vector<1x16xf32>
      tpu.vector_store %arg10[%swap3A_807, %swap3A_808], %swap3A_811 {strides = array<i32>} : memref<16x128xf32, #tpu.memory_space<vmem>>, vector<1x16xf32>,
      %get3A_812 = arith.constant 5 : i32
      %get3A_813 = arith.index_cast %get3A_812 : i32 to index
      %get3A_814 = arith.constant 112 : index
      %get3A_815 = tpu.vector_load %arg10[%get3A_813, %get3A_814] {strides = array<i32>} : memref<16x128xf32, #tpu.memory_space<vmem>>, vector<1x16xf32>,
      %get3A_816 = vector.shape_cast %get3A_815 : vector<1x16xf32> to vector<16xf32>
      %get3A_817 = arith.constant 5 : i32
      %get3A_818 = arith.index_cast %get3A_817 : i32 to index
      %get3A_819 = arith.constant 112 : index
      %get3A_820 = tpu.vector_load %arg9[%get3A_818, %get3A_819] {strides = array<i32>} : memref<16x128xf32, #tpu.memory_space<vmem>>, vector<1x16xf32>,
      %get3A_821 = vector.shape_cast %get3A_820 : vector<1x16xf32> to vector<16xf32>
      %add3A_822 = arith.addf %get3A_816, %get3A_821 : vector<16xf32>
      %swap3A_823 = arith.constant 5 : i32
      %swap3A_824 = arith.index_cast %swap3A_823 : i32 to index
      %swap3A_825 = arith.constant 112 : index
      %swap3A_826 = tpu.vector_load %arg10[%swap3A_824, %swap3A_825] {strides = array<i32>} : memref<16x128xf32, #tpu.memory_space<vmem>>, vector<1x16xf32>,
      %swap3A_827 = vector.shape_cast %swap3A_826 : vector<1x16xf32> to vector<16xf32>
      %swap3A_828 = vector.shape_cast %add3A_822 : vector<16xf32> to vector<1x16xf32>
      tpu.vector_store %arg10[%swap3A_824, %swap3A_825], %swap3A_828 {strides = array<i32>} : memref<16x128xf32, #tpu.memory_space<vmem>>, vector<1x16xf32>,
      %get3A_829 = arith.constant 6 : i32
      %get3A_830 = arith.index_cast %get3A_829 : i32 to index
      %get3A_831 = arith.constant 0 : index
      %get3A_832 = tpu.vector_load %arg10[%get3A_830, %get3A_831] {strides = array<i32>} : memref<16x128xf32, #tpu.memory_space<vmem>>, vector<1x16xf32>,
      %get3A_833 = vector.shape_cast %get3A_832 : vector<1x16xf32> to vector<16xf32>
      %get3A_834 = arith.constant 6 : i32
      %get3A_835 = arith.index_cast %get3A_834 : i32 to index
      %get3A_836 = arith.constant 0 : index
      %get3A_837 = tpu.vector_load %arg9[%get3A_835, %get3A_836] {strides = array<i32>} : memref<16x128xf32, #tpu.memory_space<vmem>>, vector<1x16xf32>,
      %get3A_838 = vector.shape_cast %get3A_837 : vector<1x16xf32> to vector<16xf32>
      %add3A_839 = arith.addf %get3A_833, %get3A_838 : vector<16xf32>
      %swap3A_840 = arith.constant 6 : i32
      %swap3A_841 = arith.index_cast %swap3A_840 : i32 to index
      %swap3A_842 = arith.constant 0 : index
      %swap3A_843 = tpu.vector_load %arg10[%swap3A_841, %swap3A_842] {strides = array<i32>} : memref<16x128xf32, #tpu.memory_space<vmem>>, vector<1x16xf32>,
      %swap3A_844 = vector.shape_cast %swap3A_843 : vector<1x16xf32> to vector<16xf32>
      %swap3A_845 = vector.shape_cast %add3A_839 : vector<16xf32> to vector<1x16xf32>
      tpu.vector_store %arg10[%swap3A_841, %swap3A_842], %swap3A_845 {strides = array<i32>} : memref<16x128xf32, #tpu.memory_space<vmem>>, vector<1x16xf32>,
      %get3A_846 = arith.constant 6 : i32
      %get3A_847 = arith.index_cast %get3A_846 : i32 to index
      %get3A_848 = arith.constant 16 : index
      %get3A_849 = tpu.vector_load %arg10[%get3A_847, %get3A_848] {strides = array<i32>} : memref<16x128xf32, #tpu.memory_space<vmem>>, vector<1x16xf32>,
      %get3A_850 = vector.shape_cast %get3A_849 : vector<1x16xf32> to vector<16xf32>
      %get3A_851 = arith.constant 6 : i32
      %get3A_852 = arith.index_cast %get3A_851 : i32 to index
      %get3A_853 = arith.constant 16 : index
      %get3A_854 = tpu.vector_load %arg9[%get3A_852, %get3A_853] {strides = array<i32>} : memref<16x128xf32, #tpu.memory_space<vmem>>, vector<1x16xf32>,
      %get3A_855 = vector.shape_cast %get3A_854 : vector<1x16xf32> to vector<16xf32>
      %add3A_856 = arith.addf %get3A_850, %get3A_855 : vector<16xf32>
      %swap3A_857 = arith.constant 6 : i32
      %swap3A_858 = arith.index_cast %swap3A_857 : i32 to index
      %swap3A_859 = arith.constant 16 : index
      %swap3A_860 = tpu.vector_load %arg10[%swap3A_858, %swap3A_859] {strides = array<i32>} : memref<16x128xf32, #tpu.memory_space<vmem>>, vector<1x16xf32>,
      %swap3A_861 = vector.shape_cast %swap3A_860 : vector<1x16xf32> to vector<16xf32>
      %swap3A_862 = vector.shape_cast %add3A_856 : vector<16xf32> to vector<1x16xf32>
      tpu.vector_store %arg10[%swap3A_858, %swap3A_859], %swap3A_862 {strides = array<i32>} : memref<16x128xf32, #tpu.memory_space<vmem>>, vector<1x16xf32>,
      %get3A_863 = arith.constant 6 : i32
      %get3A_864 = arith.index_cast %get3A_863 : i32 to index
      %get3A_865 = arith.constant 32 : index
      %get3A_866 = tpu.vector_load %arg10[%get3A_864, %get3A_865] {strides = array<i32>} : memref<16x128xf32, #tpu.memory_space<vmem>>, vector<1x16xf32>,
      %get3A_867 = vector.shape_cast %get3A_866 : vector<1x16xf32> to vector<16xf32>
      %get3A_868 = arith.constant 6 : i32
      %get3A_869 = arith.index_cast %get3A_868 : i32 to index
      %get3A_870 = arith.constant 32 : index
      %get3A_871 = tpu.vector_load %arg9[%get3A_869, %get3A_870] {strides = array<i32>} : memref<16x128xf32, #tpu.memory_space<vmem>>, vector<1x16xf32>,
      %get3A_872 = vector.shape_cast %get3A_871 : vector<1x16xf32> to vector<16xf32>
      %add3A_873 = arith.addf %get3A_867, %get3A_872 : vector<16xf32>
      %swap3A_874 = arith.constant 6 : i32
      %swap3A_875 = arith.index_cast %swap3A_874 : i32 to index
      %swap3A_876 = arith.constant 32 : index
      %swap3A_877 = tpu.vector_load %arg10[%swap3A_875, %swap3A_876] {strides = array<i32>} : memref<16x128xf32, #tpu.memory_space<vmem>>, vector<1x16xf32>,
      %swap3A_878 = vector.shape_cast %swap3A_877 : vector<1x16xf32> to vector<16xf32>
      %swap3A_879 = vector.shape_cast %add3A_873 : vector<16xf32> to vector<1x16xf32>
      tpu.vector_store %arg10[%swap3A_875, %swap3A_876], %swap3A_879 {strides = array<i32>} : memref<16x128xf32, #tpu.memory_space<vmem>>, vector<1x16xf32>,
      %get3A_880 = arith.constant 6 : i32
      %get3A_881 = arith.index_cast %get3A_880 : i32 to index
      %get3A_882 = arith.constant 48 : index
      %get3A_883 = tpu.vector_load %arg10[%get3A_881, %get3A_882] {strides = array<i32>} : memref<16x128xf32, #tpu.memory_space<vmem>>, vector<1x16xf32>,
      %get3A_884 = vector.shape_cast %get3A_883 : vector<1x16xf32> to vector<16xf32>
      %get3A_885 = arith.constant 6 : i32
      %get3A_886 = arith.index_cast %get3A_885 : i32 to index
      %get3A_887 = arith.constant 48 : index
      %get3A_888 = tpu.vector_load %arg9[%get3A_886, %get3A_887] {strides = array<i32>} : memref<16x128xf32, #tpu.memory_space<vmem>>, vector<1x16xf32>,
      %get3A_889 = vector.shape_cast %get3A_888 : vector<1x16xf32> to vector<16xf32>
      %add3A_890 = arith.addf %get3A_884, %get3A_889 : vector<16xf32>
      %swap3A_891 = arith.constant 6 : i32
      %swap3A_892 = arith.index_cast %swap3A_891 : i32 to index
      %swap3A_893 = arith.constant 48 : index
      %swap3A_894 = tpu.vector_load %arg10[%swap3A_892, %swap3A_893] {strides = array<i32>} : memref<16x128xf32, #tpu.memory_space<vmem>>, vector<1x16xf32>,
      %swap3A_895 = vector.shape_cast %swap3A_894 : vector<1x16xf32> to vector<16xf32>
      %swap3A_896 = vector.shape_cast %add3A_890 : vector<16xf32> to vector<1x16xf32>
      tpu.vector_store %arg10[%swap3A_892, %swap3A_893], %swap3A_896 {strides = array<i32>} : memref<16x128xf32, #tpu.memory_space<vmem>>, vector<1x16xf32>,
      %get3A_897 = arith.constant 6 : i32
      %get3A_898 = arith.index_cast %get3A_897 : i32 to index
      %get3A_899 = arith.constant 64 : index
      %get3A_900 = tpu.vector_load %arg10[%get3A_898, %get3A_899] {strides = array<i32>} : memref<16x128xf32, #tpu.memory_space<vmem>>, vector<1x16xf32>,
      %get3A_901 = vector.shape_cast %get3A_900 : vector<1x16xf32> to vector<16xf32>
      %get3A_902 = arith.constant 6 : i32
      %get3A_903 = arith.index_cast %get3A_902 : i32 to index
      %get3A_904 = arith.constant 64 : index
      %get3A_905 = tpu.vector_load %arg9[%get3A_903, %get3A_904] {strides = array<i32>} : memref<16x128xf32, #tpu.memory_space<vmem>>, vector<1x16xf32>,
      %get3A_906 = vector.shape_cast %get3A_905 : vector<1x16xf32> to vector<16xf32>
      %add3A_907 = arith.addf %get3A_901, %get3A_906 : vector<16xf32>
      %swap3A_908 = arith.constant 6 : i32
      %swap3A_909 = arith.index_cast %swap3A_908 : i32 to index
      %swap3A_910 = arith.constant 64 : index
      %swap3A_911 = tpu.vector_load %arg10[%swap3A_909, %swap3A_910] {strides = array<i32>} : memref<16x128xf32, #tpu.memory_space<vmem>>, vector<1x16xf32>,
      %swap3A_912 = vector.shape_cast %swap3A_911 : vector<1x16xf32> to vector<16xf32>
      %swap3A_913 = vector.shape_cast %add3A_907 : vector<16xf32> to vector<1x16xf32>
      tpu.vector_store %arg10[%swap3A_909, %swap3A_910], %swap3A_913 {strides = array<i32>} : memref<16x128xf32, #tpu.memory_space<vmem>>, vector<1x16xf32>,
      %get3A_914 = arith.constant 6 : i32
      %get3A_915 = arith.index_cast %get3A_914 : i32 to index
      %get3A_916 = arith.constant 80 : index
      %get3A_917 = tpu.vector_load %arg10[%get3A_915, %get3A_916] {strides = array<i32>} : memref<16x128xf32, #tpu.memory_space<vmem>>, vector<1x16xf32>,
      %get3A_918 = vector.shape_cast %get3A_917 : vector<1x16xf32> to vector<16xf32>
      %get3A_919 = arith.constant 6 : i32
      %get3A_920 = arith.index_cast %get3A_919 : i32 to index
      %get3A_921 = arith.constant 80 : index
      %get3A_922 = tpu.vector_load %arg9[%get3A_920, %get3A_921] {strides = array<i32>} : memref<16x128xf32, #tpu.memory_space<vmem>>, vector<1x16xf32>,
      %get3A_923 = vector.shape_cast %get3A_922 : vector<1x16xf32> to vector<16xf32>
      %add3A_924 = arith.addf %get3A_918, %get3A_923 : vector<16xf32>
      %swap3A_925 = arith.constant 6 : i32
      %swap3A_926 = arith.index_cast %swap3A_925 : i32 to index
      %swap3A_927 = arith.constant 80 : index
      %swap3A_928 = tpu.vector_load %arg10[%swap3A_926, %swap3A_927] {strides = array<i32>} : memref<16x128xf32, #tpu.memory_space<vmem>>, vector<1x16xf32>,
      %swap3A_929 = vector.shape_cast %swap3A_928 : vector<1x16xf32> to vector<16xf32>
      %swap3A_930 = vector.shape_cast %add3A_924 : vector<16xf32> to vector<1x16xf32>
      tpu.vector_store %arg10[%swap3A_926, %swap3A_927], %swap3A_930 {strides = array<i32>} : memref<16x128xf32, #tpu.memory_space<vmem>>, vector<1x16xf32>,
      %get3A_931 = arith.constant 6 : i32
      %get3A_932 = arith.index_cast %get3A_931 : i32 to index
      %get3A_933 = arith.constant 96 : index
      %get3A_934 = tpu.vector_load %arg10[%get3A_932, %get3A_933] {strides = array<i32>} : memref<16x128xf32, #tpu.memory_space<vmem>>, vector<1x16xf32>,
      %get3A_935 = vector.shape_cast %get3A_934 : vector<1x16xf32> to vector<16xf32>
      %get3A_936 = arith.constant 6 : i32
      %get3A_937 = arith.index_cast %get3A_936 : i32 to index
      %get3A_938 = arith.constant 96 : index
      %get3A_939 = tpu.vector_load %arg9[%get3A_937, %get3A_938] {strides = array<i32>} : memref<16x128xf32, #tpu.memory_space<vmem>>, vector<1x16xf32>,
      %get3A_940 = vector.shape_cast %get3A_939 : vector<1x16xf32> to vector<16xf32>
      %add3A_941 = arith.addf %get3A_935, %get3A_940 : vector<16xf32>
      %swap3A_942 = arith.constant 6 : i32
      %swap3A_943 = arith.index_cast %swap3A_942 : i32 to index
      %swap3A_944 = arith.constant 96 : index
      %swap3A_945 = tpu.vector_load %arg10[%swap3A_943, %swap3A_944] {strides = array<i32>} : memref<16x128xf32, #tpu.memory_space<vmem>>, vector<1x16xf32>,
      %swap3A_946 = vector.shape_cast %swap3A_945 : vector<1x16xf32> to vector<16xf32>
      %swap3A_947 = vector.shape_cast %add3A_941 : vector<16xf32> to vector<1x16xf32>
      tpu.vector_store %arg10[%swap3A_943, %swap3A_944], %swap3A_947 {strides = array<i32>} : memref<16x128xf32, #tpu.memory_space<vmem>>, vector<1x16xf32>,
      %get3A_948 = arith.constant 6 : i32
      %get3A_949 = arith.index_cast %get3A_948 : i32 to index
      %get3A_950 = arith.constant 112 : index
      %get3A_951 = tpu.vector_load %arg10[%get3A_949, %get3A_950] {strides = array<i32>} : memref<16x128xf32, #tpu.memory_space<vmem>>, vector<1x16xf32>,
      %get3A_952 = vector.shape_cast %get3A_951 : vector<1x16xf32> to vector<16xf32>
      %get3A_953 = arith.constant 6 : i32
      %get3A_954 = arith.index_cast %get3A_953 : i32 to index
      %get3A_955 = arith.constant 112 : index
      %get3A_956 = tpu.vector_load %arg9[%get3A_954, %get3A_955] {strides = array<i32>} : memref<16x128xf32, #tpu.memory_space<vmem>>, vector<1x16xf32>,
      %get3A_957 = vector.shape_cast %get3A_956 : vector<1x16xf32> to vector<16xf32>
      %add3A_958 = arith.addf %get3A_952, %get3A_957 : vector<16xf32>
      %swap3A_959 = arith.constant 6 : i32
      %swap3A_960 = arith.index_cast %swap3A_959 : i32 to index
      %swap3A_961 = arith.constant 112 : index
      %swap3A_962 = tpu.vector_load %arg10[%swap3A_960, %swap3A_961] {strides = array<i32>} : memref<16x128xf32, #tpu.memory_space<vmem>>, vector<1x16xf32>,
      %swap3A_963 = vector.shape_cast %swap3A_962 : vector<1x16xf32> to vector<16xf32>
      %swap3A_964 = vector.shape_cast %add3A_958 : vector<16xf32> to vector<1x16xf32>
      tpu.vector_store %arg10[%swap3A_960, %swap3A_961], %swap3A_964 {strides = array<i32>} : memref<16x128xf32, #tpu.memory_space<vmem>>, vector<1x16xf32>,
      %get3A_965 = arith.constant 7 : i32
      %get3A_966 = arith.index_cast %get3A_965 : i32 to index
      %get3A_967 = arith.constant 0 : index
      %get3A_968 = tpu.vector_load %arg10[%get3A_966, %get3A_967] {strides = array<i32>} : memref<16x128xf32, #tpu.memory_space<vmem>>, vector<1x16xf32>,
      %get3A_969 = vector.shape_cast %get3A_968 : vector<1x16xf32> to vector<16xf32>
      %get3A_970 = arith.constant 7 : i32
      %get3A_971 = arith.index_cast %get3A_970 : i32 to index
      %get3A_972 = arith.constant 0 : index
      %get3A_973 = tpu.vector_load %arg9[%get3A_971, %get3A_972] {strides = array<i32>} : memref<16x128xf32, #tpu.memory_space<vmem>>, vector<1x16xf32>,
      %get3A_974 = vector.shape_cast %get3A_973 : vector<1x16xf32> to vector<16xf32>
      %add3A_975 = arith.addf %get3A_969, %get3A_974 : vector<16xf32>
      %swap3A_976 = arith.constant 7 : i32
      %swap3A_977 = arith.index_cast %swap3A_976 : i32 to index
      %swap3A_978 = arith.constant 0 : index
      %swap3A_979 = tpu.vector_load %arg10[%swap3A_977, %swap3A_978] {strides = array<i32>} : memref<16x128xf32, #tpu.memory_space<vmem>>, vector<1x16xf32>,
      %swap3A_980 = vector.shape_cast %swap3A_979 : vector<1x16xf32> to vector<16xf32>
      %swap3A_981 = vector.shape_cast %add3A_975 : vector<16xf32> to vector<1x16xf32>
      tpu.vector_store %arg10[%swap3A_977, %swap3A_978], %swap3A_981 {strides = array<i32>} : memref<16x128xf32, #tpu.memory_space<vmem>>, vector<1x16xf32>,
      %get3A_982 = arith.constant 7 : i32
      %get3A_983 = arith.index_cast %get3A_982 : i32 to index
      %get3A_984 = arith.constant 16 : index
      %get3A_985 = tpu.vector_load %arg10[%get3A_983, %get3A_984] {strides = array<i32>} : memref<16x128xf32, #tpu.memory_space<vmem>>, vector<1x16xf32>,
      %get3A_986 = vector.shape_cast %get3A_985 : vector<1x16xf32> to vector<16xf32>
      %get3A_987 = arith.constant 7 : i32
      %get3A_988 = arith.index_cast %get3A_987 : i32 to index
      %get3A_989 = arith.constant 16 : index
      %get3A_990 = tpu.vector_load %arg9[%get3A_988, %get3A_989] {strides = array<i32>} : memref<16x128xf32, #tpu.memory_space<vmem>>, vector<1x16xf32>,
      %get3A_991 = vector.shape_cast %get3A_990 : vector<1x16xf32> to vector<16xf32>
      %add3A_992 = arith.addf %get3A_986, %get3A_991 : vector<16xf32>
      %swap3A_993 = arith.constant 7 : i32
      %swap3A_994 = arith.index_cast %swap3A_993 : i32 to index
      %swap3A_995 = arith.constant 16 : index
      %swap3A_996 = tpu.vector_load %arg10[%swap3A_994, %swap3A_995] {strides = array<i32>} : memref<16x128xf32, #tpu.memory_space<vmem>>, vector<1x16xf32>,
      %swap3A_997 = vector.shape_cast %swap3A_996 : vector<1x16xf32> to vector<16xf32>
      %swap3A_998 = vector.shape_cast %add3A_992 : vector<16xf32> to vector<1x16xf32>
      tpu.vector_store %arg10[%swap3A_994, %swap3A_995], %swap3A_998 {strides = array<i32>} : memref<16x128xf32, #tpu.memory_space<vmem>>, vector<1x16xf32>,
      %get3A_999 = arith.constant 7 : i32
      %get3A_1000 = arith.index_cast %get3A_999 : i32 to index
      %get3A_1001 = arith.constant 32 : index
      %get3A_1002 = tpu.vector_load %arg10[%get3A_1000, %get3A_1001] {strides = array<i32>} : memref<16x128xf32, #tpu.memory_space<vmem>>, vector<1x16xf32>,
      %get3A_1003 = vector.shape_cast %get3A_1002 : vector<1x16xf32> to vector<16xf32>
      %get3A_1004 = arith.constant 7 : i32
      %get3A_1005 = arith.index_cast %get3A_1004 : i32 to index
      %get3A_1006 = arith.constant 32 : index
      %get3A_1007 = tpu.vector_load %arg9[%get3A_1005, %get3A_1006] {strides = array<i32>} : memref<16x128xf32, #tpu.memory_space<vmem>>, vector<1x16xf32>,
      %get3A_1008 = vector.shape_cast %get3A_1007 : vector<1x16xf32> to vector<16xf32>
      %add3A_1009 = arith.addf %get3A_1003, %get3A_1008 : vector<16xf32>
      %swap3A_1010 = arith.constant 7 : i32
      %swap3A_1011 = arith.index_cast %swap3A_1010 : i32 to index
      %swap3A_1012 = arith.constant 32 : index
      %swap3A_1013 = tpu.vector_load %arg10[%swap3A_1011, %swap3A_1012] {strides = array<i32>} : memref<16x128xf32, #tpu.memory_space<vmem>>, vector<1x16xf32>,
      %swap3A_1014 = vector.shape_cast %swap3A_1013 : vector<1x16xf32> to vector<16xf32>
      %swap3A_1015 = vector.shape_cast %add3A_1009 : vector<16xf32> to vector<1x16xf32>
      tpu.vector_store %arg10[%swap3A_1011, %swap3A_1012], %swap3A_1015 {strides = array<i32>} : memref<16x128xf32, #tpu.memory_space<vmem>>, vector<1x16xf32>,
      %get3A_1016 = arith.constant 7 : i32
      %get3A_1017 = arith.index_cast %get3A_1016 : i32 to index
      %get3A_1018 = arith.constant 48 : index
      %get3A_1019 = tpu.vector_load %arg10[%get3A_1017, %get3A_1018] {strides = array<i32>} : memref<16x128xf32, #tpu.memory_space<vmem>>, vector<1x16xf32>,
      %get3A_1020 = vector.shape_cast %get3A_1019 : vector<1x16xf32> to vector<16xf32>
      %get3A_1021 = arith.constant 7 : i32
      %get3A_1022 = arith.index_cast %get3A_1021 : i32 to index
      %get3A_1023 = arith.constant 48 : index
      %get3A_1024 = tpu.vector_load %arg9[%get3A_1022, %get3A_1023] {strides = array<i32>} : memref<16x128xf32, #tpu.memory_space<vmem>>, vector<1x16xf32>,
      %get3A_1025 = vector.shape_cast %get3A_1024 : vector<1x16xf32> to vector<16xf32>
      %add3A_1026 = arith.addf %get3A_1020, %get3A_1025 : vector<16xf32>
      %swap3A_1027 = arith.constant 7 : i32
      %swap3A_1028 = arith.index_cast %swap3A_1027 : i32 to index
      %swap3A_1029 = arith.constant 48 : index
      %swap3A_1030 = tpu.vector_load %arg10[%swap3A_1028, %swap3A_1029] {strides = array<i32>} : memref<16x128xf32, #tpu.memory_space<vmem>>, vector<1x16xf32>,
      %swap3A_1031 = vector.shape_cast %swap3A_1030 : vector<1x16xf32> to vector<16xf32>
      %swap3A_1032 = vector.shape_cast %add3A_1026 : vector<16xf32> to vector<1x16xf32>
      tpu.vector_store %arg10[%swap3A_1028, %swap3A_1029], %swap3A_1032 {strides = array<i32>} : memref<16x128xf32, #tpu.memory_space<vmem>>, vector<1x16xf32>,
      %get3A_1033 = arith.constant 7 : i32
      %get3A_1034 = arith.index_cast %get3A_1033 : i32 to index
      %get3A_1035 = arith.constant 64 : index
      %get3A_1036 = tpu.vector_load %arg10[%get3A_1034, %get3A_1035] {strides = array<i32>} : memref<16x128xf32, #tpu.memory_space<vmem>>, vector<1x16xf32>,
      %get3A_1037 = vector.shape_cast %get3A_1036 : vector<1x16xf32> to vector<16xf32>
      %get3A_1038 = arith.constant 7 : i32
      %get3A_1039 = arith.index_cast %get3A_1038 : i32 to index
      %get3A_1040 = arith.constant 64 : index
      %get3A_1041 = tpu.vector_load %arg9[%get3A_1039, %get3A_1040] {strides = array<i32>} : memref<16x128xf32, #tpu.memory_space<vmem>>, vector<1x16xf32>,
      %get3A_1042 = vector.shape_cast %get3A_1041 : vector<1x16xf32> to vector<16xf32>
      %add3A_1043 = arith.addf %get3A_1037, %get3A_1042 : vector<16xf32>
      %swap3A_1044 = arith.constant 7 : i32
      %swap3A_1045 = arith.index_cast %swap3A_1044 : i32 to index
      %swap3A_1046 = arith.constant 64 : index
      %swap3A_1047 = tpu.vector_load %arg10[%swap3A_1045, %swap3A_1046] {strides = array<i32>} : memref<16x128xf32, #tpu.memory_space<vmem>>, vector<1x16xf32>,
      %swap3A_1048 = vector.shape_cast %swap3A_1047 : vector<1x16xf32> to vector<16xf32>
      %swap3A_1049 = vector.shape_cast %add3A_1043 : vector<16xf32> to vector<1x16xf32>
      tpu.vector_store %arg10[%swap3A_1045, %swap3A_1046], %swap3A_1049 {strides = array<i32>} : memref<16x128xf32, #tpu.memory_space<vmem>>, vector<1x16xf32>,
      %get3A_1050 = arith.constant 7 : i32
      %get3A_1051 = arith.index_cast %get3A_1050 : i32 to index
      %get3A_1052 = arith.constant 80 : index
      %get3A_1053 = tpu.vector_load %arg10[%get3A_1051, %get3A_1052] {strides = array<i32>} : memref<16x128xf32, #tpu.memory_space<vmem>>, vector<1x16xf32>,
      %get3A_1054 = vector.shape_cast %get3A_1053 : vector<1x16xf32> to vector<16xf32>
      %get3A_1055 = arith.constant 7 : i32
      %get3A_1056 = arith.index_cast %get3A_1055 : i32 to index
      %get3A_1057 = arith.constant 80 : index
      %get3A_1058 = tpu.vector_load %arg9[%get3A_1056, %get3A_1057] {strides = array<i32>} : memref<16x128xf32, #tpu.memory_space<vmem>>, vector<1x16xf32>,
      %get3A_1059 = vector.shape_cast %get3A_1058 : vector<1x16xf32> to vector<16xf32>
      %add3A_1060 = arith.addf %get3A_1054, %get3A_1059 : vector<16xf32>
      %swap3A_1061 = arith.constant 7 : i32
      %swap3A_1062 = arith.index_cast %swap3A_1061 : i32 to index
      %swap3A_1063 = arith.constant 80 : index
      %swap3A_1064 = tpu.vector_load %arg10[%swap3A_1062, %swap3A_1063] {strides = array<i32>} : memref<16x128xf32, #tpu.memory_space<vmem>>, vector<1x16xf32>,
      %swap3A_1065 = vector.shape_cast %swap3A_1064 : vector<1x16xf32> to vector<16xf32>
      %swap3A_1066 = vector.shape_cast %add3A_1060 : vector<16xf32> to vector<1x16xf32>
      tpu.vector_store %arg10[%swap3A_1062, %swap3A_1063], %swap3A_1066 {strides = array<i32>} : memref<16x128xf32, #tpu.memory_space<vmem>>, vector<1x16xf32>,
      %get3A_1067 = arith.constant 7 : i32
      %get3A_1068 = arith.index_cast %get3A_1067 : i32 to index
      %get3A_1069 = arith.constant 96 : index
      %get3A_1070 = tpu.vector_load %arg10[%get3A_1068, %get3A_1069] {strides = array<i32>} : memref<16x128xf32, #tpu.memory_space<vmem>>, vector<1x16xf32>,
      %get3A_1071 = vector.shape_cast %get3A_1070 : vector<1x16xf32> to vector<16xf32>
      %get3A_1072 = arith.constant 7 : i32
      %get3A_1073 = arith.index_cast %get3A_1072 : i32 to index
      %get3A_1074 = arith.constant 96 : index
      %get3A_1075 = tpu.vector_load %arg9[%get3A_1073, %get3A_1074] {strides = array<i32>} : memref<16x128xf32, #tpu.memory_space<vmem>>, vector<1x16xf32>,
      %get3A_1076 = vector.shape_cast %get3A_1075 : vector<1x16xf32> to vector<16xf32>
      %add3A_1077 = arith.addf %get3A_1071, %get3A_1076 : vector<16xf32>
      %swap3A_1078 = arith.constant 7 : i32
      %swap3A_1079 = arith.index_cast %swap3A_1078 : i32 to index
      %swap3A_1080 = arith.constant 96 : index
      %swap3A_1081 = tpu.vector_load %arg10[%swap3A_1079, %swap3A_1080] {strides = array<i32>} : memref<16x128xf32, #tpu.memory_space<vmem>>, vector<1x16xf32>,
      %swap3A_1082 = vector.shape_cast %swap3A_1081 : vector<1x16xf32> to vector<16xf32>
      %swap3A_1083 = vector.shape_cast %add3A_1077 : vector<16xf32> to vector<1x16xf32>
      tpu.vector_store %arg10[%swap3A_1079, %swap3A_1080], %swap3A_1083 {strides = array<i32>} : memref<16x128xf32, #tpu.memory_space<vmem>>, vector<1x16xf32>,
      %get3A_1084 = arith.constant 7 : i32
      %get3A_1085 = arith.index_cast %get3A_1084 : i32 to index
      %get3A_1086 = arith.constant 112 : index
      %get3A_1087 = tpu.vector_load %arg10[%get3A_1085, %get3A_1086] {strides = array<i32>} : memref<16x128xf32, #tpu.memory_space<vmem>>, vector<1x16xf32>,
      %get3A_1088 = vector.shape_cast %get3A_1087 : vector<1x16xf32> to vector<16xf32>
      %get3A_1089 = arith.constant 7 : i32
      %get3A_1090 = arith.index_cast %get3A_1089 : i32 to index
      %get3A_1091 = arith.constant 112 : index
      %get3A_1092 = tpu.vector_load %arg9[%get3A_1090, %get3A_1091] {strides = array<i32>} : memref<16x128xf32, #tpu.memory_space<vmem>>, vector<1x16xf32>,
      %get3A_1093 = vector.shape_cast %get3A_1092 : vector<1x16xf32> to vector<16xf32>
      %add3A_1094 = arith.addf %get3A_1088, %get3A_1093 : vector<16xf32>
      %swap3A_1095 = arith.constant 7 : i32
      %swap3A_1096 = arith.index_cast %swap3A_1095 : i32 to index
      %swap3A_1097 = arith.constant 112 : index
      %swap3A_1098 = tpu.vector_load %arg10[%swap3A_1096, %swap3A_1097] {strides = array<i32>} : memref<16x128xf32, #tpu.memory_space<vmem>>, vector<1x16xf32>,
      %swap3A_1099 = vector.shape_cast %swap3A_1098 : vector<1x16xf32> to vector<16xf32>
      %swap3A_1100 = vector.shape_cast %add3A_1094 : vector<16xf32> to vector<1x16xf32>
      tpu.vector_store %arg10[%swap3A_1096, %swap3A_1097], %swap3A_1100 {strides = array<i32>} : memref<16x128xf32, #tpu.memory_space<vmem>>, vector<1x16xf32>,
      %get3A_1101 = arith.constant 8 : i32
      %get3A_1102 = arith.index_cast %get3A_1101 : i32 to index
      %get3A_1103 = arith.constant 0 : index
      %get3A_1104 = tpu.vector_load %arg10[%get3A_1102, %get3A_1103] {strides = array<i32>} : memref<16x128xf32, #tpu.memory_space<vmem>>, vector<1x16xf32>,
      %get3A_1105 = vector.shape_cast %get3A_1104 : vector<1x16xf32> to vector<16xf32>
      %get3A_1106 = arith.constant 8 : i32
      %get3A_1107 = arith.index_cast %get3A_1106 : i32 to index
      %get3A_1108 = arith.constant 0 : index
      %get3A_1109 = tpu.vector_load %arg9[%get3A_1107, %get3A_1108] {strides = array<i32>} : memref<16x128xf32, #tpu.memory_space<vmem>>, vector<1x16xf32>,
      %get3A_1110 = vector.shape_cast %get3A_1109 : vector<1x16xf32> to vector<16xf32>
      %add3A_1111 = arith.addf %get3A_1105, %get3A_1110 : vector<16xf32>
      %swap3A_1112 = arith.constant 8 : i32
      %swap3A_1113 = arith.index_cast %swap3A_1112 : i32 to index
      %swap3A_1114 = arith.constant 0 : index
      %swap3A_1115 = tpu.vector_load %arg10[%swap3A_1113, %swap3A_1114] {strides = array<i32>} : memref<16x128xf32, #tpu.memory_space<vmem>>, vector<1x16xf32>,
      %swap3A_1116 = vector.shape_cast %swap3A_1115 : vector<1x16xf32> to vector<16xf32>
      %swap3A_1117 = vector.shape_cast %add3A_1111 : vector<16xf32> to vector<1x16xf32>
      tpu.vector_store %arg10[%swap3A_1113, %swap3A_1114], %swap3A_1117 {strides = array<i32>} : memref<16x128xf32, #tpu.memory_space<vmem>>, vector<1x16xf32>,
      %get3A_1118 = arith.constant 8 : i32
      %get3A_1119 = arith.index_cast %get3A_1118 : i32 to index
      %get3A_1120 = arith.constant 16 : index
      %get3A_1121 = tpu.vector_load %arg10[%get3A_1119, %get3A_1120] {strides = array<i32>} : memref<16x128xf32, #tpu.memory_space<vmem>>, vector<1x16xf32>,
      %get3A_1122 = vector.shape_cast %get3A_1121 : vector<1x16xf32> to vector<16xf32>
      %get3A_1123 = arith.constant 8 : i32
      %get3A_1124 = arith.index_cast %get3A_1123 : i32 to index
      %get3A_1125 = arith.constant 16 : index
      %get3A_1126 = tpu.vector_load %arg9[%get3A_1124, %get3A_1125] {strides = array<i32>} : memref<16x128xf32, #tpu.memory_space<vmem>>, vector<1x16xf32>,
      %get3A_1127 = vector.shape_cast %get3A_1126 : vector<1x16xf32> to vector<16xf32>
      %add3A_1128 = arith.addf %get3A_1122, %get3A_1127 : vector<16xf32>
      %swap3A_1129 = arith.constant 8 : i32
      %swap3A_1130 = arith.index_cast %swap3A_1129 : i32 to index
      %swap3A_1131 = arith.constant 16 : index
      %swap3A_1132 = tpu.vector_load %arg10[%swap3A_1130, %swap3A_1131] {strides = array<i32>} : memref<16x128xf32, #tpu.memory_space<vmem>>, vector<1x16xf32>,
      %swap3A_1133 = vector.shape_cast %swap3A_1132 : vector<1x16xf32> to vector<16xf32>
      %swap3A_1134 = vector.shape_cast %add3A_1128 : vector<16xf32> to vector<1x16xf32>
      tpu.vector_store %arg10[%swap3A_1130, %swap3A_1131], %swap3A_1134 {strides = array<i32>} : memref<16x128xf32, #tpu.memory_space<vmem>>, vector<1x16xf32>,
      %get3A_1135 = arith.constant 8 : i32
      %get3A_1136 = arith.index_cast %get3A_1135 : i32 to index
      %get3A_1137 = arith.constant 32 : index
      %get3A_1138 = tpu.vector_load %arg10[%get3A_1136, %get3A_1137] {strides = array<i32>} : memref<16x128xf32, #tpu.memory_space<vmem>>, vector<1x16xf32>,
      %get3A_1139 = vector.shape_cast %get3A_1138 : vector<1x16xf32> to vector<16xf32>
      %get3A_1140 = arith.constant 8 : i32
      %get3A_1141 = arith.index_cast %get3A_1140 : i32 to index
      %get3A_1142 = arith.constant 32 : index
      %get3A_1143 = tpu.vector_load %arg9[%get3A_1141, %get3A_1142] {strides = array<i32>} : memref<16x128xf32, #tpu.memory_space<vmem>>, vector<1x16xf32>,
      %get3A_1144 = vector.shape_cast %get3A_1143 : vector<1x16xf32> to vector<16xf32>
      %add3A_1145 = arith.addf %get3A_1139, %get3A_1144 : vector<16xf32>
      %swap3A_1146 = arith.constant 8 : i32
      %swap3A_1147 = arith.index_cast %swap3A_1146 : i32 to index
      %swap3A_1148 = arith.constant 32 : index
      %swap3A_1149 = tpu.vector_load %arg10[%swap3A_1147, %swap3A_1148] {strides = array<i32>} : memref<16x128xf32, #tpu.memory_space<vmem>>, vector<1x16xf32>,
      %swap3A_1150 = vector.shape_cast %swap3A_1149 : vector<1x16xf32> to vector<16xf32>
      %swap3A_1151 = vector.shape_cast %add3A_1145 : vector<16xf32> to vector<1x16xf32>
      tpu.vector_store %arg10[%swap3A_1147, %swap3A_1148], %swap3A_1151 {strides = array<i32>} : memref<16x128xf32, #tpu.memory_space<vmem>>, vector<1x16xf32>,
      %get3A_1152 = arith.constant 8 : i32
      %get3A_1153 = arith.index_cast %get3A_1152 : i32 to index
      %get3A_1154 = arith.constant 48 : index
      %get3A_1155 = tpu.vector_load %arg10[%get3A_1153, %get3A_1154] {strides = array<i32>} : memref<16x128xf32, #tpu.memory_space<vmem>>, vector<1x16xf32>,
      %get3A_1156 = vector.shape_cast %get3A_1155 : vector<1x16xf32> to vector<16xf32>
      %get3A_1157 = arith.constant 8 : i32
      %get3A_1158 = arith.index_cast %get3A_1157 : i32 to index
      %get3A_1159 = arith.constant 48 : index
      %get3A_1160 = tpu.vector_load %arg9[%get3A_1158, %get3A_1159] {strides = array<i32>} : memref<16x128xf32, #tpu.memory_space<vmem>>, vector<1x16xf32>,
      %get3A_1161 = vector.shape_cast %get3A_1160 : vector<1x16xf32> to vector<16xf32>
      %add3A_1162 = arith.addf %get3A_1156, %get3A_1161 : vector<16xf32>
      %swap3A_1163 = arith.constant 8 : i32
      %swap3A_1164 = arith.index_cast %swap3A_1163 : i32 to index
      %swap3A_1165 = arith.constant 48 : index
      %swap3A_1166 = tpu.vector_load %arg10[%swap3A_1164, %swap3A_1165] {strides = array<i32>} : memref<16x128xf32, #tpu.memory_space<vmem>>, vector<1x16xf32>,
      %swap3A_1167 = vector.shape_cast %swap3A_1166 : vector<1x16xf32> to vector<16xf32>
      %swap3A_1168 = vector.shape_cast %add3A_1162 : vector<16xf32> to vector<1x16xf32>
      tpu.vector_store %arg10[%swap3A_1164, %swap3A_1165], %swap3A_1168 {strides = array<i32>} : memref<16x128xf32, #tpu.memory_space<vmem>>, vector<1x16xf32>,
      %get3A_1169 = arith.constant 8 : i32
      %get3A_1170 = arith.index_cast %get3A_1169 : i32 to index
      %get3A_1171 = arith.constant 64 : index
      %get3A_1172 = tpu.vector_load %arg10[%get3A_1170, %get3A_1171] {strides = array<i32>} : memref<16x128xf32, #tpu.memory_space<vmem>>, vector<1x16xf32>,
      %get3A_1173 = vector.shape_cast %get3A_1172 : vector<1x16xf32> to vector<16xf32>
      %get3A_1174 = arith.constant 8 : i32
      %get3A_1175 = arith.index_cast %get3A_1174 : i32 to index
      %get3A_1176 = arith.constant 64 : index
      %get3A_1177 = tpu.vector_load %arg9[%get3A_1175, %get3A_1176] {strides = array<i32>} : memref<16x128xf32, #tpu.memory_space<vmem>>, vector<1x16xf32>,
      %get3A_1178 = vector.shape_cast %get3A_1177 : vector<1x16xf32> to vector<16xf32>
      %add3A_1179 = arith.addf %get3A_1173, %get3A_1178 : vector<16xf32>
      %swap3A_1180 = arith.constant 8 : i32
      %swap3A_1181 = arith.index_cast %swap3A_1180 : i32 to index
      %swap3A_1182 = arith.constant 64 : index
      %swap3A_1183 = tpu.vector_load %arg10[%swap3A_1181, %swap3A_1182] {strides = array<i32>} : memref<16x128xf32, #tpu.memory_space<vmem>>, vector<1x16xf32>,
      %swap3A_1184 = vector.shape_cast %swap3A_1183 : vector<1x16xf32> to vector<16xf32>
      %swap3A_1185 = vector.shape_cast %add3A_1179 : vector<16xf32> to vector<1x16xf32>
      tpu.vector_store %arg10[%swap3A_1181, %swap3A_1182], %swap3A_1185 {strides = array<i32>} : memref<16x128xf32, #tpu.memory_space<vmem>>, vector<1x16xf32>,
      %get3A_1186 = arith.constant 8 : i32
      %get3A_1187 = arith.index_cast %get3A_1186 : i32 to index
      %get3A_1188 = arith.constant 80 : index
      %get3A_1189 = tpu.vector_load %arg10[%get3A_1187, %get3A_1188] {strides = array<i32>} : memref<16x128xf32, #tpu.memory_space<vmem>>, vector<1x16xf32>,
      %get3A_1190 = vector.shape_cast %get3A_1189 : vector<1x16xf32> to vector<16xf32>
      %get3A_1191 = arith.constant 8 : i32
      %get3A_1192 = arith.index_cast %get3A_1191 : i32 to index
      %get3A_1193 = arith.constant 80 : index
      %get3A_1194 = tpu.vector_load %arg9[%get3A_1192, %get3A_1193] {strides = array<i32>} : memref<16x128xf32, #tpu.memory_space<vmem>>, vector<1x16xf32>,
      %get3A_1195 = vector.shape_cast %get3A_1194 : vector<1x16xf32> to vector<16xf32>
      %add3A_1196 = arith.addf %get3A_1190, %get3A_1195 : vector<16xf32>
      %swap3A_1197 = arith.constant 8 : i32
      %swap3A_1198 = arith.index_cast %swap3A_1197 : i32 to index
      %swap3A_1199 = arith.constant 80 : index
      %swap3A_1200 = tpu.vector_load %arg10[%swap3A_1198, %swap3A_1199] {strides = array<i32>} : memref<16x128xf32, #tpu.memory_space<vmem>>, vector<1x16xf32>,
      %swap3A_1201 = vector.shape_cast %swap3A_1200 : vector<1x16xf32> to vector<16xf32>
      %swap3A_1202 = vector.shape_cast %add3A_1196 : vector<16xf32> to vector<1x16xf32>
      tpu.vector_store %arg10[%swap3A_1198, %swap3A_1199], %swap3A_1202 {strides = array<i32>} : memref<16x128xf32, #tpu.memory_space<vmem>>, vector<1x16xf32>,
      %get3A_1203 = arith.constant 8 : i32
      %get3A_1204 = arith.index_cast %get3A_1203 : i32 to index
      %get3A_1205 = arith.constant 96 : index
      %get3A_1206 = tpu.vector_load %arg10[%get3A_1204, %get3A_1205] {strides = array<i32>} : memref<16x128xf32, #tpu.memory_space<vmem>>, vector<1x16xf32>,
      %get3A_1207 = vector.shape_cast %get3A_1206 : vector<1x16xf32> to vector<16xf32>
      %get3A_1208 = arith.constant 8 : i32
      %get3A_1209 = arith.index_cast %get3A_1208 : i32 to index
      %get3A_1210 = arith.constant 96 : index
      %get3A_1211 = tpu.vector_load %arg9[%get3A_1209, %get3A_1210] {strides = array<i32>} : memref<16x128xf32, #tpu.memory_space<vmem>>, vector<1x16xf32>,
      %get3A_1212 = vector.shape_cast %get3A_1211 : vector<1x16xf32> to vector<16xf32>
      %add3A_1213 = arith.addf %get3A_1207, %get3A_1212 : vector<16xf32>
      %swap3A_1214 = arith.constant 8 : i32
      %swap3A_1215 = arith.index_cast %swap3A_1214 : i32 to index
      %swap3A_1216 = arith.constant 96 : index
      %swap3A_1217 = tpu.vector_load %arg10[%swap3A_1215, %swap3A_1216] {strides = array<i32>} : memref<16x128xf32, #tpu.memory_space<vmem>>, vector<1x16xf32>,
      %swap3A_1218 = vector.shape_cast %swap3A_1217 : vector<1x16xf32> to vector<16xf32>
      %swap3A_1219 = vector.shape_cast %add3A_1213 : vector<16xf32> to vector<1x16xf32>
      tpu.vector_store %arg10[%swap3A_1215, %swap3A_1216], %swap3A_1219 {strides = array<i32>} : memref<16x128xf32, #tpu.memory_space<vmem>>, vector<1x16xf32>,
      %get3A_1220 = arith.constant 8 : i32
      %get3A_1221 = arith.index_cast %get3A_1220 : i32 to index
      %get3A_1222 = arith.constant 112 : index
      %get3A_1223 = tpu.vector_load %arg10[%get3A_1221, %get3A_1222] {strides = array<i32>} : memref<16x128xf32, #tpu.memory_space<vmem>>, vector<1x16xf32>,
      %get3A_1224 = vector.shape_cast %get3A_1223 : vector<1x16xf32> to vector<16xf32>
      %get3A_1225 = arith.constant 8 : i32
      %get3A_1226 = arith.index_cast %get3A_1225 : i32 to index
      %get3A_1227 = arith.constant 112 : index
      %get3A_1228 = tpu.vector_load %arg9[%get3A_1226, %get3A_1227] {strides = array<i32>} : memref<16x128xf32, #tpu.memory_space<vmem>>, vector<1x16xf32>,
      %get3A_1229 = vector.shape_cast %get3A_1228 : vector<1x16xf32> to vector<16xf32>
      %add3A_1230 = arith.addf %get3A_1224, %get3A_1229 : vector<16xf32>
      %swap3A_1231 = arith.constant 8 : i32
      %swap3A_1232 = arith.index_cast %swap3A_1231 : i32 to index
      %swap3A_1233 = arith.constant 112 : index
      %swap3A_1234 = tpu.vector_load %arg10[%swap3A_1232, %swap3A_1233] {strides = array<i32>} : memref<16x128xf32, #tpu.memory_space<vmem>>, vector<1x16xf32>,
      %swap3A_1235 = vector.shape_cast %swap3A_1234 : vector<1x16xf32> to vector<16xf32>
      %swap3A_1236 = vector.shape_cast %add3A_1230 : vector<16xf32> to vector<1x16xf32>
      tpu.vector_store %arg10[%swap3A_1232, %swap3A_1233], %swap3A_1236 {strides = array<i32>} : memref<16x128xf32, #tpu.memory_space<vmem>>, vector<1x16xf32>,
      %get3A_1237 = arith.constant 9 : i32
      %get3A_1238 = arith.index_cast %get3A_1237 : i32 to index
      %get3A_1239 = arith.constant 0 : index
      %get3A_1240 = tpu.vector_load %arg10[%get3A_1238, %get3A_1239] {strides = array<i32>} : memref<16x128xf32, #tpu.memory_space<vmem>>, vector<1x16xf32>,
      %get3A_1241 = vector.shape_cast %get3A_1240 : vector<1x16xf32> to vector<16xf32>
      %get3A_1242 = arith.constant 9 : i32
      %get3A_1243 = arith.index_cast %get3A_1242 : i32 to index
      %get3A_1244 = arith.constant 0 : index
      %get3A_1245 = tpu.vector_load %arg9[%get3A_1243, %get3A_1244] {strides = array<i32>} : memref<16x128xf32, #tpu.memory_space<vmem>>, vector<1x16xf32>,
      %get3A_1246 = vector.shape_cast %get3A_1245 : vector<1x16xf32> to vector<16xf32>
      %add3A_1247 = arith.addf %get3A_1241, %get3A_1246 : vector<16xf32>
      %swap3A_1248 = arith.constant 9 : i32
      %swap3A_1249 = arith.index_cast %swap3A_1248 : i32 to index
      %swap3A_1250 = arith.constant 0 : index
      %swap3A_1251 = tpu.vector_load %arg10[%swap3A_1249, %swap3A_1250] {strides = array<i32>} : memref<16x128xf32, #tpu.memory_space<vmem>>, vector<1x16xf32>,
      %swap3A_1252 = vector.shape_cast %swap3A_1251 : vector<1x16xf32> to vector<16xf32>
      %swap3A_1253 = vector.shape_cast %add3A_1247 : vector<16xf32> to vector<1x16xf32>
      tpu.vector_store %arg10[%swap3A_1249, %swap3A_1250], %swap3A_1253 {strides = array<i32>} : memref<16x128xf32, #tpu.memory_space<vmem>>, vector<1x16xf32>,
      %get3A_1254 = arith.constant 9 : i32
      %get3A_1255 = arith.index_cast %get3A_1254 : i32 to index
      %get3A_1256 = arith.constant 16 : index
      %get3A_1257 = tpu.vector_load %arg10[%get3A_1255, %get3A_1256] {strides = array<i32>} : memref<16x128xf32, #tpu.memory_space<vmem>>, vector<1x16xf32>,
      %get3A_1258 = vector.shape_cast %get3A_1257 : vector<1x16xf32> to vector<16xf32>
      %get3A_1259 = arith.constant 9 : i32
      %get3A_1260 = arith.index_cast %get3A_1259 : i32 to index
      %get3A_1261 = arith.constant 16 : index
      %get3A_1262 = tpu.vector_load %arg9[%get3A_1260, %get3A_1261] {strides = array<i32>} : memref<16x128xf32, #tpu.memory_space<vmem>>, vector<1x16xf32>,
      %get3A_1263 = vector.shape_cast %get3A_1262 : vector<1x16xf32> to vector<16xf32>
      %add3A_1264 = arith.addf %get3A_1258, %get3A_1263 : vector<16xf32>
      %swap3A_1265 = arith.constant 9 : i32
      %swap3A_1266 = arith.index_cast %swap3A_1265 : i32 to index
      %swap3A_1267 = arith.constant 16 : index
      %swap3A_1268 = tpu.vector_load %arg10[%swap3A_1266, %swap3A_1267] {strides = array<i32>} : memref<16x128xf32, #tpu.memory_space<vmem>>, vector<1x16xf32>,
      %swap3A_1269 = vector.shape_cast %swap3A_1268 : vector<1x16xf32> to vector<16xf32>
      %swap3A_1270 = vector.shape_cast %add3A_1264 : vector<16xf32> to vector<1x16xf32>
      tpu.vector_store %arg10[%swap3A_1266, %swap3A_1267], %swap3A_1270 {strides = array<i32>} : memref<16x128xf32, #tpu.memory_space<vmem>>, vector<1x16xf32>,
      %get3A_1271 = arith.constant 9 : i32
      %get3A_1272 = arith.index_cast %get3A_1271 : i32 to index
      %get3A_1273 = arith.constant 32 : index
      %get3A_1274 = tpu.vector_load %arg10[%get3A_1272, %get3A_1273] {strides = array<i32>} : memref<16x128xf32, #tpu.memory_space<vmem>>, vector<1x16xf32>,
      %get3A_1275 = vector.shape_cast %get3A_1274 : vector<1x16xf32> to vector<16xf32>
      %get3A_1276 = arith.constant 9 : i32
      %get3A_1277 = arith.index_cast %get3A_1276 : i32 to index
      %get3A_1278 = arith.constant 32 : index
      %get3A_1279 = tpu.vector_load %arg9[%get3A_1277, %get3A_1278] {strides = array<i32>} : memref<16x128xf32, #tpu.memory_space<vmem>>, vector<1x16xf32>,
      %get3A_1280 = vector.shape_cast %get3A_1279 : vector<1x16xf32> to vector<16xf32>
      %add3A_1281 = arith.addf %get3A_1275, %get3A_1280 : vector<16xf32>
      %swap3A_1282 = arith.constant 9 : i32
      %swap3A_1283 = arith.index_cast %swap3A_1282 : i32 to index
      %swap3A_1284 = arith.constant 32 : index
      %swap3A_1285 = tpu.vector_load %arg10[%swap3A_1283, %swap3A_1284] {strides = array<i32>} : memref<16x128xf32, #tpu.memory_space<vmem>>, vector<1x16xf32>,
      %swap3A_1286 = vector.shape_cast %swap3A_1285 : vector<1x16xf32> to vector<16xf32>
      %swap3A_1287 = vector.shape_cast %add3A_1281 : vector<16xf32> to vector<1x16xf32>
      tpu.vector_store %arg10[%swap3A_1283, %swap3A_1284], %swap3A_1287 {strides = array<i32>} : memref<16x128xf32, #tpu.memory_space<vmem>>, vector<1x16xf32>,
      %get3A_1288 = arith.constant 9 : i32
      %get3A_1289 = arith.index_cast %get3A_1288 : i32 to index
      %get3A_1290 = arith.constant 48 : index
      %get3A_1291 = tpu.vector_load %arg10[%get3A_1289, %get3A_1290] {strides = array<i32>} : memref<16x128xf32, #tpu.memory_space<vmem>>, vector<1x16xf32>,
      %get3A_1292 = vector.shape_cast %get3A_1291 : vector<1x16xf32> to vector<16xf32>
      %get3A_1293 = arith.constant 9 : i32
      %get3A_1294 = arith.index_cast %get3A_1293 : i32 to index
      %get3A_1295 = arith.constant 48 : index
      %get3A_1296 = tpu.vector_load %arg9[%get3A_1294, %get3A_1295] {strides = array<i32>} : memref<16x128xf32, #tpu.memory_space<vmem>>, vector<1x16xf32>,
      %get3A_1297 = vector.shape_cast %get3A_1296 : vector<1x16xf32> to vector<16xf32>
      %add3A_1298 = arith.addf %get3A_1292, %get3A_1297 : vector<16xf32>
      %swap3A_1299 = arith.constant 9 : i32
      %swap3A_1300 = arith.index_cast %swap3A_1299 : i32 to index
      %swap3A_1301 = arith.constant 48 : index
      %swap3A_1302 = tpu.vector_load %arg10[%swap3A_1300, %swap3A_1301] {strides = array<i32>} : memref<16x128xf32, #tpu.memory_space<vmem>>, vector<1x16xf32>,
      %swap3A_1303 = vector.shape_cast %swap3A_1302 : vector<1x16xf32> to vector<16xf32>
      %swap3A_1304 = vector.shape_cast %add3A_1298 : vector<16xf32> to vector<1x16xf32>
      tpu.vector_store %arg10[%swap3A_1300, %swap3A_1301], %swap3A_1304 {strides = array<i32>} : memref<16x128xf32, #tpu.memory_space<vmem>>, vector<1x16xf32>,
      %get3A_1305 = arith.constant 9 : i32
      %get3A_1306 = arith.index_cast %get3A_1305 : i32 to index
      %get3A_1307 = arith.constant 64 : index
      %get3A_1308 = tpu.vector_load %arg10[%get3A_1306, %get3A_1307] {strides = array<i32>} : memref<16x128xf32, #tpu.memory_space<vmem>>, vector<1x16xf32>,
      %get3A_1309 = vector.shape_cast %get3A_1308 : vector<1x16xf32> to vector<16xf32>
      %get3A_1310 = arith.constant 9 : i32
      %get3A_1311 = arith.index_cast %get3A_1310 : i32 to index
      %get3A_1312 = arith.constant 64 : index
      %get3A_1313 = tpu.vector_load %arg9[%get3A_1311, %get3A_1312] {strides = array<i32>} : memref<16x128xf32, #tpu.memory_space<vmem>>, vector<1x16xf32>,
      %get3A_1314 = vector.shape_cast %get3A_1313 : vector<1x16xf32> to vector<16xf32>
      %add3A_1315 = arith.addf %get3A_1309, %get3A_1314 : vector<16xf32>
      %swap3A_1316 = arith.constant 9 : i32
      %swap3A_1317 = arith.index_cast %swap3A_1316 : i32 to index
      %swap3A_1318 = arith.constant 64 : index
      %swap3A_1319 = tpu.vector_load %arg10[%swap3A_1317, %swap3A_1318] {strides = array<i32>} : memref<16x128xf32, #tpu.memory_space<vmem>>, vector<1x16xf32>,
      %swap3A_1320 = vector.shape_cast %swap3A_1319 : vector<1x16xf32> to vector<16xf32>
      %swap3A_1321 = vector.shape_cast %add3A_1315 : vector<16xf32> to vector<1x16xf32>
      tpu.vector_store %arg10[%swap3A_1317, %swap3A_1318], %swap3A_1321 {strides = array<i32>} : memref<16x128xf32, #tpu.memory_space<vmem>>, vector<1x16xf32>,
      %get3A_1322 = arith.constant 9 : i32
      %get3A_1323 = arith.index_cast %get3A_1322 : i32 to index
      %get3A_1324 = arith.constant 80 : index
      %get3A_1325 = tpu.vector_load %arg10[%get3A_1323, %get3A_1324] {strides = array<i32>} : memref<16x128xf32, #tpu.memory_space<vmem>>, vector<1x16xf32>,
      %get3A_1326 = vector.shape_cast %get3A_1325 : vector<1x16xf32> to vector<16xf32>
      %get3A_1327 = arith.constant 9 : i32
      %get3A_1328 = arith.index_cast %get3A_1327 : i32 to index
      %get3A_1329 = arith.constant 80 : index
      %get3A_1330 = tpu.vector_load %arg9[%get3A_1328, %get3A_1329] {strides = array<i32>} : memref<16x128xf32, #tpu.memory_space<vmem>>, vector<1x16xf32>,
      %get3A_1331 = vector.shape_cast %get3A_1330 : vector<1x16xf32> to vector<16xf32>
      %add3A_1332 = arith.addf %get3A_1326, %get3A_1331 : vector<16xf32>
      %swap3A_1333 = arith.constant 9 : i32
      %swap3A_1334 = arith.index_cast %swap3A_1333 : i32 to index
      %swap3A_1335 = arith.constant 80 : index
      %swap3A_1336 = tpu.vector_load %arg10[%swap3A_1334, %swap3A_1335] {strides = array<i32>} : memref<16x128xf32, #tpu.memory_space<vmem>>, vector<1x16xf32>,
      %swap3A_1337 = vector.shape_cast %swap3A_1336 : vector<1x16xf32> to vector<16xf32>
      %swap3A_1338 = vector.shape_cast %add3A_1332 : vector<16xf32> to vector<1x16xf32>
      tpu.vector_store %arg10[%swap3A_1334, %swap3A_1335], %swap3A_1338 {strides = array<i32>} : memref<16x128xf32, #tpu.memory_space<vmem>>, vector<1x16xf32>,
      %get3A_1339 = arith.constant 9 : i32
      %get3A_1340 = arith.index_cast %get3A_1339 : i32 to index
      %get3A_1341 = arith.constant 96 : index
      %get3A_1342 = tpu.vector_load %arg10[%get3A_1340, %get3A_1341] {strides = array<i32>} : memref<16x128xf32, #tpu.memory_space<vmem>>, vector<1x16xf32>,
      %get3A_1343 = vector.shape_cast %get3A_1342 : vector<1x16xf32> to vector<16xf32>
      %get3A_1344 = arith.constant 9 : i32
      %get3A_1345 = arith.index_cast %get3A_1344 : i32 to index
      %get3A_1346 = arith.constant 96 : index
      %get3A_1347 = tpu.vector_load %arg9[%get3A_1345, %get3A_1346] {strides = array<i32>} : memref<16x128xf32, #tpu.memory_space<vmem>>, vector<1x16xf32>,
      %get3A_1348 = vector.shape_cast %get3A_1347 : vector<1x16xf32> to vector<16xf32>
      %add3A_1349 = arith.addf %get3A_1343, %get3A_1348 : vector<16xf32>
      %swap3A_1350 = arith.constant 9 : i32
      %swap3A_1351 = arith.index_cast %swap3A_1350 : i32 to index
      %swap3A_1352 = arith.constant 96 : index
      %swap3A_1353 = tpu.vector_load %arg10[%swap3A_1351, %swap3A_1352] {strides = array<i32>} : memref<16x128xf32, #tpu.memory_space<vmem>>, vector<1x16xf32>,
      %swap3A_1354 = vector.shape_cast %swap3A_1353 : vector<1x16xf32> to vector<16xf32>
      %swap3A_1355 = vector.shape_cast %add3A_1349 : vector<16xf32> to vector<1x16xf32>
      tpu.vector_store %arg10[%swap3A_1351, %swap3A_1352], %swap3A_1355 {strides = array<i32>} : memref<16x128xf32, #tpu.memory_space<vmem>>, vector<1x16xf32>,
      %get3A_1356 = arith.constant 9 : i32
      %get3A_1357 = arith.index_cast %get3A_1356 : i32 to index
      %get3A_1358 = arith.constant 112 : index
      %get3A_1359 = tpu.vector_load %arg10[%get3A_1357, %get3A_1358] {strides = array<i32>} : memref<16x128xf32, #tpu.memory_space<vmem>>, vector<1x16xf32>,
      %get3A_1360 = vector.shape_cast %get3A_1359 : vector<1x16xf32> to vector<16xf32>
      %get3A_1361 = arith.constant 9 : i32
      %get3A_1362 = arith.index_cast %get3A_1361 : i32 to index
      %get3A_1363 = arith.constant 112 : index
      %get3A_1364 = tpu.vector_load %arg9[%get3A_1362, %get3A_1363] {strides = array<i32>} : memref<16x128xf32, #tpu.memory_space<vmem>>, vector<1x16xf32>,
      %get3A_1365 = vector.shape_cast %get3A_1364 : vector<1x16xf32> to vector<16xf32>
      %add3A_1366 = arith.addf %get3A_1360, %get3A_1365 : vector<16xf32>
      %swap3A_1367 = arith.constant 9 : i32
      %swap3A_1368 = arith.index_cast %swap3A_1367 : i32 to index
      %swap3A_1369 = arith.constant 112 : index
      %swap3A_1370 = tpu.vector_load %arg10[%swap3A_1368, %swap3A_1369] {strides = array<i32>} : memref<16x128xf32, #tpu.memory_space<vmem>>, vector<1x16xf32>,
      %swap3A_1371 = vector.shape_cast %swap3A_1370 : vector<1x16xf32> to vector<16xf32>
      %swap3A_1372 = vector.shape_cast %add3A_1366 : vector<16xf32> to vector<1x16xf32>
      tpu.vector_store %arg10[%swap3A_1368, %swap3A_1369], %swap3A_1372 {strides = array<i32>} : memref<16x128xf32, #tpu.memory_space<vmem>>, vector<1x16xf32>,
      %get3A_1373 = arith.constant 10 : i32
      %get3A_1374 = arith.index_cast %get3A_1373 : i32 to index
      %get3A_1375 = arith.constant 0 : index
      %get3A_1376 = tpu.vector_load %arg10[%get3A_1374, %get3A_1375] {strides = array<i32>} : memref<16x128xf32, #tpu.memory_space<vmem>>, vector<1x16xf32>,
      %get3A_1377 = vector.shape_cast %get3A_1376 : vector<1x16xf32> to vector<16xf32>
      %get3A_1378 = arith.constant 10 : i32
      %get3A_1379 = arith.index_cast %get3A_1378 : i32 to index
      %get3A_1380 = arith.constant 0 : index
      %get3A_1381 = tpu.vector_load %arg9[%get3A_1379, %get3A_1380] {strides = array<i32>} : memref<16x128xf32, #tpu.memory_space<vmem>>, vector<1x16xf32>,
      %get3A_1382 = vector.shape_cast %get3A_1381 : vector<1x16xf32> to vector<16xf32>
      %add3A_1383 = arith.addf %get3A_1377, %get3A_1382 : vector<16xf32>
      %swap3A_1384 = arith.constant 10 : i32
      %swap3A_1385 = arith.index_cast %swap3A_1384 : i32 to index
      %swap3A_1386 = arith.constant 0 : index
      %swap3A_1387 = tpu.vector_load %arg10[%swap3A_1385, %swap3A_1386] {strides = array<i32>} : memref<16x128xf32, #tpu.memory_space<vmem>>, vector<1x16xf32>,
      %swap3A_1388 = vector.shape_cast %swap3A_1387 : vector<1x16xf32> to vector<16xf32>
      %swap3A_1389 = vector.shape_cast %add3A_1383 : vector<16xf32> to vector<1x16xf32>
      tpu.vector_store %arg10[%swap3A_1385, %swap3A_1386], %swap3A_1389 {strides = array<i32>} : memref<16x128xf32, #tpu.memory_space<vmem>>, vector<1x16xf32>,
      %get3A_1390 = arith.constant 10 : i32
      %get3A_1391 = arith.index_cast %get3A_1390 : i32 to index
      %get3A_1392 = arith.constant 16 : index
      %get3A_1393 = tpu.vector_load %arg10[%get3A_1391, %get3A_1392] {strides = array<i32>} : memref<16x128xf32, #tpu.memory_space<vmem>>, vector<1x16xf32>,
      %get3A_1394 = vector.shape_cast %get3A_1393 : vector<1x16xf32> to vector<16xf32>
      %get3A_1395 = arith.constant 10 : i32
      %get3A_1396 = arith.index_cast %get3A_1395 : i32 to index
      %get3A_1397 = arith.constant 16 : index
      %get3A_1398 = tpu.vector_load %arg9[%get3A_1396, %get3A_1397] {strides = array<i32>} : memref<16x128xf32, #tpu.memory_space<vmem>>, vector<1x16xf32>,
      %get3A_1399 = vector.shape_cast %get3A_1398 : vector<1x16xf32> to vector<16xf32>
      %add3A_1400 = arith.addf %get3A_1394, %get3A_1399 : vector<16xf32>
      %swap3A_1401 = arith.constant 10 : i32
      %swap3A_1402 = arith.index_cast %swap3A_1401 : i32 to index
      %swap3A_1403 = arith.constant 16 : index
      %swap3A_1404 = tpu.vector_load %arg10[%swap3A_1402, %swap3A_1403] {strides = array<i32>} : memref<16x128xf32, #tpu.memory_space<vmem>>, vector<1x16xf32>,
      %swap3A_1405 = vector.shape_cast %swap3A_1404 : vector<1x16xf32> to vector<16xf32>
      %swap3A_1406 = vector.shape_cast %add3A_1400 : vector<16xf32> to vector<1x16xf32>
      tpu.vector_store %arg10[%swap3A_1402, %swap3A_1403], %swap3A_1406 {strides = array<i32>} : memref<16x128xf32, #tpu.memory_space<vmem>>, vector<1x16xf32>,
      %get3A_1407 = arith.constant 10 : i32
      %get3A_1408 = arith.index_cast %get3A_1407 : i32 to index
      %get3A_1409 = arith.constant 32 : index
      %get3A_1410 = tpu.vector_load %arg10[%get3A_1408, %get3A_1409] {strides = array<i32>} : memref<16x128xf32, #tpu.memory_space<vmem>>, vector<1x16xf32>,
      %get3A_1411 = vector.shape_cast %get3A_1410 : vector<1x16xf32> to vector<16xf32>
      %get3A_1412 = arith.constant 10 : i32
      %get3A_1413 = arith.index_cast %get3A_1412 : i32 to index
      %get3A_1414 = arith.constant 32 : index
      %get3A_1415 = tpu.vector_load %arg9[%get3A_1413, %get3A_1414] {strides = array<i32>} : memref<16x128xf32, #tpu.memory_space<vmem>>, vector<1x16xf32>,
      %get3A_1416 = vector.shape_cast %get3A_1415 : vector<1x16xf32> to vector<16xf32>
      %add3A_1417 = arith.addf %get3A_1411, %get3A_1416 : vector<16xf32>
      %swap3A_1418 = arith.constant 10 : i32
      %swap3A_1419 = arith.index_cast %swap3A_1418 : i32 to index
      %swap3A_1420 = arith.constant 32 : index
      %swap3A_1421 = tpu.vector_load %arg10[%swap3A_1419, %swap3A_1420] {strides = array<i32>} : memref<16x128xf32, #tpu.memory_space<vmem>>, vector<1x16xf32>,
      %swap3A_1422 = vector.shape_cast %swap3A_1421 : vector<1x16xf32> to vector<16xf32>
      %swap3A_1423 = vector.shape_cast %add3A_1417 : vector<16xf32> to vector<1x16xf32>
      tpu.vector_store %arg10[%swap3A_1419, %swap3A_1420], %swap3A_1423 {strides = array<i32>} : memref<16x128xf32, #tpu.memory_space<vmem>>, vector<1x16xf32>,
      %get3A_1424 = arith.constant 10 : i32
      %get3A_1425 = arith.index_cast %get3A_1424 : i32 to index
      %get3A_1426 = arith.constant 48 : index
      %get3A_1427 = tpu.vector_load %arg10[%get3A_1425, %get3A_1426] {strides = array<i32>} : memref<16x128xf32, #tpu.memory_space<vmem>>, vector<1x16xf32>,
      %get3A_1428 = vector.shape_cast %get3A_1427 : vector<1x16xf32> to vector<16xf32>
      %get3A_1429 = arith.constant 10 : i32
      %get3A_1430 = arith.index_cast %get3A_1429 : i32 to index
      %get3A_1431 = arith.constant 48 : index
      %get3A_1432 = tpu.vector_load %arg9[%get3A_1430, %get3A_1431] {strides = array<i32>} : memref<16x128xf32, #tpu.memory_space<vmem>>, vector<1x16xf32>,
      %get3A_1433 = vector.shape_cast %get3A_1432 : vector<1x16xf32> to vector<16xf32>
      %add3A_1434 = arith.addf %get3A_1428, %get3A_1433 : vector<16xf32>
      %swap3A_1435 = arith.constant 10 : i32
      %swap3A_1436 = arith.index_cast %swap3A_1435 : i32 to index
      %swap3A_1437 = arith.constant 48 : index
      %swap3A_1438 = tpu.vector_load %arg10[%swap3A_1436, %swap3A_1437] {strides = array<i32>} : memref<16x128xf32, #tpu.memory_space<vmem>>, vector<1x16xf32>,
      %swap3A_1439 = vector.shape_cast %swap3A_1438 : vector<1x16xf32> to vector<16xf32>
      %swap3A_1440 = vector.shape_cast %add3A_1434 : vector<16xf32> to vector<1x16xf32>
      tpu.vector_store %arg10[%swap3A_1436, %swap3A_1437], %swap3A_1440 {strides = array<i32>} : memref<16x128xf32, #tpu.memory_space<vmem>>, vector<1x16xf32>,
      %get3A_1441 = arith.constant 10 : i32
      %get3A_1442 = arith.index_cast %get3A_1441 : i32 to index
      %get3A_1443 = arith.constant 64 : index
      %get3A_1444 = tpu.vector_load %arg10[%get3A_1442, %get3A_1443] {strides = array<i32>} : memref<16x128xf32, #tpu.memory_space<vmem>>, vector<1x16xf32>,
      %get3A_1445 = vector.shape_cast %get3A_1444 : vector<1x16xf32> to vector<16xf32>
      %get3A_1446 = arith.constant 10 : i32
      %get3A_1447 = arith.index_cast %get3A_1446 : i32 to index
      %get3A_1448 = arith.constant 64 : index
      %get3A_1449 = tpu.vector_load %arg9[%get3A_1447, %get3A_1448] {strides = array<i32>} : memref<16x128xf32, #tpu.memory_space<vmem>>, vector<1x16xf32>,
      %get3A_1450 = vector.shape_cast %get3A_1449 : vector<1x16xf32> to vector<16xf32>
      %add3A_1451 = arith.addf %get3A_1445, %get3A_1450 : vector<16xf32>
      %swap3A_1452 = arith.constant 10 : i32
      %swap3A_1453 = arith.index_cast %swap3A_1452 : i32 to index
      %swap3A_1454 = arith.constant 64 : index
      %swap3A_1455 = tpu.vector_load %arg10[%swap3A_1453, %swap3A_1454] {strides = array<i32>} : memref<16x128xf32, #tpu.memory_space<vmem>>, vector<1x16xf32>,
      %swap3A_1456 = vector.shape_cast %swap3A_1455 : vector<1x16xf32> to vector<16xf32>
      %swap3A_1457 = vector.shape_cast %add3A_1451 : vector<16xf32> to vector<1x16xf32>
      tpu.vector_store %arg10[%swap3A_1453, %swap3A_1454], %swap3A_1457 {strides = array<i32>} : memref<16x128xf32, #tpu.memory_space<vmem>>, vector<1x16xf32>,
      %get3A_1458 = arith.constant 10 : i32
      %get3A_1459 = arith.index_cast %get3A_1458 : i32 to index
      %get3A_1460 = arith.constant 80 : index
      %get3A_1461 = tpu.vector_load %arg10[%get3A_1459, %get3A_1460] {strides = array<i32>} : memref<16x128xf32, #tpu.memory_space<vmem>>, vector<1x16xf32>,
      %get3A_1462 = vector.shape_cast %get3A_1461 : vector<1x16xf32> to vector<16xf32>
      %get3A_1463 = arith.constant 10 : i32
      %get3A_1464 = arith.index_cast %get3A_1463 : i32 to index
      %get3A_1465 = arith.constant 80 : index
      %get3A_1466 = tpu.vector_load %arg9[%get3A_1464, %get3A_1465] {strides = array<i32>} : memref<16x128xf32, #tpu.memory_space<vmem>>, vector<1x16xf32>,
      %get3A_1467 = vector.shape_cast %get3A_1466 : vector<1x16xf32> to vector<16xf32>
      %add3A_1468 = arith.addf %get3A_1462, %get3A_1467 : vector<16xf32>
      %swap3A_1469 = arith.constant 10 : i32
      %swap3A_1470 = arith.index_cast %swap3A_1469 : i32 to index
      %swap3A_1471 = arith.constant 80 : index
      %swap3A_1472 = tpu.vector_load %arg10[%swap3A_1470, %swap3A_1471] {strides = array<i32>} : memref<16x128xf32, #tpu.memory_space<vmem>>, vector<1x16xf32>,
      %swap3A_1473 = vector.shape_cast %swap3A_1472 : vector<1x16xf32> to vector<16xf32>
      %swap3A_1474 = vector.shape_cast %add3A_1468 : vector<16xf32> to vector<1x16xf32>
      tpu.vector_store %arg10[%swap3A_1470, %swap3A_1471], %swap3A_1474 {strides = array<i32>} : memref<16x128xf32, #tpu.memory_space<vmem>>, vector<1x16xf32>,
      %get3A_1475 = arith.constant 10 : i32
      %get3A_1476 = arith.index_cast %get3A_1475 : i32 to index
      %get3A_1477 = arith.constant 96 : index
      %get3A_1478 = tpu.vector_load %arg10[%get3A_1476, %get3A_1477] {strides = array<i32>} : memref<16x128xf32, #tpu.memory_space<vmem>>, vector<1x16xf32>,
      %get3A_1479 = vector.shape_cast %get3A_1478 : vector<1x16xf32> to vector<16xf32>
      %get3A_1480 = arith.constant 10 : i32
      %get3A_1481 = arith.index_cast %get3A_1480 : i32 to index
      %get3A_1482 = arith.constant 96 : index
      %get3A_1483 = tpu.vector_load %arg9[%get3A_1481, %get3A_1482] {strides = array<i32>} : memref<16x128xf32, #tpu.memory_space<vmem>>, vector<1x16xf32>,
      %get3A_1484 = vector.shape_cast %get3A_1483 : vector<1x16xf32> to vector<16xf32>
      %add3A_1485 = arith.addf %get3A_1479, %get3A_1484 : vector<16xf32>
      %swap3A_1486 = arith.constant 10 : i32
      %swap3A_1487 = arith.index_cast %swap3A_1486 : i32 to index
      %swap3A_1488 = arith.constant 96 : index
      %swap3A_1489 = tpu.vector_load %arg10[%swap3A_1487, %swap3A_1488] {strides = array<i32>} : memref<16x128xf32, #tpu.memory_space<vmem>>, vector<1x16xf32>,
      %swap3A_1490 = vector.shape_cast %swap3A_1489 : vector<1x16xf32> to vector<16xf32>
      %swap3A_1491 = vector.shape_cast %add3A_1485 : vector<16xf32> to vector<1x16xf32>
      tpu.vector_store %arg10[%swap3A_1487, %swap3A_1488], %swap3A_1491 {strides = array<i32>} : memref<16x128xf32, #tpu.memory_space<vmem>>, vector<1x16xf32>,
      %get3A_1492 = arith.constant 10 : i32
      %get3A_1493 = arith.index_cast %get3A_1492 : i32 to index
      %get3A_1494 = arith.constant 112 : index
      %get3A_1495 = tpu.vector_load %arg10[%get3A_1493, %get3A_1494] {strides = array<i32>} : memref<16x128xf32, #tpu.memory_space<vmem>>, vector<1x16xf32>,
      %get3A_1496 = vector.shape_cast %get3A_1495 : vector<1x16xf32> to vector<16xf32>
      %get3A_1497 = arith.constant 10 : i32
      %get3A_1498 = arith.index_cast %get3A_1497 : i32 to index
      %get3A_1499 = arith.constant 112 : index
      %get3A_1500 = tpu.vector_load %arg9[%get3A_1498, %get3A_1499] {strides = array<i32>} : memref<16x128xf32, #tpu.memory_space<vmem>>, vector<1x16xf32>,
      %get3A_1501 = vector.shape_cast %get3A_1500 : vector<1x16xf32> to vector<16xf32>
      %add3A_1502 = arith.addf %get3A_1496, %get3A_1501 : vector<16xf32>
      %swap3A_1503 = arith.constant 10 : i32
      %swap3A_1504 = arith.index_cast %swap3A_1503 : i32 to index
      %swap3A_1505 = arith.constant 112 : index
      %swap3A_1506 = tpu.vector_load %arg10[%swap3A_1504, %swap3A_1505] {strides = array<i32>} : memref<16x128xf32, #tpu.memory_space<vmem>>, vector<1x16xf32>,
      %swap3A_1507 = vector.shape_cast %swap3A_1506 : vector<1x16xf32> to vector<16xf32>
      %swap3A_1508 = vector.shape_cast %add3A_1502 : vector<16xf32> to vector<1x16xf32>
      tpu.vector_store %arg10[%swap3A_1504, %swap3A_1505], %swap3A_1508 {strides = array<i32>} : memref<16x128xf32, #tpu.memory_space<vmem>>, vector<1x16xf32>,
      %get3A_1509 = arith.constant 11 : i32
      %get3A_1510 = arith.index_cast %get3A_1509 : i32 to index
      %get3A_1511 = arith.constant 0 : index
      %get3A_1512 = tpu.vector_load %arg10[%get3A_1510, %get3A_1511] {strides = array<i32>} : memref<16x128xf32, #tpu.memory_space<vmem>>, vector<1x16xf32>,
      %get3A_1513 = vector.shape_cast %get3A_1512 : vector<1x16xf32> to vector<16xf32>
      %get3A_1514 = arith.constant 11 : i32
      %get3A_1515 = arith.index_cast %get3A_1514 : i32 to index
      %get3A_1516 = arith.constant 0 : index
      %get3A_1517 = tpu.vector_load %arg9[%get3A_1515, %get3A_1516] {strides = array<i32>} : memref<16x128xf32, #tpu.memory_space<vmem>>, vector<1x16xf32>,
      %get3A_1518 = vector.shape_cast %get3A_1517 : vector<1x16xf32> to vector<16xf32>
      %add3A_1519 = arith.addf %get3A_1513, %get3A_1518 : vector<16xf32>
      %swap3A_1520 = arith.constant 11 : i32
      %swap3A_1521 = arith.index_cast %swap3A_1520 : i32 to index
      %swap3A_1522 = arith.constant 0 : index
      %swap3A_1523 = tpu.vector_load %arg10[%swap3A_1521, %swap3A_1522] {strides = array<i32>} : memref<16x128xf32, #tpu.memory_space<vmem>>, vector<1x16xf32>,
      %swap3A_1524 = vector.shape_cast %swap3A_1523 : vector<1x16xf32> to vector<16xf32>
      %swap3A_1525 = vector.shape_cast %add3A_1519 : vector<16xf32> to vector<1x16xf32>
      tpu.vector_store %arg10[%swap3A_1521, %swap3A_1522], %swap3A_1525 {strides = array<i32>} : memref<16x128xf32, #tpu.memory_space<vmem>>, vector<1x16xf32>,
      %get3A_1526 = arith.constant 11 : i32
      %get3A_1527 = arith.index_cast %get3A_1526 : i32 to index
      %get3A_1528 = arith.constant 16 : index
      %get3A_1529 = tpu.vector_load %arg10[%get3A_1527, %get3A_1528] {strides = array<i32>} : memref<16x128xf32, #tpu.memory_space<vmem>>, vector<1x16xf32>,
      %get3A_1530 = vector.shape_cast %get3A_1529 : vector<1x16xf32> to vector<16xf32>
      %get3A_1531 = arith.constant 11 : i32
      %get3A_1532 = arith.index_cast %get3A_1531 : i32 to index
      %get3A_1533 = arith.constant 16 : index
      %get3A_1534 = tpu.vector_load %arg9[%get3A_1532, %get3A_1533] {strides = array<i32>} : memref<16x128xf32, #tpu.memory_space<vmem>>, vector<1x16xf32>,
      %get3A_1535 = vector.shape_cast %get3A_1534 : vector<1x16xf32> to vector<16xf32>
      %add3A_1536 = arith.addf %get3A_1530, %get3A_1535 : vector<16xf32>
      %swap3A_1537 = arith.constant 11 : i32
      %swap3A_1538 = arith.index_cast %swap3A_1537 : i32 to index
      %swap3A_1539 = arith.constant 16 : index
      %swap3A_1540 = tpu.vector_load %arg10[%swap3A_1538, %swap3A_1539] {strides = array<i32>} : memref<16x128xf32, #tpu.memory_space<vmem>>, vector<1x16xf32>,
      %swap3A_1541 = vector.shape_cast %swap3A_1540 : vector<1x16xf32> to vector<16xf32>
      %swap3A_1542 = vector.shape_cast %add3A_1536 : vector<16xf32> to vector<1x16xf32>
      tpu.vector_store %arg10[%swap3A_1538, %swap3A_1539], %swap3A_1542 {strides = array<i32>} : memref<16x128xf32, #tpu.memory_space<vmem>>, vector<1x16xf32>,
      %get3A_1543 = arith.constant 11 : i32
      %get3A_1544 = arith.index_cast %get3A_1543 : i32 to index
      %get3A_1545 = arith.constant 32 : index
      %get3A_1546 = tpu.vector_load %arg10[%get3A_1544, %get3A_1545] {strides = array<i32>} : memref<16x128xf32, #tpu.memory_space<vmem>>, vector<1x16xf32>,
      %get3A_1547 = vector.shape_cast %get3A_1546 : vector<1x16xf32> to vector<16xf32>
      %get3A_1548 = arith.constant 11 : i32
      %get3A_1549 = arith.index_cast %get3A_1548 : i32 to index
      %get3A_1550 = arith.constant 32 : index
      %get3A_1551 = tpu.vector_load %arg9[%get3A_1549, %get3A_1550] {strides = array<i32>} : memref<16x128xf32, #tpu.memory_space<vmem>>, vector<1x16xf32>,
      %get3A_1552 = vector.shape_cast %get3A_1551 : vector<1x16xf32> to vector<16xf32>
      %add3A_1553 = arith.addf %get3A_1547, %get3A_1552 : vector<16xf32>
      %swap3A_1554 = arith.constant 11 : i32
      %swap3A_1555 = arith.index_cast %swap3A_1554 : i32 to index
      %swap3A_1556 = arith.constant 32 : index
      %swap3A_1557 = tpu.vector_load %arg10[%swap3A_1555, %swap3A_1556] {strides = array<i32>} : memref<16x128xf32, #tpu.memory_space<vmem>>, vector<1x16xf32>,
      %swap3A_1558 = vector.shape_cast %swap3A_1557 : vector<1x16xf32> to vector<16xf32>
      %swap3A_1559 = vector.shape_cast %add3A_1553 : vector<16xf32> to vector<1x16xf32>
      tpu.vector_store %arg10[%swap3A_1555, %swap3A_1556], %swap3A_1559 {strides = array<i32>} : memref<16x128xf32, #tpu.memory_space<vmem>>, vector<1x16xf32>,
      %get3A_1560 = arith.constant 11 : i32
      %get3A_1561 = arith.index_cast %get3A_1560 : i32 to index
      %get3A_1562 = arith.constant 48 : index
      %get3A_1563 = tpu.vector_load %arg10[%get3A_1561, %get3A_1562] {strides = array<i32>} : memref<16x128xf32, #tpu.memory_space<vmem>>, vector<1x16xf32>,
      %get3A_1564 = vector.shape_cast %get3A_1563 : vector<1x16xf32> to vector<16xf32>
      %get3A_1565 = arith.constant 11 : i32
      %get3A_1566 = arith.index_cast %get3A_1565 : i32 to index
      %get3A_1567 = arith.constant 48 : index
      %get3A_1568 = tpu.vector_load %arg9[%get3A_1566, %get3A_1567] {strides = array<i32>} : memref<16x128xf32, #tpu.memory_space<vmem>>, vector<1x16xf32>,
      %get3A_1569 = vector.shape_cast %get3A_1568 : vector<1x16xf32> to vector<16xf32>
      %add3A_1570 = arith.addf %get3A_1564, %get3A_1569 : vector<16xf32>
      %swap3A_1571 = arith.constant 11 : i32
      %swap3A_1572 = arith.index_cast %swap3A_1571 : i32 to index
      %swap3A_1573 = arith.constant 48 : index
      %swap3A_1574 = tpu.vector_load %arg10[%swap3A_1572, %swap3A_1573] {strides = array<i32>} : memref<16x128xf32, #tpu.memory_space<vmem>>, vector<1x16xf32>,
      %swap3A_1575 = vector.shape_cast %swap3A_1574 : vector<1x16xf32> to vector<16xf32>
      %swap3A_1576 = vector.shape_cast %add3A_1570 : vector<16xf32> to vector<1x16xf32>
      tpu.vector_store %arg10[%swap3A_1572, %swap3A_1573], %swap3A_1576 {strides = array<i32>} : memref<16x128xf32, #tpu.memory_space<vmem>>, vector<1x16xf32>,
      %get3A_1577 = arith.constant 11 : i32
      %get3A_1578 = arith.index_cast %get3A_1577 : i32 to index
      %get3A_1579 = arith.constant 64 : index
      %get3A_1580 = tpu.vector_load %arg10[%get3A_1578, %get3A_1579] {strides = array<i32>} : memref<16x128xf32, #tpu.memory_space<vmem>>, vector<1x16xf32>,
      %get3A_1581 = vector.shape_cast %get3A_1580 : vector<1x16xf32> to vector<16xf32>
      %get3A_1582 = arith.constant 11 : i32
      %get3A_1583 = arith.index_cast %get3A_1582 : i32 to index
      %get3A_1584 = arith.constant 64 : index
      %get3A_1585 = tpu.vector_load %arg9[%get3A_1583, %get3A_1584] {strides = array<i32>} : memref<16x128xf32, #tpu.memory_space<vmem>>, vector<1x16xf32>,
      %get3A_1586 = vector.shape_cast %get3A_1585 : vector<1x16xf32> to vector<16xf32>
      %add3A_1587 = arith.addf %get3A_1581, %get3A_1586 : vector<16xf32>
      %swap3A_1588 = arith.constant 11 : i32
      %swap3A_1589 = arith.index_cast %swap3A_1588 : i32 to index
      %swap3A_1590 = arith.constant 64 : index
      %swap3A_1591 = tpu.vector_load %arg10[%swap3A_1589, %swap3A_1590] {strides = array<i32>} : memref<16x128xf32, #tpu.memory_space<vmem>>, vector<1x16xf32>,
      %swap3A_1592 = vector.shape_cast %swap3A_1591 : vector<1x16xf32> to vector<16xf32>
      %swap3A_1593 = vector.shape_cast %add3A_1587 : vector<16xf32> to vector<1x16xf32>
      tpu.vector_store %arg10[%swap3A_1589, %swap3A_1590], %swap3A_1593 {strides = array<i32>} : memref<16x128xf32, #tpu.memory_space<vmem>>, vector<1x16xf32>,
      %get3A_1594 = arith.constant 11 : i32
      %get3A_1595 = arith.index_cast %get3A_1594 : i32 to index
      %get3A_1596 = arith.constant 80 : index
      %get3A_1597 = tpu.vector_load %arg10[%get3A_1595, %get3A_1596] {strides = array<i32>} : memref<16x128xf32, #tpu.memory_space<vmem>>, vector<1x16xf32>,
      %get3A_1598 = vector.shape_cast %get3A_1597 : vector<1x16xf32> to vector<16xf32>
      %get3A_1599 = arith.constant 11 : i32
      %get3A_1600 = arith.index_cast %get3A_1599 : i32 to index
      %get3A_1601 = arith.constant 80 : index
      %get3A_1602 = tpu.vector_load %arg9[%get3A_1600, %get3A_1601] {strides = array<i32>} : memref<16x128xf32, #tpu.memory_space<vmem>>, vector<1x16xf32>,
      %get3A_1603 = vector.shape_cast %get3A_1602 : vector<1x16xf32> to vector<16xf32>
      %add3A_1604 = arith.addf %get3A_1598, %get3A_1603 : vector<16xf32>
      %swap3A_1605 = arith.constant 11 : i32
      %swap3A_1606 = arith.index_cast %swap3A_1605 : i32 to index
      %swap3A_1607 = arith.constant 80 : index
      %swap3A_1608 = tpu.vector_load %arg10[%swap3A_1606, %swap3A_1607] {strides = array<i32>} : memref<16x128xf32, #tpu.memory_space<vmem>>, vector<1x16xf32>,
      %swap3A_1609 = vector.shape_cast %swap3A_1608 : vector<1x16xf32> to vector<16xf32>
      %swap3A_1610 = vector.shape_cast %add3A_1604 : vector<16xf32> to vector<1x16xf32>
      tpu.vector_store %arg10[%swap3A_1606, %swap3A_1607], %swap3A_1610 {strides = array<i32>} : memref<16x128xf32, #tpu.memory_space<vmem>>, vector<1x16xf32>,
      %get3A_1611 = arith.constant 11 : i32
      %get3A_1612 = arith.index_cast %get3A_1611 : i32 to index
      %get3A_1613 = arith.constant 96 : index
      %get3A_1614 = tpu.vector_load %arg10[%get3A_1612, %get3A_1613] {strides = array<i32>} : memref<16x128xf32, #tpu.memory_space<vmem>>, vector<1x16xf32>,
      %get3A_1615 = vector.shape_cast %get3A_1614 : vector<1x16xf32> to vector<16xf32>
      %get3A_1616 = arith.constant 11 : i32
      %get3A_1617 = arith.index_cast %get3A_1616 : i32 to index
      %get3A_1618 = arith.constant 96 : index
      %get3A_1619 = tpu.vector_load %arg9[%get3A_1617, %get3A_1618] {strides = array<i32>} : memref<16x128xf32, #tpu.memory_space<vmem>>, vector<1x16xf32>,
      %get3A_1620 = vector.shape_cast %get3A_1619 : vector<1x16xf32> to vector<16xf32>
      %add3A_1621 = arith.addf %get3A_1615, %get3A_1620 : vector<16xf32>
      %swap3A_1622 = arith.constant 11 : i32
      %swap3A_1623 = arith.index_cast %swap3A_1622 : i32 to index
      %swap3A_1624 = arith.constant 96 : index
      %swap3A_1625 = tpu.vector_load %arg10[%swap3A_1623, %swap3A_1624] {strides = array<i32>} : memref<16x128xf32, #tpu.memory_space<vmem>>, vector<1x16xf32>,
      %swap3A_1626 = vector.shape_cast %swap3A_1625 : vector<1x16xf32> to vector<16xf32>
      %swap3A_1627 = vector.shape_cast %add3A_1621 : vector<16xf32> to vector<1x16xf32>
      tpu.vector_store %arg10[%swap3A_1623, %swap3A_1624], %swap3A_1627 {strides = array<i32>} : memref<16x128xf32, #tpu.memory_space<vmem>>, vector<1x16xf32>,
      %get3A_1628 = arith.constant 11 : i32
      %get3A_1629 = arith.index_cast %get3A_1628 : i32 to index
      %get3A_1630 = arith.constant 112 : index
      %get3A_1631 = tpu.vector_load %arg10[%get3A_1629, %get3A_1630] {strides = array<i32>} : memref<16x128xf32, #tpu.memory_space<vmem>>, vector<1x16xf32>,
      %get3A_1632 = vector.shape_cast %get3A_1631 : vector<1x16xf32> to vector<16xf32>
      %get3A_1633 = arith.constant 11 : i32
      %get3A_1634 = arith.index_cast %get3A_1633 : i32 to index
      %get3A_1635 = arith.constant 112 : index
      %get3A_1636 = tpu.vector_load %arg9[%get3A_1634, %get3A_1635] {strides = array<i32>} : memref<16x128xf32, #tpu.memory_space<vmem>>, vector<1x16xf32>,
      %get3A_1637 = vector.shape_cast %get3A_1636 : vector<1x16xf32> to vector<16xf32>
      %add3A_1638 = arith.addf %get3A_1632, %get3A_1637 : vector<16xf32>
      %swap3A_1639 = arith.constant 11 : i32
      %swap3A_1640 = arith.index_cast %swap3A_1639 : i32 to index
      %swap3A_1641 = arith.constant 112 : index
      %swap3A_1642 = tpu.vector_load %arg10[%swap3A_1640, %swap3A_1641] {strides = array<i32>} : memref<16x128xf32, #tpu.memory_space<vmem>>, vector<1x16xf32>,
      %swap3A_1643 = vector.shape_cast %swap3A_1642 : vector<1x16xf32> to vector<16xf32>
      %swap3A_1644 = vector.shape_cast %add3A_1638 : vector<16xf32> to vector<1x16xf32>
      tpu.vector_store %arg10[%swap3A_1640, %swap3A_1641], %swap3A_1644 {strides = array<i32>} : memref<16x128xf32, #tpu.memory_space<vmem>>, vector<1x16xf32>,
      %get3A_1645 = arith.constant 12 : i32
      %get3A_1646 = arith.index_cast %get3A_1645 : i32 to index
      %get3A_1647 = arith.constant 0 : index
      %get3A_1648 = tpu.vector_load %arg10[%get3A_1646, %get3A_1647] {strides = array<i32>} : memref<16x128xf32, #tpu.memory_space<vmem>>, vector<1x16xf32>,
      %get3A_1649 = vector.shape_cast %get3A_1648 : vector<1x16xf32> to vector<16xf32>
      %get3A_1650 = arith.constant 12 : i32
      %get3A_1651 = arith.index_cast %get3A_1650 : i32 to index
      %get3A_1652 = arith.constant 0 : index
      %get3A_1653 = tpu.vector_load %arg9[%get3A_1651, %get3A_1652] {strides = array<i32>} : memref<16x128xf32, #tpu.memory_space<vmem>>, vector<1x16xf32>,
      %get3A_1654 = vector.shape_cast %get3A_1653 : vector<1x16xf32> to vector<16xf32>
      %add3A_1655 = arith.addf %get3A_1649, %get3A_1654 : vector<16xf32>
      %swap3A_1656 = arith.constant 12 : i32
      %swap3A_1657 = arith.index_cast %swap3A_1656 : i32 to index
      %swap3A_1658 = arith.constant 0 : index
      %swap3A_1659 = tpu.vector_load %arg10[%swap3A_1657, %swap3A_1658] {strides = array<i32>} : memref<16x128xf32, #tpu.memory_space<vmem>>, vector<1x16xf32>,
      %swap3A_1660 = vector.shape_cast %swap3A_1659 : vector<1x16xf32> to vector<16xf32>
      %swap3A_1661 = vector.shape_cast %add3A_1655 : vector<16xf32> to vector<1x16xf32>
      tpu.vector_store %arg10[%swap3A_1657, %swap3A_1658], %swap3A_1661 {strides = array<i32>} : memref<16x128xf32, #tpu.memory_space<vmem>>, vector<1x16xf32>,
      %get3A_1662 = arith.constant 12 : i32
      %get3A_1663 = arith.index_cast %get3A_1662 : i32 to index
      %get3A_1664 = arith.constant 16 : index
      %get3A_1665 = tpu.vector_load %arg10[%get3A_1663, %get3A_1664] {strides = array<i32>} : memref<16x128xf32, #tpu.memory_space<vmem>>, vector<1x16xf32>,
      %get3A_1666 = vector.shape_cast %get3A_1665 : vector<1x16xf32> to vector<16xf32>
      %get3A_1667 = arith.constant 12 : i32
      %get3A_1668 = arith.index_cast %get3A_1667 : i32 to index
      %get3A_1669 = arith.constant 16 : index
      %get3A_1670 = tpu.vector_load %arg9[%get3A_1668, %get3A_1669] {strides = array<i32>} : memref<16x128xf32, #tpu.memory_space<vmem>>, vector<1x16xf32>,
      %get3A_1671 = vector.shape_cast %get3A_1670 : vector<1x16xf32> to vector<16xf32>
      %add3A_1672 = arith.addf %get3A_1666, %get3A_1671 : vector<16xf32>
      %swap3A_1673 = arith.constant 12 : i32
      %swap3A_1674 = arith.index_cast %swap3A_1673 : i32 to index
      %swap3A_1675 = arith.constant 16 : index
      %swap3A_1676 = tpu.vector_load %arg10[%swap3A_1674, %swap3A_1675] {strides = array<i32>} : memref<16x128xf32, #tpu.memory_space<vmem>>, vector<1x16xf32>,
      %swap3A_1677 = vector.shape_cast %swap3A_1676 : vector<1x16xf32> to vector<16xf32>
      %swap3A_1678 = vector.shape_cast %add3A_1672 : vector<16xf32> to vector<1x16xf32>
      tpu.vector_store %arg10[%swap3A_1674, %swap3A_1675], %swap3A_1678 {strides = array<i32>} : memref<16x128xf32, #tpu.memory_space<vmem>>, vector<1x16xf32>,
      %get3A_1679 = arith.constant 12 : i32
      %get3A_1680 = arith.index_cast %get3A_1679 : i32 to index
      %get3A_1681 = arith.constant 32 : index
      %get3A_1682 = tpu.vector_load %arg10[%get3A_1680, %get3A_1681] {strides = array<i32>} : memref<16x128xf32, #tpu.memory_space<vmem>>, vector<1x16xf32>,
      %get3A_1683 = vector.shape_cast %get3A_1682 : vector<1x16xf32> to vector<16xf32>
      %get3A_1684 = arith.constant 12 : i32
      %get3A_1685 = arith.index_cast %get3A_1684 : i32 to index
      %get3A_1686 = arith.constant 32 : index
      %get3A_1687 = tpu.vector_load %arg9[%get3A_1685, %get3A_1686] {strides = array<i32>} : memref<16x128xf32, #tpu.memory_space<vmem>>, vector<1x16xf32>,
      %get3A_1688 = vector.shape_cast %get3A_1687 : vector<1x16xf32> to vector<16xf32>
      %add3A_1689 = arith.addf %get3A_1683, %get3A_1688 : vector<16xf32>
      %swap3A_1690 = arith.constant 12 : i32
      %swap3A_1691 = arith.index_cast %swap3A_1690 : i32 to index
      %swap3A_1692 = arith.constant 32 : index
      %swap3A_1693 = tpu.vector_load %arg10[%swap3A_1691, %swap3A_1692] {strides = array<i32>} : memref<16x128xf32, #tpu.memory_space<vmem>>, vector<1x16xf32>,
      %swap3A_1694 = vector.shape_cast %swap3A_1693 : vector<1x16xf32> to vector<16xf32>
      %swap3A_1695 = vector.shape_cast %add3A_1689 : vector<16xf32> to vector<1x16xf32>
      tpu.vector_store %arg10[%swap3A_1691, %swap3A_1692], %swap3A_1695 {strides = array<i32>} : memref<16x128xf32, #tpu.memory_space<vmem>>, vector<1x16xf32>,
      %get3A_1696 = arith.constant 12 : i32
      %get3A_1697 = arith.index_cast %get3A_1696 : i32 to index
      %get3A_1698 = arith.constant 48 : index
      %get3A_1699 = tpu.vector_load %arg10[%get3A_1697, %get3A_1698] {strides = array<i32>} : memref<16x128xf32, #tpu.memory_space<vmem>>, vector<1x16xf32>,
      %get3A_1700 = vector.shape_cast %get3A_1699 : vector<1x16xf32> to vector<16xf32>
      %get3A_1701 = arith.constant 12 : i32
      %get3A_1702 = arith.index_cast %get3A_1701 : i32 to index
      %get3A_1703 = arith.constant 48 : index
      %get3A_1704 = tpu.vector_load %arg9[%get3A_1702, %get3A_1703] {strides = array<i32>} : memref<16x128xf32, #tpu.memory_space<vmem>>, vector<1x16xf32>,
      %get3A_1705 = vector.shape_cast %get3A_1704 : vector<1x16xf32> to vector<16xf32>
      %add3A_1706 = arith.addf %get3A_1700, %get3A_1705 : vector<16xf32>
      %swap3A_1707 = arith.constant 12 : i32
      %swap3A_1708 = arith.index_cast %swap3A_1707 : i32 to index
      %swap3A_1709 = arith.constant 48 : index
      %swap3A_1710 = tpu.vector_load %arg10[%swap3A_1708, %swap3A_1709] {strides = array<i32>} : memref<16x128xf32, #tpu.memory_space<vmem>>, vector<1x16xf32>,
      %swap3A_1711 = vector.shape_cast %swap3A_1710 : vector<1x16xf32> to vector<16xf32>
      %swap3A_1712 = vector.shape_cast %add3A_1706 : vector<16xf32> to vector<1x16xf32>
      tpu.vector_store %arg10[%swap3A_1708, %swap3A_1709], %swap3A_1712 {strides = array<i32>} : memref<16x128xf32, #tpu.memory_space<vmem>>, vector<1x16xf32>,
      %get3A_1713 = arith.constant 12 : i32
      %get3A_1714 = arith.index_cast %get3A_1713 : i32 to index
      %get3A_1715 = arith.constant 64 : index
      %get3A_1716 = tpu.vector_load %arg10[%get3A_1714, %get3A_1715] {strides = array<i32>} : memref<16x128xf32, #tpu.memory_space<vmem>>, vector<1x16xf32>,
      %get3A_1717 = vector.shape_cast %get3A_1716 : vector<1x16xf32> to vector<16xf32>
      %get3A_1718 = arith.constant 12 : i32
      %get3A_1719 = arith.index_cast %get3A_1718 : i32 to index
      %get3A_1720 = arith.constant 64 : index
      %get3A_1721 = tpu.vector_load %arg9[%get3A_1719, %get3A_1720] {strides = array<i32>} : memref<16x128xf32, #tpu.memory_space<vmem>>, vector<1x16xf32>,
      %get3A_1722 = vector.shape_cast %get3A_1721 : vector<1x16xf32> to vector<16xf32>
      %add3A_1723 = arith.addf %get3A_1717, %get3A_1722 : vector<16xf32>
      %swap3A_1724 = arith.constant 12 : i32
      %swap3A_1725 = arith.index_cast %swap3A_1724 : i32 to index
      %swap3A_1726 = arith.constant 64 : index
      %swap3A_1727 = tpu.vector_load %arg10[%swap3A_1725, %swap3A_1726] {strides = array<i32>} : memref<16x128xf32, #tpu.memory_space<vmem>>, vector<1x16xf32>,
      %swap3A_1728 = vector.shape_cast %swap3A_1727 : vector<1x16xf32> to vector<16xf32>
      %swap3A_1729 = vector.shape_cast %add3A_1723 : vector<16xf32> to vector<1x16xf32>
      tpu.vector_store %arg10[%swap3A_1725, %swap3A_1726], %swap3A_1729 {strides = array<i32>} : memref<16x128xf32, #tpu.memory_space<vmem>>, vector<1x16xf32>,
      %get3A_1730 = arith.constant 12 : i32
      %get3A_1731 = arith.index_cast %get3A_1730 : i32 to index
      %get3A_1732 = arith.constant 80 : index
      %get3A_1733 = tpu.vector_load %arg10[%get3A_1731, %get3A_1732] {strides = array<i32>} : memref<16x128xf32, #tpu.memory_space<vmem>>, vector<1x16xf32>,
      %get3A_1734 = vector.shape_cast %get3A_1733 : vector<1x16xf32> to vector<16xf32>
      %get3A_1735 = arith.constant 12 : i32
      %get3A_1736 = arith.index_cast %get3A_1735 : i32 to index
      %get3A_1737 = arith.constant 80 : index
      %get3A_1738 = tpu.vector_load %arg9[%get3A_1736, %get3A_1737] {strides = array<i32>} : memref<16x128xf32, #tpu.memory_space<vmem>>, vector<1x16xf32>,
      %get3A_1739 = vector.shape_cast %get3A_1738 : vector<1x16xf32> to vector<16xf32>
      %add3A_1740 = arith.addf %get3A_1734, %get3A_1739 : vector<16xf32>
      %swap3A_1741 = arith.constant 12 : i32
      %swap3A_1742 = arith.index_cast %swap3A_1741 : i32 to index
      %swap3A_1743 = arith.constant 80 : index
      %swap3A_1744 = tpu.vector_load %arg10[%swap3A_1742, %swap3A_1743] {strides = array<i32>} : memref<16x128xf32, #tpu.memory_space<vmem>>, vector<1x16xf32>,
      %swap3A_1745 = vector.shape_cast %swap3A_1744 : vector<1x16xf32> to vector<16xf32>
      %swap3A_1746 = vector.shape_cast %add3A_1740 : vector<16xf32> to vector<1x16xf32>
      tpu.vector_store %arg10[%swap3A_1742, %swap3A_1743], %swap3A_1746 {strides = array<i32>} : memref<16x128xf32, #tpu.memory_space<vmem>>, vector<1x16xf32>,
      %get3A_1747 = arith.constant 12 : i32
      %get3A_1748 = arith.index_cast %get3A_1747 : i32 to index
      %get3A_1749 = arith.constant 96 : index
      %get3A_1750 = tpu.vector_load %arg10[%get3A_1748, %get3A_1749] {strides = array<i32>} : memref<16x128xf32, #tpu.memory_space<vmem>>, vector<1x16xf32>,
      %get3A_1751 = vector.shape_cast %get3A_1750 : vector<1x16xf32> to vector<16xf32>
      %get3A_1752 = arith.constant 12 : i32
      %get3A_1753 = arith.index_cast %get3A_1752 : i32 to index
      %get3A_1754 = arith.constant 96 : index
      %get3A_1755 = tpu.vector_load %arg9[%get3A_1753, %get3A_1754] {strides = array<i32>} : memref<16x128xf32, #tpu.memory_space<vmem>>, vector<1x16xf32>,
      %get3A_1756 = vector.shape_cast %get3A_1755 : vector<1x16xf32> to vector<16xf32>
      %add3A_1757 = arith.addf %get3A_1751, %get3A_1756 : vector<16xf32>
      %swap3A_1758 = arith.constant 12 : i32
      %swap3A_1759 = arith.index_cast %swap3A_1758 : i32 to index
      %swap3A_1760 = arith.constant 96 : index
      %swap3A_1761 = tpu.vector_load %arg10[%swap3A_1759, %swap3A_1760] {strides = array<i32>} : memref<16x128xf32, #tpu.memory_space<vmem>>, vector<1x16xf32>,
      %swap3A_1762 = vector.shape_cast %swap3A_1761 : vector<1x16xf32> to vector<16xf32>
      %swap3A_1763 = vector.shape_cast %add3A_1757 : vector<16xf32> to vector<1x16xf32>
      tpu.vector_store %arg10[%swap3A_1759, %swap3A_1760], %swap3A_1763 {strides = array<i32>} : memref<16x128xf32, #tpu.memory_space<vmem>>, vector<1x16xf32>,
      %get3A_1764 = arith.constant 12 : i32
      %get3A_1765 = arith.index_cast %get3A_1764 : i32 to index
      %get3A_1766 = arith.constant 112 : index
      %get3A_1767 = tpu.vector_load %arg10[%get3A_1765, %get3A_1766] {strides = array<i32>} : memref<16x128xf32, #tpu.memory_space<vmem>>, vector<1x16xf32>,
      %get3A_1768 = vector.shape_cast %get3A_1767 : vector<1x16xf32> to vector<16xf32>
      %get3A_1769 = arith.constant 12 : i32
      %get3A_1770 = arith.index_cast %get3A_1769 : i32 to index
      %get3A_1771 = arith.constant 112 : index
      %get3A_1772 = tpu.vector_load %arg9[%get3A_1770, %get3A_1771] {strides = array<i32>} : memref<16x128xf32, #tpu.memory_space<vmem>>, vector<1x16xf32>,
      %get3A_1773 = vector.shape_cast %get3A_1772 : vector<1x16xf32> to vector<16xf32>
      %add3A_1774 = arith.addf %get3A_1768, %get3A_1773 : vector<16xf32>
      %swap3A_1775 = arith.constant 12 : i32
      %swap3A_1776 = arith.index_cast %swap3A_1775 : i32 to index
      %swap3A_1777 = arith.constant 112 : index
      %swap3A_1778 = tpu.vector_load %arg10[%swap3A_1776, %swap3A_1777] {strides = array<i32>} : memref<16x128xf32, #tpu.memory_space<vmem>>, vector<1x16xf32>,
      %swap3A_1779 = vector.shape_cast %swap3A_1778 : vector<1x16xf32> to vector<16xf32>
      %swap3A_1780 = vector.shape_cast %add3A_1774 : vector<16xf32> to vector<1x16xf32>
      tpu.vector_store %arg10[%swap3A_1776, %swap3A_1777], %swap3A_1780 {strides = array<i32>} : memref<16x128xf32, #tpu.memory_space<vmem>>, vector<1x16xf32>,
      %get3A_1781 = arith.constant 13 : i32
      %get3A_1782 = arith.index_cast %get3A_1781 : i32 to index
      %get3A_1783 = arith.constant 0 : index
      %get3A_1784 = tpu.vector_load %arg10[%get3A_1782, %get3A_1783] {strides = array<i32>} : memref<16x128xf32, #tpu.memory_space<vmem>>, vector<1x16xf32>,
      %get3A_1785 = vector.shape_cast %get3A_1784 : vector<1x16xf32> to vector<16xf32>
      %get3A_1786 = arith.constant 13 : i32
      %get3A_1787 = arith.index_cast %get3A_1786 : i32 to index
      %get3A_1788 = arith.constant 0 : index
      %get3A_1789 = tpu.vector_load %arg9[%get3A_1787, %get3A_1788] {strides = array<i32>} : memref<16x128xf32, #tpu.memory_space<vmem>>, vector<1x16xf32>,
      %get3A_1790 = vector.shape_cast %get3A_1789 : vector<1x16xf32> to vector<16xf32>
      %add3A_1791 = arith.addf %get3A_1785, %get3A_1790 : vector<16xf32>
      %swap3A_1792 = arith.constant 13 : i32
      %swap3A_1793 = arith.index_cast %swap3A_1792 : i32 to index
      %swap3A_1794 = arith.constant 0 : index
      %swap3A_1795 = tpu.vector_load %arg10[%swap3A_1793, %swap3A_1794] {strides = array<i32>} : memref<16x128xf32, #tpu.memory_space<vmem>>, vector<1x16xf32>,
      %swap3A_1796 = vector.shape_cast %swap3A_1795 : vector<1x16xf32> to vector<16xf32>
      %swap3A_1797 = vector.shape_cast %add3A_1791 : vector<16xf32> to vector<1x16xf32>
      tpu.vector_store %arg10[%swap3A_1793, %swap3A_1794], %swap3A_1797 {strides = array<i32>} : memref<16x128xf32, #tpu.memory_space<vmem>>, vector<1x16xf32>,
      %get3A_1798 = arith.constant 13 : i32
      %get3A_1799 = arith.index_cast %get3A_1798 : i32 to index
      %get3A_1800 = arith.constant 16 : index
      %get3A_1801 = tpu.vector_load %arg10[%get3A_1799, %get3A_1800] {strides = array<i32>} : memref<16x128xf32, #tpu.memory_space<vmem>>, vector<1x16xf32>,
      %get3A_1802 = vector.shape_cast %get3A_1801 : vector<1x16xf32> to vector<16xf32>
      %get3A_1803 = arith.constant 13 : i32
      %get3A_1804 = arith.index_cast %get3A_1803 : i32 to index
      %get3A_1805 = arith.constant 16 : index
      %get3A_1806 = tpu.vector_load %arg9[%get3A_1804, %get3A_1805] {strides = array<i32>} : memref<16x128xf32, #tpu.memory_space<vmem>>, vector<1x16xf32>,
      %get3A_1807 = vector.shape_cast %get3A_1806 : vector<1x16xf32> to vector<16xf32>
      %add3A_1808 = arith.addf %get3A_1802, %get3A_1807 : vector<16xf32>
      %swap3A_1809 = arith.constant 13 : i32
      %swap3A_1810 = arith.index_cast %swap3A_1809 : i32 to index
      %swap3A_1811 = arith.constant 16 : index
      %swap3A_1812 = tpu.vector_load %arg10[%swap3A_1810, %swap3A_1811] {strides = array<i32>} : memref<16x128xf32, #tpu.memory_space<vmem>>, vector<1x16xf32>,
      %swap3A_1813 = vector.shape_cast %swap3A_1812 : vector<1x16xf32> to vector<16xf32>
      %swap3A_1814 = vector.shape_cast %add3A_1808 : vector<16xf32> to vector<1x16xf32>
      tpu.vector_store %arg10[%swap3A_1810, %swap3A_1811], %swap3A_1814 {strides = array<i32>} : memref<16x128xf32, #tpu.memory_space<vmem>>, vector<1x16xf32>,
      %get3A_1815 = arith.constant 13 : i32
      %get3A_1816 = arith.index_cast %get3A_1815 : i32 to index
      %get3A_1817 = arith.constant 32 : index
      %get3A_1818 = tpu.vector_load %arg10[%get3A_1816, %get3A_1817] {strides = array<i32>} : memref<16x128xf32, #tpu.memory_space<vmem>>, vector<1x16xf32>,
      %get3A_1819 = vector.shape_cast %get3A_1818 : vector<1x16xf32> to vector<16xf32>
      %get3A_1820 = arith.constant 13 : i32
      %get3A_1821 = arith.index_cast %get3A_1820 : i32 to index
      %get3A_1822 = arith.constant 32 : index
      %get3A_1823 = tpu.vector_load %arg9[%get3A_1821, %get3A_1822] {strides = array<i32>} : memref<16x128xf32, #tpu.memory_space<vmem>>, vector<1x16xf32>,
      %get3A_1824 = vector.shape_cast %get3A_1823 : vector<1x16xf32> to vector<16xf32>
      %add3A_1825 = arith.addf %get3A_1819, %get3A_1824 : vector<16xf32>
      %swap3A_1826 = arith.constant 13 : i32
      %swap3A_1827 = arith.index_cast %swap3A_1826 : i32 to index
      %swap3A_1828 = arith.constant 32 : index
      %swap3A_1829 = tpu.vector_load %arg10[%swap3A_1827, %swap3A_1828] {strides = array<i32>} : memref<16x128xf32, #tpu.memory_space<vmem>>, vector<1x16xf32>,
      %swap3A_1830 = vector.shape_cast %swap3A_1829 : vector<1x16xf32> to vector<16xf32>
      %swap3A_1831 = vector.shape_cast %add3A_1825 : vector<16xf32> to vector<1x16xf32>
      tpu.vector_store %arg10[%swap3A_1827, %swap3A_1828], %swap3A_1831 {strides = array<i32>} : memref<16x128xf32, #tpu.memory_space<vmem>>, vector<1x16xf32>,
      %get3A_1832 = arith.constant 13 : i32
      %get3A_1833 = arith.index_cast %get3A_1832 : i32 to index
      %get3A_1834 = arith.constant 48 : index
      %get3A_1835 = tpu.vector_load %arg10[%get3A_1833, %get3A_1834] {strides = array<i32>} : memref<16x128xf32, #tpu.memory_space<vmem>>, vector<1x16xf32>,
      %get3A_1836 = vector.shape_cast %get3A_1835 : vector<1x16xf32> to vector<16xf32>
      %get3A_1837 = arith.constant 13 : i32
      %get3A_1838 = arith.index_cast %get3A_1837 : i32 to index
      %get3A_1839 = arith.constant 48 : index
      %get3A_1840 = tpu.vector_load %arg9[%get3A_1838, %get3A_1839] {strides = array<i32>} : memref<16x128xf32, #tpu.memory_space<vmem>>, vector<1x16xf32>,
      %get3A_1841 = vector.shape_cast %get3A_1840 : vector<1x16xf32> to vector<16xf32>
      %add3A_1842 = arith.addf %get3A_1836, %get3A_1841 : vector<16xf32>
      %swap3A_1843 = arith.constant 13 : i32
      %swap3A_1844 = arith.index_cast %swap3A_1843 : i32 to index
      %swap3A_1845 = arith.constant 48 : index
      %swap3A_1846 = tpu.vector_load %arg10[%swap3A_1844, %swap3A_1845] {strides = array<i32>} : memref<16x128xf32, #tpu.memory_space<vmem>>, vector<1x16xf32>,
      %swap3A_1847 = vector.shape_cast %swap3A_1846 : vector<1x16xf32> to vector<16xf32>
      %swap3A_1848 = vector.shape_cast %add3A_1842 : vector<16xf32> to vector<1x16xf32>
      tpu.vector_store %arg10[%swap3A_1844, %swap3A_1845], %swap3A_1848 {strides = array<i32>} : memref<16x128xf32, #tpu.memory_space<vmem>>, vector<1x16xf32>,
      %get3A_1849 = arith.constant 13 : i32
      %get3A_1850 = arith.index_cast %get3A_1849 : i32 to index
      %get3A_1851 = arith.constant 64 : index
      %get3A_1852 = tpu.vector_load %arg10[%get3A_1850, %get3A_1851] {strides = array<i32>} : memref<16x128xf32, #tpu.memory_space<vmem>>, vector<1x16xf32>,
      %get3A_1853 = vector.shape_cast %get3A_1852 : vector<1x16xf32> to vector<16xf32>
      %get3A_1854 = arith.constant 13 : i32
      %get3A_1855 = arith.index_cast %get3A_1854 : i32 to index
      %get3A_1856 = arith.constant 64 : index
      %get3A_1857 = tpu.vector_load %arg9[%get3A_1855, %get3A_1856] {strides = array<i32>} : memref<16x128xf32, #tpu.memory_space<vmem>>, vector<1x16xf32>,
      %get3A_1858 = vector.shape_cast %get3A_1857 : vector<1x16xf32> to vector<16xf32>
      %add3A_1859 = arith.addf %get3A_1853, %get3A_1858 : vector<16xf32>
      %swap3A_1860 = arith.constant 13 : i32
      %swap3A_1861 = arith.index_cast %swap3A_1860 : i32 to index
      %swap3A_1862 = arith.constant 64 : index
      %swap3A_1863 = tpu.vector_load %arg10[%swap3A_1861, %swap3A_1862] {strides = array<i32>} : memref<16x128xf32, #tpu.memory_space<vmem>>, vector<1x16xf32>,
      %swap3A_1864 = vector.shape_cast %swap3A_1863 : vector<1x16xf32> to vector<16xf32>
      %swap3A_1865 = vector.shape_cast %add3A_1859 : vector<16xf32> to vector<1x16xf32>
      tpu.vector_store %arg10[%swap3A_1861, %swap3A_1862], %swap3A_1865 {strides = array<i32>} : memref<16x128xf32, #tpu.memory_space<vmem>>, vector<1x16xf32>,
      %get3A_1866 = arith.constant 13 : i32
      %get3A_1867 = arith.index_cast %get3A_1866 : i32 to index
      %get3A_1868 = arith.constant 80 : index
      %get3A_1869 = tpu.vector_load %arg10[%get3A_1867, %get3A_1868] {strides = array<i32>} : memref<16x128xf32, #tpu.memory_space<vmem>>, vector<1x16xf32>,
      %get3A_1870 = vector.shape_cast %get3A_1869 : vector<1x16xf32> to vector<16xf32>
      %get3A_1871 = arith.constant 13 : i32
      %get3A_1872 = arith.index_cast %get3A_1871 : i32 to index
      %get3A_1873 = arith.constant 80 : index
      %get3A_1874 = tpu.vector_load %arg9[%get3A_1872, %get3A_1873] {strides = array<i32>} : memref<16x128xf32, #tpu.memory_space<vmem>>, vector<1x16xf32>,
      %get3A_1875 = vector.shape_cast %get3A_1874 : vector<1x16xf32> to vector<16xf32>
      %add3A_1876 = arith.addf %get3A_1870, %get3A_1875 : vector<16xf32>
      %swap3A_1877 = arith.constant 13 : i32
      %swap3A_1878 = arith.index_cast %swap3A_1877 : i32 to index
      %swap3A_1879 = arith.constant 80 : index
      %swap3A_1880 = tpu.vector_load %arg10[%swap3A_1878, %swap3A_1879] {strides = array<i32>} : memref<16x128xf32, #tpu.memory_space<vmem>>, vector<1x16xf32>,
      %swap3A_1881 = vector.shape_cast %swap3A_1880 : vector<1x16xf32> to vector<16xf32>
      %swap3A_1882 = vector.shape_cast %add3A_1876 : vector<16xf32> to vector<1x16xf32>
      tpu.vector_store %arg10[%swap3A_1878, %swap3A_1879], %swap3A_1882 {strides = array<i32>} : memref<16x128xf32, #tpu.memory_space<vmem>>, vector<1x16xf32>,
      %get3A_1883 = arith.constant 13 : i32
      %get3A_1884 = arith.index_cast %get3A_1883 : i32 to index
      %get3A_1885 = arith.constant 96 : index
      %get3A_1886 = tpu.vector_load %arg10[%get3A_1884, %get3A_1885] {strides = array<i32>} : memref<16x128xf32, #tpu.memory_space<vmem>>, vector<1x16xf32>,
      %get3A_1887 = vector.shape_cast %get3A_1886 : vector<1x16xf32> to vector<16xf32>
      %get3A_1888 = arith.constant 13 : i32
      %get3A_1889 = arith.index_cast %get3A_1888 : i32 to index
      %get3A_1890 = arith.constant 96 : index
      %get3A_1891 = tpu.vector_load %arg9[%get3A_1889, %get3A_1890] {strides = array<i32>} : memref<16x128xf32, #tpu.memory_space<vmem>>, vector<1x16xf32>,
      %get3A_1892 = vector.shape_cast %get3A_1891 : vector<1x16xf32> to vector<16xf32>
      %add3A_1893 = arith.addf %get3A_1887, %get3A_1892 : vector<16xf32>
      %swap3A_1894 = arith.constant 13 : i32
      %swap3A_1895 = arith.index_cast %swap3A_1894 : i32 to index
      %swap3A_1896 = arith.constant 96 : index
      %swap3A_1897 = tpu.vector_load %arg10[%swap3A_1895, %swap3A_1896] {strides = array<i32>} : memref<16x128xf32, #tpu.memory_space<vmem>>, vector<1x16xf32>,
      %swap3A_1898 = vector.shape_cast %swap3A_1897 : vector<1x16xf32> to vector<16xf32>
      %swap3A_1899 = vector.shape_cast %add3A_1893 : vector<16xf32> to vector<1x16xf32>
      tpu.vector_store %arg10[%swap3A_1895, %swap3A_1896], %swap3A_1899 {strides = array<i32>} : memref<16x128xf32, #tpu.memory_space<vmem>>, vector<1x16xf32>,
      %get3A_1900 = arith.constant 13 : i32
      %get3A_1901 = arith.index_cast %get3A_1900 : i32 to index
      %get3A_1902 = arith.constant 112 : index
      %get3A_1903 = tpu.vector_load %arg10[%get3A_1901, %get3A_1902] {strides = array<i32>} : memref<16x128xf32, #tpu.memory_space<vmem>>, vector<1x16xf32>,
      %get3A_1904 = vector.shape_cast %get3A_1903 : vector<1x16xf32> to vector<16xf32>
      %get3A_1905 = arith.constant 13 : i32
      %get3A_1906 = arith.index_cast %get3A_1905 : i32 to index
      %get3A_1907 = arith.constant 112 : index
      %get3A_1908 = tpu.vector_load %arg9[%get3A_1906, %get3A_1907] {strides = array<i32>} : memref<16x128xf32, #tpu.memory_space<vmem>>, vector<1x16xf32>,
      %get3A_1909 = vector.shape_cast %get3A_1908 : vector<1x16xf32> to vector<16xf32>
      %add3A_1910 = arith.addf %get3A_1904, %get3A_1909 : vector<16xf32>
      %swap3A_1911 = arith.constant 13 : i32
      %swap3A_1912 = arith.index_cast %swap3A_1911 : i32 to index
      %swap3A_1913 = arith.constant 112 : index
      %swap3A_1914 = tpu.vector_load %arg10[%swap3A_1912, %swap3A_1913] {strides = array<i32>} : memref<16x128xf32, #tpu.memory_space<vmem>>, vector<1x16xf32>,
      %swap3A_1915 = vector.shape_cast %swap3A_1914 : vector<1x16xf32> to vector<16xf32>
      %swap3A_1916 = vector.shape_cast %add3A_1910 : vector<16xf32> to vector<1x16xf32>
      tpu.vector_store %arg10[%swap3A_1912, %swap3A_1913], %swap3A_1916 {strides = array<i32>} : memref<16x128xf32, #tpu.memory_space<vmem>>, vector<1x16xf32>,
      %get3A_1917 = arith.constant 14 : i32
      %get3A_1918 = arith.index_cast %get3A_1917 : i32 to index
      %get3A_1919 = arith.constant 0 : index
      %get3A_1920 = tpu.vector_load %arg10[%get3A_1918, %get3A_1919] {strides = array<i32>} : memref<16x128xf32, #tpu.memory_space<vmem>>, vector<1x16xf32>,
      %get3A_1921 = vector.shape_cast %get3A_1920 : vector<1x16xf32> to vector<16xf32>
      %get3A_1922 = arith.constant 14 : i32
      %get3A_1923 = arith.index_cast %get3A_1922 : i32 to index
      %get3A_1924 = arith.constant 0 : index
      %get3A_1925 = tpu.vector_load %arg9[%get3A_1923, %get3A_1924] {strides = array<i32>} : memref<16x128xf32, #tpu.memory_space<vmem>>, vector<1x16xf32>,
      %get3A_1926 = vector.shape_cast %get3A_1925 : vector<1x16xf32> to vector<16xf32>
      %add3A_1927 = arith.addf %get3A_1921, %get3A_1926 : vector<16xf32>
      %swap3A_1928 = arith.constant 14 : i32
      %swap3A_1929 = arith.index_cast %swap3A_1928 : i32 to index
      %swap3A_1930 = arith.constant 0 : index
      %swap3A_1931 = tpu.vector_load %arg10[%swap3A_1929, %swap3A_1930] {strides = array<i32>} : memref<16x128xf32, #tpu.memory_space<vmem>>, vector<1x16xf32>,
      %swap3A_1932 = vector.shape_cast %swap3A_1931 : vector<1x16xf32> to vector<16xf32>
      %swap3A_1933 = vector.shape_cast %add3A_1927 : vector<16xf32> to vector<1x16xf32>
      tpu.vector_store %arg10[%swap3A_1929, %swap3A_1930], %swap3A_1933 {strides = array<i32>} : memref<16x128xf32, #tpu.memory_space<vmem>>, vector<1x16xf32>,
      %get3A_1934 = arith.constant 14 : i32
      %get3A_1935 = arith.index_cast %get3A_1934 : i32 to index
      %get3A_1936 = arith.constant 16 : index
      %get3A_1937 = tpu.vector_load %arg10[%get3A_1935, %get3A_1936] {strides = array<i32>} : memref<16x128xf32, #tpu.memory_space<vmem>>, vector<1x16xf32>,
      %get3A_1938 = vector.shape_cast %get3A_1937 : vector<1x16xf32> to vector<16xf32>
      %get3A_1939 = arith.constant 14 : i32
      %get3A_1940 = arith.index_cast %get3A_1939 : i32 to index
      %get3A_1941 = arith.constant 16 : index
      %get3A_1942 = tpu.vector_load %arg9[%get3A_1940, %get3A_1941] {strides = array<i32>} : memref<16x128xf32, #tpu.memory_space<vmem>>, vector<1x16xf32>,
      %get3A_1943 = vector.shape_cast %get3A_1942 : vector<1x16xf32> to vector<16xf32>
      %add3A_1944 = arith.addf %get3A_1938, %get3A_1943 : vector<16xf32>
      %swap3A_1945 = arith.constant 14 : i32
      %swap3A_1946 = arith.index_cast %swap3A_1945 : i32 to index
      %swap3A_1947 = arith.constant 16 : index
      %swap3A_1948 = tpu.vector_load %arg10[%swap3A_1946, %swap3A_1947] {strides = array<i32>} : memref<16x128xf32, #tpu.memory_space<vmem>>, vector<1x16xf32>,
      %swap3A_1949 = vector.shape_cast %swap3A_1948 : vector<1x16xf32> to vector<16xf32>
      %swap3A_1950 = vector.shape_cast %add3A_1944 : vector<16xf32> to vector<1x16xf32>
      tpu.vector_store %arg10[%swap3A_1946, %swap3A_1947], %swap3A_1950 {strides = array<i32>} : memref<16x128xf32, #tpu.memory_space<vmem>>, vector<1x16xf32>,
      %get3A_1951 = arith.constant 14 : i32
      %get3A_1952 = arith.index_cast %get3A_1951 : i32 to index
      %get3A_1953 = arith.constant 32 : index
      %get3A_1954 = tpu.vector_load %arg10[%get3A_1952, %get3A_1953] {strides = array<i32>} : memref<16x128xf32, #tpu.memory_space<vmem>>, vector<1x16xf32>,
      %get3A_1955 = vector.shape_cast %get3A_1954 : vector<1x16xf32> to vector<16xf32>
      %get3A_1956 = arith.constant 14 : i32
      %get3A_1957 = arith.index_cast %get3A_1956 : i32 to index
      %get3A_1958 = arith.constant 32 : index
      %get3A_1959 = tpu.vector_load %arg9[%get3A_1957, %get3A_1958] {strides = array<i32>} : memref<16x128xf32, #tpu.memory_space<vmem>>, vector<1x16xf32>,
      %get3A_1960 = vector.shape_cast %get3A_1959 : vector<1x16xf32> to vector<16xf32>
      %add3A_1961 = arith.addf %get3A_1955, %get3A_1960 : vector<16xf32>
      %swap3A_1962 = arith.constant 14 : i32
      %swap3A_1963 = arith.index_cast %swap3A_1962 : i32 to index
      %swap3A_1964 = arith.constant 32 : index
      %swap3A_1965 = tpu.vector_load %arg10[%swap3A_1963, %swap3A_1964] {strides = array<i32>} : memref<16x128xf32, #tpu.memory_space<vmem>>, vector<1x16xf32>,
      %swap3A_1966 = vector.shape_cast %swap3A_1965 : vector<1x16xf32> to vector<16xf32>
      %swap3A_1967 = vector.shape_cast %add3A_1961 : vector<16xf32> to vector<1x16xf32>
      tpu.vector_store %arg10[%swap3A_1963, %swap3A_1964], %swap3A_1967 {strides = array<i32>} : memref<16x128xf32, #tpu.memory_space<vmem>>, vector<1x16xf32>,
      %get3A_1968 = arith.constant 14 : i32
      %get3A_1969 = arith.index_cast %get3A_1968 : i32 to index
      %get3A_1970 = arith.constant 48 : index
      %get3A_1971 = tpu.vector_load %arg10[%get3A_1969, %get3A_1970] {strides = array<i32>} : memref<16x128xf32, #tpu.memory_space<vmem>>, vector<1x16xf32>,
      %get3A_1972 = vector.shape_cast %get3A_1971 : vector<1x16xf32> to vector<16xf32>
      %get3A_1973 = arith.constant 14 : i32
      %get3A_1974 = arith.index_cast %get3A_1973 : i32 to index
      %get3A_1975 = arith.constant 48 : index
      %get3A_1976 = tpu.vector_load %arg9[%get3A_1974, %get3A_1975] {strides = array<i32>} : memref<16x128xf32, #tpu.memory_space<vmem>>, vector<1x16xf32>,
      %get3A_1977 = vector.shape_cast %get3A_1976 : vector<1x16xf32> to vector<16xf32>
      %add3A_1978 = arith.addf %get3A_1972, %get3A_1977 : vector<16xf32>
      %swap3A_1979 = arith.constant 14 : i32
      %swap3A_1980 = arith.index_cast %swap3A_1979 : i32 to index
      %swap3A_1981 = arith.constant 48 : index
      %swap3A_1982 = tpu.vector_load %arg10[%swap3A_1980, %swap3A_1981] {strides = array<i32>} : memref<16x128xf32, #tpu.memory_space<vmem>>, vector<1x16xf32>,
      %swap3A_1983 = vector.shape_cast %swap3A_1982 : vector<1x16xf32> to vector<16xf32>
      %swap3A_1984 = vector.shape_cast %add3A_1978 : vector<16xf32> to vector<1x16xf32>
      tpu.vector_store %arg10[%swap3A_1980, %swap3A_1981], %swap3A_1984 {strides = array<i32>} : memref<16x128xf32, #tpu.memory_space<vmem>>, vector<1x16xf32>,
      %get3A_1985 = arith.constant 14 : i32
      %get3A_1986 = arith.index_cast %get3A_1985 : i32 to index
      %get3A_1987 = arith.constant 64 : index
      %get3A_1988 = tpu.vector_load %arg10[%get3A_1986, %get3A_1987] {strides = array<i32>} : memref<16x128xf32, #tpu.memory_space<vmem>>, vector<1x16xf32>,
      %get3A_1989 = vector.shape_cast %get3A_1988 : vector<1x16xf32> to vector<16xf32>
      %get3A_1990 = arith.constant 14 : i32
      %get3A_1991 = arith.index_cast %get3A_1990 : i32 to index
      %get3A_1992 = arith.constant 64 : index
      %get3A_1993 = tpu.vector_load %arg9[%get3A_1991, %get3A_1992] {strides = array<i32>} : memref<16x128xf32, #tpu.memory_space<vmem>>, vector<1x16xf32>,
      %get3A_1994 = vector.shape_cast %get3A_1993 : vector<1x16xf32> to vector<16xf32>
      %add3A_1995 = arith.addf %get3A_1989, %get3A_1994 : vector<16xf32>
      %swap3A_1996 = arith.constant 14 : i32
      %swap3A_1997 = arith.index_cast %swap3A_1996 : i32 to index
      %swap3A_1998 = arith.constant 64 : index
      %swap3A_1999 = tpu.vector_load %arg10[%swap3A_1997, %swap3A_1998] {strides = array<i32>} : memref<16x128xf32, #tpu.memory_space<vmem>>, vector<1x16xf32>,
      %swap3A_2000 = vector.shape_cast %swap3A_1999 : vector<1x16xf32> to vector<16xf32>
      %swap3A_2001 = vector.shape_cast %add3A_1995 : vector<16xf32> to vector<1x16xf32>
      tpu.vector_store %arg10[%swap3A_1997, %swap3A_1998], %swap3A_2001 {strides = array<i32>} : memref<16x128xf32, #tpu.memory_space<vmem>>, vector<1x16xf32>,
      %get3A_2002 = arith.constant 14 : i32
      %get3A_2003 = arith.index_cast %get3A_2002 : i32 to index
      %get3A_2004 = arith.constant 80 : index
      %get3A_2005 = tpu.vector_load %arg10[%get3A_2003, %get3A_2004] {strides = array<i32>} : memref<16x128xf32, #tpu.memory_space<vmem>>, vector<1x16xf32>,
      %get3A_2006 = vector.shape_cast %get3A_2005 : vector<1x16xf32> to vector<16xf32>
      %get3A_2007 = arith.constant 14 : i32
      %get3A_2008 = arith.index_cast %get3A_2007 : i32 to index
      %get3A_2009 = arith.constant 80 : index
      %get3A_2010 = tpu.vector_load %arg9[%get3A_2008, %get3A_2009] {strides = array<i32>} : memref<16x128xf32, #tpu.memory_space<vmem>>, vector<1x16xf32>,
      %get3A_2011 = vector.shape_cast %get3A_2010 : vector<1x16xf32> to vector<16xf32>
      %add3A_2012 = arith.addf %get3A_2006, %get3A_2011 : vector<16xf32>
      %swap3A_2013 = arith.constant 14 : i32
      %swap3A_2014 = arith.index_cast %swap3A_2013 : i32 to index
      %swap3A_2015 = arith.constant 80 : index
      %swap3A_2016 = tpu.vector_load %arg10[%swap3A_2014, %swap3A_2015] {strides = array<i32>} : memref<16x128xf32, #tpu.memory_space<vmem>>, vector<1x16xf32>,
      %swap3A_2017 = vector.shape_cast %swap3A_2016 : vector<1x16xf32> to vector<16xf32>
      %swap3A_2018 = vector.shape_cast %add3A_2012 : vector<16xf32> to vector<1x16xf32>
      tpu.vector_store %arg10[%swap3A_2014, %swap3A_2015], %swap3A_2018 {strides = array<i32>} : memref<16x128xf32, #tpu.memory_space<vmem>>, vector<1x16xf32>,
      %get3A_2019 = arith.constant 14 : i32
      %get3A_2020 = arith.index_cast %get3A_2019 : i32 to index
      %get3A_2021 = arith.constant 96 : index
      %get3A_2022 = tpu.vector_load %arg10[%get3A_2020, %get3A_2021] {strides = array<i32>} : memref<16x128xf32, #tpu.memory_space<vmem>>, vector<1x16xf32>,
      %get3A_2023 = vector.shape_cast %get3A_2022 : vector<1x16xf32> to vector<16xf32>
      %get3A_2024 = arith.constant 14 : i32
      %get3A_2025 = arith.index_cast %get3A_2024 : i32 to index
      %get3A_2026 = arith.constant 96 : index
      %get3A_2027 = tpu.vector_load %arg9[%get3A_2025, %get3A_2026] {strides = array<i32>} : memref<16x128xf32, #tpu.memory_space<vmem>>, vector<1x16xf32>,
      %get3A_2028 = vector.shape_cast %get3A_2027 : vector<1x16xf32> to vector<16xf32>
      %add3A_2029 = arith.addf %get3A_2023, %get3A_2028 : vector<16xf32>
      %swap3A_2030 = arith.constant 14 : i32
      %swap3A_2031 = arith.index_cast %swap3A_2030 : i32 to index
      %swap3A_2032 = arith.constant 96 : index
      %swap3A_2033 = tpu.vector_load %arg10[%swap3A_2031, %swap3A_2032] {strides = array<i32>} : memref<16x128xf32, #tpu.memory_space<vmem>>, vector<1x16xf32>,
      %swap3A_2034 = vector.shape_cast %swap3A_2033 : vector<1x16xf32> to vector<16xf32>
      %swap3A_2035 = vector.shape_cast %add3A_2029 : vector<16xf32> to vector<1x16xf32>
      tpu.vector_store %arg10[%swap3A_2031, %swap3A_2032], %swap3A_2035 {strides = array<i32>} : memref<16x128xf32, #tpu.memory_space<vmem>>, vector<1x16xf32>,
      %get3A_2036 = arith.constant 14 : i32
      %get3A_2037 = arith.index_cast %get3A_2036 : i32 to index
      %get3A_2038 = arith.constant 112 : index
      %get3A_2039 = tpu.vector_load %arg10[%get3A_2037, %get3A_2038] {strides = array<i32>} : memref<16x128xf32, #tpu.memory_space<vmem>>, vector<1x16xf32>,
      %get3A_2040 = vector.shape_cast %get3A_2039 : vector<1x16xf32> to vector<16xf32>
      %get3A_2041 = arith.constant 14 : i32
      %get3A_2042 = arith.index_cast %get3A_2041 : i32 to index
      %get3A_2043 = arith.constant 112 : index
      %get3A_2044 = tpu.vector_load %arg9[%get3A_2042, %get3A_2043] {strides = array<i32>} : memref<16x128xf32, #tpu.memory_space<vmem>>, vector<1x16xf32>,
      %get3A_2045 = vector.shape_cast %get3A_2044 : vector<1x16xf32> to vector<16xf32>
      %add3A_2046 = arith.addf %get3A_2040, %get3A_2045 : vector<16xf32>
      %swap3A_2047 = arith.constant 14 : i32
      %swap3A_2048 = arith.index_cast %swap3A_2047 : i32 to index
      %swap3A_2049 = arith.constant 112 : index
      %swap3A_2050 = tpu.vector_load %arg10[%swap3A_2048, %swap3A_2049] {strides = array<i32>} : memref<16x128xf32, #tpu.memory_space<vmem>>, vector<1x16xf32>,
      %swap3A_2051 = vector.shape_cast %swap3A_2050 : vector<1x16xf32> to vector<16xf32>
      %swap3A_2052 = vector.shape_cast %add3A_2046 : vector<16xf32> to vector<1x16xf32>
      tpu.vector_store %arg10[%swap3A_2048, %swap3A_2049], %swap3A_2052 {strides = array<i32>} : memref<16x128xf32, #tpu.memory_space<vmem>>, vector<1x16xf32>,
      %get3A_2053 = arith.constant 15 : i32
      %get3A_2054 = arith.index_cast %get3A_2053 : i32 to index
      %get3A_2055 = arith.constant 0 : index
      %get3A_2056 = tpu.vector_load %arg10[%get3A_2054, %get3A_2055] {strides = array<i32>} : memref<16x128xf32, #tpu.memory_space<vmem>>, vector<1x16xf32>,
      %get3A_2057 = vector.shape_cast %get3A_2056 : vector<1x16xf32> to vector<16xf32>
      %get3A_2058 = arith.constant 15 : i32
      %get3A_2059 = arith.index_cast %get3A_2058 : i32 to index
      %get3A_2060 = arith.constant 0 : index
      %get3A_2061 = tpu.vector_load %arg9[%get3A_2059, %get3A_2060] {strides = array<i32>} : memref<16x128xf32, #tpu.memory_space<vmem>>, vector<1x16xf32>,
      %get3A_2062 = vector.shape_cast %get3A_2061 : vector<1x16xf32> to vector<16xf32>
      %add3A_2063 = arith.addf %get3A_2057, %get3A_2062 : vector<16xf32>
      %swap3A_2064 = arith.constant 15 : i32
      %swap3A_2065 = arith.index_cast %swap3A_2064 : i32 to index
      %swap3A_2066 = arith.constant 0 : index
      %swap3A_2067 = tpu.vector_load %arg10[%swap3A_2065, %swap3A_2066] {strides = array<i32>} : memref<16x128xf32, #tpu.memory_space<vmem>>, vector<1x16xf32>,
      %swap3A_2068 = vector.shape_cast %swap3A_2067 : vector<1x16xf32> to vector<16xf32>
      %swap3A_2069 = vector.shape_cast %add3A_2063 : vector<16xf32> to vector<1x16xf32>
      tpu.vector_store %arg10[%swap3A_2065, %swap3A_2066], %swap3A_2069 {strides = array<i32>} : memref<16x128xf32, #tpu.memory_space<vmem>>, vector<1x16xf32>,
      %get3A_2070 = arith.constant 15 : i32
      %get3A_2071 = arith.index_cast %get3A_2070 : i32 to index
      %get3A_2072 = arith.constant 16 : index
      %get3A_2073 = tpu.vector_load %arg10[%get3A_2071, %get3A_2072] {strides = array<i32>} : memref<16x128xf32, #tpu.memory_space<vmem>>, vector<1x16xf32>,
      %get3A_2074 = vector.shape_cast %get3A_2073 : vector<1x16xf32> to vector<16xf32>
      %get3A_2075 = arith.constant 15 : i32
      %get3A_2076 = arith.index_cast %get3A_2075 : i32 to index
      %get3A_2077 = arith.constant 16 : index
      %get3A_2078 = tpu.vector_load %arg9[%get3A_2076, %get3A_2077] {strides = array<i32>} : memref<16x128xf32, #tpu.memory_space<vmem>>, vector<1x16xf32>,
      %get3A_2079 = vector.shape_cast %get3A_2078 : vector<1x16xf32> to vector<16xf32>
      %add3A_2080 = arith.addf %get3A_2074, %get3A_2079 : vector<16xf32>
      %swap3A_2081 = arith.constant 15 : i32
      %swap3A_2082 = arith.index_cast %swap3A_2081 : i32 to index
      %swap3A_2083 = arith.constant 16 : index
      %swap3A_2084 = tpu.vector_load %arg10[%swap3A_2082, %swap3A_2083] {strides = array<i32>} : memref<16x128xf32, #tpu.memory_space<vmem>>, vector<1x16xf32>,
      %swap3A_2085 = vector.shape_cast %swap3A_2084 : vector<1x16xf32> to vector<16xf32>
      %swap3A_2086 = vector.shape_cast %add3A_2080 : vector<16xf32> to vector<1x16xf32>
      tpu.vector_store %arg10[%swap3A_2082, %swap3A_2083], %swap3A_2086 {strides = array<i32>} : memref<16x128xf32, #tpu.memory_space<vmem>>, vector<1x16xf32>,
      %get3A_2087 = arith.constant 15 : i32
      %get3A_2088 = arith.index_cast %get3A_2087 : i32 to index
      %get3A_2089 = arith.constant 32 : index
      %get3A_2090 = tpu.vector_load %arg10[%get3A_2088, %get3A_2089] {strides = array<i32>} : memref<16x128xf32, #tpu.memory_space<vmem>>, vector<1x16xf32>,
      %get3A_2091 = vector.shape_cast %get3A_2090 : vector<1x16xf32> to vector<16xf32>
      %get3A_2092 = arith.constant 15 : i32
      %get3A_2093 = arith.index_cast %get3A_2092 : i32 to index
      %get3A_2094 = arith.constant 32 : index
      %get3A_2095 = tpu.vector_load %arg9[%get3A_2093, %get3A_2094] {strides = array<i32>} : memref<16x128xf32, #tpu.memory_space<vmem>>, vector<1x16xf32>,
      %get3A_2096 = vector.shape_cast %get3A_2095 : vector<1x16xf32> to vector<16xf32>
      %add3A_2097 = arith.addf %get3A_2091, %get3A_2096 : vector<16xf32>
      %swap3A_2098 = arith.constant 15 : i32
      %swap3A_2099 = arith.index_cast %swap3A_2098 : i32 to index
      %swap3A_2100 = arith.constant 32 : index
      %swap3A_2101 = tpu.vector_load %arg10[%swap3A_2099, %swap3A_2100] {strides = array<i32>} : memref<16x128xf32, #tpu.memory_space<vmem>>, vector<1x16xf32>,
      %swap3A_2102 = vector.shape_cast %swap3A_2101 : vector<1x16xf32> to vector<16xf32>
      %swap3A_2103 = vector.shape_cast %add3A_2097 : vector<16xf32> to vector<1x16xf32>
      tpu.vector_store %arg10[%swap3A_2099, %swap3A_2100], %swap3A_2103 {strides = array<i32>} : memref<16x128xf32, #tpu.memory_space<vmem>>, vector<1x16xf32>,
      %get3A_2104 = arith.constant 15 : i32
      %get3A_2105 = arith.index_cast %get3A_2104 : i32 to index
      %get3A_2106 = arith.constant 48 : index
      %get3A_2107 = tpu.vector_load %arg10[%get3A_2105, %get3A_2106] {strides = array<i32>} : memref<16x128xf32, #tpu.memory_space<vmem>>, vector<1x16xf32>,
      %get3A_2108 = vector.shape_cast %get3A_2107 : vector<1x16xf32> to vector<16xf32>
      %get3A_2109 = arith.constant 15 : i32
      %get3A_2110 = arith.index_cast %get3A_2109 : i32 to index
      %get3A_2111 = arith.constant 48 : index
      %get3A_2112 = tpu.vector_load %arg9[%get3A_2110, %get3A_2111] {strides = array<i32>} : memref<16x128xf32, #tpu.memory_space<vmem>>, vector<1x16xf32>,
      %get3A_2113 = vector.shape_cast %get3A_2112 : vector<1x16xf32> to vector<16xf32>
      %add3A_2114 = arith.addf %get3A_2108, %get3A_2113 : vector<16xf32>
      %swap3A_2115 = arith.constant 15 : i32
      %swap3A_2116 = arith.index_cast %swap3A_2115 : i32 to index
      %swap3A_2117 = arith.constant 48 : index
      %swap3A_2118 = tpu.vector_load %arg10[%swap3A_2116, %swap3A_2117] {strides = array<i32>} : memref<16x128xf32, #tpu.memory_space<vmem>>, vector<1x16xf32>,
      %swap3A_2119 = vector.shape_cast %swap3A_2118 : vector<1x16xf32> to vector<16xf32>
      %swap3A_2120 = vector.shape_cast %add3A_2114 : vector<16xf32> to vector<1x16xf32>
      tpu.vector_store %arg10[%swap3A_2116, %swap3A_2117], %swap3A_2120 {strides = array<i32>} : memref<16x128xf32, #tpu.memory_space<vmem>>, vector<1x16xf32>,
      %get3A_2121 = arith.constant 15 : i32
      %get3A_2122 = arith.index_cast %get3A_2121 : i32 to index
      %get3A_2123 = arith.constant 64 : index
      %get3A_2124 = tpu.vector_load %arg10[%get3A_2122, %get3A_2123] {strides = array<i32>} : memref<16x128xf32, #tpu.memory_space<vmem>>, vector<1x16xf32>,
      %get3A_2125 = vector.shape_cast %get3A_2124 : vector<1x16xf32> to vector<16xf32>
      %get3A_2126 = arith.constant 15 : i32
      %get3A_2127 = arith.index_cast %get3A_2126 : i32 to index
      %get3A_2128 = arith.constant 64 : index
      %get3A_2129 = tpu.vector_load %arg9[%get3A_2127, %get3A_2128] {strides = array<i32>} : memref<16x128xf32, #tpu.memory_space<vmem>>, vector<1x16xf32>,
      %get3A_2130 = vector.shape_cast %get3A_2129 : vector<1x16xf32> to vector<16xf32>
      %add3A_2131 = arith.addf %get3A_2125, %get3A_2130 : vector<16xf32>
      %swap3A_2132 = arith.constant 15 : i32
      %swap3A_2133 = arith.index_cast %swap3A_2132 : i32 to index
      %swap3A_2134 = arith.constant 64 : index
      %swap3A_2135 = tpu.vector_load %arg10[%swap3A_2133, %swap3A_2134] {strides = array<i32>} : memref<16x128xf32, #tpu.memory_space<vmem>>, vector<1x16xf32>,
      %swap3A_2136 = vector.shape_cast %swap3A_2135 : vector<1x16xf32> to vector<16xf32>
      %swap3A_2137 = vector.shape_cast %add3A_2131 : vector<16xf32> to vector<1x16xf32>
      tpu.vector_store %arg10[%swap3A_2133, %swap3A_2134], %swap3A_2137 {strides = array<i32>} : memref<16x128xf32, #tpu.memory_space<vmem>>, vector<1x16xf32>,
      %get3A_2138 = arith.constant 15 : i32
      %get3A_2139 = arith.index_cast %get3A_2138 : i32 to index
      %get3A_2140 = arith.constant 80 : index
      %get3A_2141 = tpu.vector_load %arg10[%get3A_2139, %get3A_2140] {strides = array<i32>} : memref<16x128xf32, #tpu.memory_space<vmem>>, vector<1x16xf32>,
      %get3A_2142 = vector.shape_cast %get3A_2141 : vector<1x16xf32> to vector<16xf32>
      %get3A_2143 = arith.constant 15 : i32
      %get3A_2144 = arith.index_cast %get3A_2143 : i32 to index
      %get3A_2145 = arith.constant 80 : index
      %get3A_2146 = tpu.vector_load %arg9[%get3A_2144, %get3A_2145] {strides = array<i32>} : memref<16x128xf32, #tpu.memory_space<vmem>>, vector<1x16xf32>,
      %get3A_2147 = vector.shape_cast %get3A_2146 : vector<1x16xf32> to vector<16xf32>
      %add3A_2148 = arith.addf %get3A_2142, %get3A_2147 : vector<16xf32>
      %swap3A_2149 = arith.constant 15 : i32
      %swap3A_2150 = arith.index_cast %swap3A_2149 : i32 to index
      %swap3A_2151 = arith.constant 80 : index
      %swap3A_2152 = tpu.vector_load %arg10[%swap3A_2150, %swap3A_2151] {strides = array<i32>} : memref<16x128xf32, #tpu.memory_space<vmem>>, vector<1x16xf32>,
      %swap3A_2153 = vector.shape_cast %swap3A_2152 : vector<1x16xf32> to vector<16xf32>
      %swap3A_2154 = vector.shape_cast %add3A_2148 : vector<16xf32> to vector<1x16xf32>
      tpu.vector_store %arg10[%swap3A_2150, %swap3A_2151], %swap3A_2154 {strides = array<i32>} : memref<16x128xf32, #tpu.memory_space<vmem>>, vector<1x16xf32>,
      %get3A_2155 = arith.constant 15 : i32
      %get3A_2156 = arith.index_cast %get3A_2155 : i32 to index
      %get3A_2157 = arith.constant 96 : index
      %get3A_2158 = tpu.vector_load %arg10[%get3A_2156, %get3A_2157] {strides = array<i32>} : memref<16x128xf32, #tpu.memory_space<vmem>>, vector<1x16xf32>,
      %get3A_2159 = vector.shape_cast %get3A_2158 : vector<1x16xf32> to vector<16xf32>
      %get3A_2160 = arith.constant 15 : i32
      %get3A_2161 = arith.index_cast %get3A_2160 : i32 to index
      %get3A_2162 = arith.constant 96 : index
      %get3A_2163 = tpu.vector_load %arg9[%get3A_2161, %get3A_2162] {strides = array<i32>} : memref<16x128xf32, #tpu.memory_space<vmem>>, vector<1x16xf32>,
      %get3A_2164 = vector.shape_cast %get3A_2163 : vector<1x16xf32> to vector<16xf32>
      %add3A_2165 = arith.addf %get3A_2159, %get3A_2164 : vector<16xf32>
      %swap3A_2166 = arith.constant 15 : i32
      %swap3A_2167 = arith.index_cast %swap3A_2166 : i32 to index
      %swap3A_2168 = arith.constant 96 : index
      %swap3A_2169 = tpu.vector_load %arg10[%swap3A_2167, %swap3A_2168] {strides = array<i32>} : memref<16x128xf32, #tpu.memory_space<vmem>>, vector<1x16xf32>,
      %swap3A_2170 = vector.shape_cast %swap3A_2169 : vector<1x16xf32> to vector<16xf32>
      %swap3A_2171 = vector.shape_cast %add3A_2165 : vector<16xf32> to vector<1x16xf32>
      tpu.vector_store %arg10[%swap3A_2167, %swap3A_2168], %swap3A_2171 {strides = array<i32>} : memref<16x128xf32, #tpu.memory_space<vmem>>, vector<1x16xf32>,
      %get3A_2172 = arith.constant 15 : i32
      %get3A_2173 = arith.index_cast %get3A_2172 : i32 to index
      %get3A_2174 = arith.constant 112 : index
      %get3A_2175 = tpu.vector_load %arg10[%get3A_2173, %get3A_2174] {strides = array<i32>} : memref<16x128xf32, #tpu.memory_space<vmem>>, vector<1x16xf32>,
      %get3A_2176 = vector.shape_cast %get3A_2175 : vector<1x16xf32> to vector<16xf32>
      %get3A_2177 = arith.constant 15 : i32
      %get3A_2178 = arith.index_cast %get3A_2177 : i32 to index
      %get3A_2179 = arith.constant 112 : index
      %get3A_2180 = tpu.vector_load %arg9[%get3A_2178, %get3A_2179] {strides = array<i32>} : memref<16x128xf32, #tpu.memory_space<vmem>>, vector<1x16xf32>,
      %get3A_2181 = vector.shape_cast %get3A_2180 : vector<1x16xf32> to vector<16xf32>
      %add3A_2182 = arith.addf %get3A_2176, %get3A_2181 : vector<16xf32>
      %swap3A_2183 = arith.constant 15 : i32
      %swap3A_2184 = arith.index_cast %swap3A_2183 : i32 to index
      %swap3A_2185 = arith.constant 112 : index
      %swap3A_2186 = tpu.vector_load %arg10[%swap3A_2184, %swap3A_2185] {strides = array<i32>} : memref<16x128xf32, #tpu.memory_space<vmem>>, vector<1x16xf32>,
      %swap3A_2187 = vector.shape_cast %swap3A_2186 : vector<1x16xf32> to vector<16xf32>
      %swap3A_2188 = vector.shape_cast %add3A_2182 : vector<16xf32> to vector<1x16xf32>
      tpu.vector_store %arg10[%swap3A_2184, %swap3A_2185], %swap3A_2188 {strides = array<i32>} : memref<16x128xf32, #tpu.memory_space<vmem>>, vector<1x16xf32>,
      "tpu.region"() ({
        %run_scoped3A = tpu.sem_alloc : memref<!tpu.dma_semaphore, #tpu.memory_space<semaphore_mem>>
        %dma_start3A_2189 = arith.constant 0 : i32
        %dma_start3A_2190 = tpu.memref_slice %arg6[%mul3A_4, %dma_start3A_2189] : memref<64x128xf32, #tpu.memory_space<hbm>> -> memref<16x128xf32, #tpu.memory_space<hbm>>
        %dma_start3A_2191 = arith.constant 0 : i32
        %dma_start3A_2192 = tpu.memref_slice %arg6[%mul3A_4, %dma_start3A_2191] : memref<64x128xf32, #tpu.memory_space<hbm>> -> memref<16x128xf32, #tpu.memory_space<hbm>>
        tpu.enqueue_dma source(%arg10 : memref<16x128xf32, #tpu.memory_space<vmem>>) target(%dma_start3A_2192 : memref<16x128xf32, #tpu.memory_space<hbm>>) target_semaphore(%run_scoped3A : memref<!tpu.dma_semaphore, #tpu.memory_space<semaphore_mem>>)
        %dma_wait3A_2193 = arith.constant 0 : i32
        %dma_wait3A_2194 = tpu.memref_slice %arg6[%mul3A_4, %dma_wait3A_2193] : memref<64x128xf32, #tpu.memory_space<hbm>> -> memref<16x128xf32, #tpu.memory_space<hbm>>
        %dma_wait3A_2195 = arith.constant 0 : i32
        %dma_wait3A_2196 = tpu.memref_slice %arg6[%mul3A_4, %dma_wait3A_2195] : memref<64x128xf32, #tpu.memory_space<hbm>> -> memref<16x128xf32, #tpu.memory_space<hbm>>
        tpu.wait_dma2 semaphore(%run_scoped3A : memref<!tpu.dma_semaphore, #tpu.memory_space<semaphore_mem>>) src(%arg10 : memref<16x128xf32, #tpu.memory_space<vmem>>) dst(%dma_wait3A_2196 : memref<16x128xf32, #tpu.memory_space<hbm>>)
        tpu.yield
      }) : () -> ()
    } else {
    }
    return
  }
}

module attributes {stable_mosaic.version = 14 : i64} {
  func.func @_tc_head_body(%arg0: i32, %arg1: memref<8x128xf32, #tpu.memory_space<vmem>>, %arg2: memref<8x128xf32, #tpu.memory_space<vmem>>, %arg3: memref<128x64x128xf32, #tpu.memory_space<vmem>>) attributes {dimension_semantics = [#tpu.dimension_semantics<arbitrary>], iteration_bounds = array<i64: 16>, scalar_prefetch = 0 : i64, scratch_operands = 0 : i64, tpu.core_type = #tpu.core_type<tc>, window_params = [{pipeline_mode = #tpu.pipeline_mode<synchronous>, transform_indices = @transform_0, window_bounds = array<i64: 8, 128>}, {pipeline_mode = #tpu.pipeline_mode<synchronous>, transform_indices = @transform_1, window_bounds = array<i64: 8, 128>}, {transform_indices = @transform_2, window_bounds = array<i64: 128, 64, 128>}]} {
    %get3A = arith.constant 0 : index
    %get3A_0 = arith.constant 0 : index
    %get3A_1 = vector.load %arg1[%get3A, %get3A_0] : memref<8x128xf32, #tpu.memory_space<vmem>>, vector<8x128xf32>
    %get3A_2 = arith.constant 0 : index
    %get3A_3 = arith.constant 0 : index
    %get3A_4 = vector.load %arg2[%get3A_2, %get3A_3] : memref<8x128xf32, #tpu.memory_space<vmem>>, vector<8x128xf32>
    %broadcast_in_dim3A = vector.shape_cast %get3A_1 : vector<8x128xf32> to vector<8x1x128xf32>
    %broadcast_in_dim3A_5 = vector.shape_cast %broadcast_in_dim3A : vector<8x1x128xf32> to vector<8x1x128xf32>
    %broadcast_in_dim3A_6 = vector.broadcast %broadcast_in_dim3A_5 : vector<8x1x128xf32> to vector<8x8x128xf32>
    %broadcast_in_dim3A_7 = vector.shape_cast %get3A_4 : vector<8x128xf32> to vector<1x8x128xf32>
    %broadcast_in_dim3A_8 = vector.shape_cast %broadcast_in_dim3A_7 : vector<1x8x128xf32> to vector<1x8x128xf32>
    %broadcast_in_dim3A_9 = vector.broadcast %broadcast_in_dim3A_8 : vector<1x8x128xf32> to vector<8x8x128xf32>
    %add3A = arith.addf %broadcast_in_dim3A_6, %broadcast_in_dim3A_9 : vector<8x8x128xf32>
    %reshape3A = vector.shape_cast %add3A : vector<8x8x128xf32> to vector<64x128xf32>
    %broadcast_in_dim3A_10 = vector.shape_cast %reshape3A : vector<64x128xf32> to vector<1x64x128xf32>
    %broadcast_in_dim3A_11 = vector.shape_cast %broadcast_in_dim3A_10 : vector<1x64x128xf32> to vector<1x64x128xf32>
    %broadcast_in_dim3A_12 = vector.broadcast %broadcast_in_dim3A_11 : vector<1x64x128xf32> to vector<128x64x128xf32>
    %swap3A = arith.constant 0 : index
    %swap3A_13 = arith.constant 0 : index
    %swap3A_14 = arith.constant 0 : index
    %swap3A_15 = vector.load %arg3[%swap3A, %swap3A_13, %swap3A_14] : memref<128x64x128xf32, #tpu.memory_space<vmem>>, vector<128x64x128xf32>
    tpu.vector_store %arg3[%swap3A, %swap3A_13, %swap3A_14], %broadcast_in_dim3A_12 {strides = array<i32>} : memref<128x64x128xf32, #tpu.memory_space<vmem>>, vector<128x64x128xf32>,
    return
  }
  func.func @transform_0(%arg0: i32) -> (i32, i32) {
    %c0_i32 = arith.constant 0 : i32
    %c0_i32_0 = arith.constant 0 : i32
    %c0_i32_1 = arith.constant 0 : i32
    return %c0_i32, %c0_i32_0 : i32, i32
  }
  func.func @transform_1(%arg0: i32) -> (i32, i32) {
    %c0_i32 = arith.constant 0 : i32
    %c0_i32_0 = arith.constant 0 : i32
    %c0_i32_1 = arith.constant 0 : i32
    return %c0_i32, %c0_i32_0 : i32, i32
  }
  func.func @transform_2(%arg0: i32) -> (i32, i32, i32) {
    %c0_i32 = arith.constant 0 : i32
    %c0_i32_0 = arith.constant 0 : i32
    %c0_i32_1 = arith.constant 0 : i32
    return %arg0, %c0_i32, %c0_i32_0 : i32, i32, i32
  }
}

module attributes {stable_mosaic.version = 14 : i64} {
  func.func @_tc_tail_body(%arg0: i32, %arg1: memref<16384x64x128xf32, #tpu.memory_space<hbm>>, %arg2: memref<64x128xf32, #tpu.memory_space<vmem>>, %arg3: memref<128x64x128xf32, #tpu.memory_space<vmem>>) attributes {dimension_semantics = [#tpu.dimension_semantics<arbitrary>], iteration_bounds = array<i64: 112>, scalar_prefetch = 0 : i64, scratch_operands = 0 : i64, tpu.core_type = #tpu.core_type<tc>, window_params = [{}, {pipeline_mode = #tpu.pipeline_mode<synchronous>, transform_indices = @transform_1, window_bounds = array<i64: 64, 128>}, {transform_indices = @transform_2, window_bounds = array<i64: 128, 64, 128>}]} {
    %get3A = arith.constant 0 : index
    %get3A_0 = arith.constant 0 : index
    %get3A_1 = vector.load %arg2[%get3A, %get3A_0] : memref<64x128xf32, #tpu.memory_space<vmem>>, vector<64x128xf32>
    %broadcast_in_dim3A = vector.shape_cast %get3A_1 : vector<64x128xf32> to vector<1x64x128xf32>
    %broadcast_in_dim3A_2 = vector.shape_cast %broadcast_in_dim3A : vector<1x64x128xf32> to vector<1x64x128xf32>
    %broadcast_in_dim3A_3 = vector.broadcast %broadcast_in_dim3A_2 : vector<1x64x128xf32> to vector<128x64x128xf32>
    %swap3A = arith.constant 0 : index
    %swap3A_4 = arith.constant 0 : index
    %swap3A_5 = arith.constant 0 : index
    %swap3A_6 = vector.load %arg3[%swap3A, %swap3A_4, %swap3A_5] : memref<128x64x128xf32, #tpu.memory_space<vmem>>, vector<128x64x128xf32>
    tpu.vector_store %arg3[%swap3A, %swap3A_4, %swap3A_5], %broadcast_in_dim3A_3 {strides = array<i32>} : memref<128x64x128xf32, #tpu.memory_space<vmem>>, vector<128x64x128xf32>,
    return
  }
  func.func @transform_1(%arg0: i32) -> (i32, i32) {
    %c0_i32 = arith.constant 0 : i32
    %c0_i32_0 = arith.constant 0 : i32
    %c0_i32_1 = arith.constant 0 : i32
    return %c0_i32, %c0_i32_0 : i32, i32
  }
  func.func @transform_2(%arg0: i32) -> (i32, i32, i32) {
    %add3A = arith.constant 16 : i32
    %add3A_0 = arith.addi %arg0, %add3A : i32
    %c0_i32 = arith.constant 0 : i32
    %c0_i32_1 = arith.constant 0 : i32
    %c0_i32_2 = arith.constant 0 : i32
    return %add3A_0, %c0_i32, %c0_i32_1 : i32, i32, i32
  }
}

</mosaic_0001>

<sc_bundles>
// kernel: kernel.5.cloned.1.call-start
scs
__scs_entry_jumppad:
0x0: {  	(pc) =	sbr.rel $0x88, $3  }
0x1: {  	(tag) =	ssettag $0x0;
	lr =	simm.s32 $0x1  }
0x2: {  	[smem:$0x3F9F] =	sst lr;
	_ =	strace $0xD0000000  }
0x3: {  	_ = 	snop  }
0x4: {  	_ = 	snop  }
0x5: {  	_ = 	snop  }
0x6: {  	_ = 	snop  }
0x7: {  	_ = 	snop  }
__scs_overlays_trampoline_lowered:
0x8: {  	[smem:$0x3FAE] =	sst s0  }
0x9: {  	[smem:$0x3FAF] =	sst s1  }
0xa: {  	[smem:$0x3FB0] =	sst s2  }
0xb: {  	[smem:$0x3FB1] =	sst s3  }
0xc: {  	[smem:$0x3FB2] =	sst s4  }
0xd: {  	[smem:$0x3FB3] =	sst s5  }
0xe: {  	[smem:$0x3FB4] =	sst s6  }
0xf: {  	[smem:$0x3FB5] =	sst s7  }
0x10: {  	[smem:$0x3FB6] =	sst s8  }
0x11: {  	[smem:$0x3FB7] =	sst s9;
	s0 =	simm.s32 @!p0 $0x0  }
0x12: {  	s1 =	sld [smem:$0x3F9D];
	s0 =	simm.s32 @p0 $0x1  }
0x13: {  	[smem:$0x3FB8] =	sst s0;
	s0 =	simm.s32 @!p1 $0x0  }
0x14: {  	s2 =	sld [smem:$0x3F9C];
	s0 =	simm.s32 @p1 $0x1  }
0x15: {  	[smem:$0x3FB9] =	sst s0;
	s0 =	simm.s32 @!p2 $0x0  }
0x16: {  	s3 =	sld [smem:$0x3FDB];
	s0 =	simm.s32 @p2 $0x1  }
0x17: {  	s4 =	simm.s32 $0x1BF5;
	[smem:$0x3FBB] =	sst s0  }
0x18: {  	s0 =	sld [smem:$0x3F9E];
	_ =	swait.ge [sflag:s4], $0x0  }
0x19: {  	s7 =	sld [smem:$0x3F9F]  }
0x1a: {  	s8 =	sadd.s32 $0xFFFFE003, lr  }
0x1b: {  	s9 =	sadd.s32 $0xFFFFFEF7, lr;
	s5 =	simm.s32 $0xFFFFFFFF;
	p2 =	slt.u32 s8, $0xFFFFF086  }
0x1c: {  	p1 =	slt.u32 s9, $0xF7A;
	s5 =	simm.s32 @!p2 $0x0  }
0x1d: {  	s5 =	simm.s32 @p1 $0x1;
	p0 =	seq.s32 s7, s2  }
0x1e: {  	s7 =	smul.u32 @!p0 $0xF7A, s2;
	p2 =	seq.s32 @!p0 s5, $0x0  }
0x1f: {  	s9 =	smul.u32 $0xF7A, s1;
	s8 =	simm.s32 @!p0 $0x1BF5;
	p2 =	por !p2, p0  }
0x20: {  	[sflag:s8] =	ssyncset.s32 @!p0 $0xFFFFF086;
	s6 =	sadd.s32 @!p0 s3, s7;
	s7 =	simm.s32 @!p0 $0x108  }
0x21: {  	s3 =	sadd.s32 s3, s9;
	s6 =	sadd.s32 @!p0 $0x88, s6;
	s7 =	simm.s32 @p2 $0x1082  }
0x22: {  	[simem:s7], [sflag:s8] =	dma.local @!p0 [hbm:s6], $0xF7A  }
0x23: {  	s9 =	sor.u32 $0xD0000000, s2;
	s6 =	simm.s32 $0x108;
	_ =	swait.ge @!p0 [sflag:s8], $0x0  }
0x24: {  	s3 =	sadd.s32 $0x88, s3;
	s6 =	simm.s32 @!p1 $0x1082;
	[sflag:s4] =	ssyncset.s32 $0xFFFFF086  }
0x25: {  	[simem:s6], [sflag:s4] =	dma.local [hbm:s3], $0xF7A  }
0x26: {  	[smem:$0x3F9F] =	sst s1;
	(tag) =	ssettag s2;
	_ =	strace s9  }
0x27: {  	s1 =	sld [smem:$0x3FAF]  }
0x28: {  	s2 =	sld [smem:$0x3FB0]  }
0x29: {  	s4 =	sld [smem:$0x3FB2]  }
0x2a: {  	p0 =	seq.s32 s5, $0x0;
	s5 =	sld [smem:$0x3FB3]  }
0x2b: {  	s6 =	sld [smem:$0x3FB4]  }
0x2c: {  	s7 =	sld [smem:$0x3FB5]  }
0x2d: {  	s3 =	simm.s32 $0x108;
	s8 =	sld [smem:$0x3FB6]  }
0x2e: {  	s3 =	simm.s32 @!p0 $0x1082;
	s9 =	sld [smem:$0x3FB7]  }
0x2f: {  	lr =	sadd.s32 s0, s3;
	s0 =	sld [smem:$0x3FAE]  }
0x30: {  	s3 =	sld [smem:$0x3FB1]  }
0x31: {  	[smem:$0x3FBA] =	sst s10  }
0x32: {  	s10 =	sld [smem:$0x3FB8];
	_ =	sdelay $0x3  }
0x33: {  	p0 =	seq.s32 s10, $0x1;
	s10 =	sld [smem:$0x3FBA];
	_ =	sdelay $0x3  }
0x34: {  	[smem:$0x3FBA] =	sst s10  }
0x35: {  	s10 =	sld [smem:$0x3FB9];
	_ =	sdelay $0x3  }
0x36: {  	p1 =	seq.s32 s10, $0x1;
	s10 =	sld [smem:$0x3FBA];
	_ =	sdelay $0x3  }
0x37: {  	[smem:$0x3FBA] =	sst s10  }
0x38: {  	s10 =	sld [smem:$0x3FBB]  }
0x39: {  	_ = 	snop;
	(pc) =	sbr.ind lr, $3  }
0x3a: {  	_ = 	snop  }
0x3b: {  	_ = 	snop  }
0x3c: {  	p2 =	seq.s32 s10, $0x1;
	s10 =	sld [smem:$0x3FBA]  }
0x3d: {  	_ =	shalt  }
0x3e: {  	_ =	shalt  }
0x3f: {  	_ =	shalt  }
0x40: {  	_ =	shalt  }
0x41: {  	_ =	shalt  }
0x42: {  	_ =	shalt  }
0x43: {  	_ =	shalt  }
0x44: {  	_ =	shalt  }
0x45: {  	_ =	shalt  }
0x46: {  	_ =	shalt  }
0x47: {  	_ =	shalt  }
0x48: {  	_ =	shalt  }
0x49: {  	_ =	shalt  }
0x4a: {  	_ =	shalt  }
0x4b: {  	_ =	shalt  }
0x4c: {  	_ =	shalt  }
0x4d: {  	_ =	shalt  }
0x4e: {  	_ =	shalt  }
0x4f: {  	_ =	shalt  }
0x50: {  	_ =	shalt  }
0x51: {  	_ =	shalt  }
0x52: {  	_ =	shalt  }
0x53: {  	_ =	shalt  }
0x54: {  	_ =	shalt  }
0x55: {  	_ =	shalt  }
0x56: {  	_ =	shalt  }
0x57: {  	_ =	shalt  }
0x58: {  	_ =	shalt  }
0x59: {  	_ =	shalt  }
0x5a: {  	_ =	shalt  }
0x5b: {  	_ =	shalt  }
0x5c: {  	_ =	shalt  }
0x5d: {  	_ =	shalt  }
0x5e: {  	_ =	shalt  }
0x5f: {  	_ =	shalt  }
0x60: {  	_ =	shalt  }
0x61: {  	_ =	shalt  }
0x62: {  	_ =	shalt  }
0x63: {  	_ =	shalt  }
0x64: {  	_ =	shalt  }
0x65: {  	_ =	shalt  }
0x66: {  	_ =	shalt  }
0x67: {  	_ =	shalt  }
0x68: {  	_ =	shalt  }
0x69: {  	_ =	shalt  }
0x6a: {  	_ =	shalt  }
0x6b: {  	_ =	shalt  }
0x6c: {  	_ =	shalt  }
0x6d: {  	_ =	shalt  }
0x6e: {  	_ =	shalt  }
0x6f: {  	_ =	shalt  }
0x70: {  	_ =	shalt  }
0x71: {  	_ =	shalt  }
0x72: {  	_ =	shalt  }
0x73: {  	_ =	shalt  }
0x74: {  	_ =	shalt  }
0x75: {  	_ =	shalt  }
0x76: {  	_ =	shalt  }
0x77: {  	_ =	shalt  }
0x78: {  	_ =	shalt  }
0x79: {  	_ =	shalt  }
0x7a: {  	_ =	shalt  }
0x7b: {  	_ =	shalt  }
0x7c: {  	_ =	shalt  }
0x7d: {  	_ =	shalt  }
0x7e: {  	_ =	shalt  }
0x7f: {  	_ =	shalt  }
0x80: {  	_ =	shalt  }
0x81: {  	_ =	shalt  }
0x82: {  	_ =	shalt  }
0x83: {  	_ =	shalt  }
0x84: {  	_ =	shalt  }
0x85: {  	_ =	shalt  }
0x86: {  	_ =	shalt  }
0x87: {  	_ =	shalt  }
.Lfunc_end0:
.L_simem_size_0:
called_computation_lowered:
.L_overlay_start_0:
0x88: {  	s2 =	sld [smem:$0x3FD9]  }
0x89: {  	s3 =	sld [smem:$0x3FFE];
	_ =	sdelay $0x1  }
0x8a: {  	s1 =	srdreg.scid  }
0x8b: {  	s0 =	sand.u32 $0x1, s1  }
0x8c: {  	s17 =	sshll.u32 s0, $0xA;
	s2 =	sadd.s32 s3, s2  }
0x8d: {  	s2 =	sadd.s32 s2, s17  }
0x8e: {  	[smem:$0x3FC6] =	sst s2  }
0x8f: {  	_ = 	snop  }
0x90: {  	s2 =	sld [smem:$0x3FC9]  }
0x91: {  	s18 =	sld [smem:$0x3FC8];
	(tm) =	ssettm $0x1  }
0x92: {  	s4 =	sld [smem:$0x3FFB];
	_ =	sdelay $0x3  }
0x93: {  	_ =	strace s4  }
0x94: {  	s4 =	sld [smem:$0x3FFC];
	_ =	sdelay $0x3  }
0x95: {  	_ =	strace s4  }
0x96: {  	s4 =	sld [smem:$0x3FFD];
	_ =	sdelay $0x3  }
0x97: {  	_ =	strace s4  }
0x98: {  	_ =	strace $0x8FFFFFFF  }
0x99: {  	s19 =	sld [smem:$0x3FDB];
	_ =	sdelay $0x1  }
0x9a: {  	s5 =	simm.s32 $_scs_section_size  }
0x9b: {  	s6 =	simm.s32 $_size__tile_overlayer_lowered;
	s7 =	simm.s32 $_tile_overlayer_lowered  }
0x9c: {  	s22 =	simm.s32 $0x1BFF;
	s21 =	sshll.u32 s7, $0x1;
	s4 =	sadd.s32 s5, s19  }
0x9d: {  	s8 =	simm.s32 $0x0;
	s20 =	sshll.u32 s6, $0x1;
	s6 =	sadd.s32 s21, s4  }
0x9e: {  	[timem:s8], [sflag:s22] =	dma.local [hbm:s6], s20  }
0x9f: {  	_ =	swait.ge [sflag:s22], s20  }
0xa0: {  	s5 =	ssub.s32 $0x0, s20;
	[sflag:s22] =	ssyncset.done $0x0  }
0xa1: {  	[sflag:s22] =	ssyncadd.s32 s5;
	_ =	sdelay $0x1  }
0xa2: {  	s23 =	simm.s32 $0x1B8B  }
0xa3: {  	_ =	swait.ge [sflag:s23], $0x1  }
0xa4: {  	[sflag:s23] =	ssyncset.done $0x0  }
0xa5: {  	s25 =	simm.s32 $0x1B8E;
	s24 =	sld [smem:$0x3FFE];
	[sflag:s23] =	ssyncadd.s32 $0xFFFFFFFF  }
0xa6: {  	s26 =	simm.s32 $execute0_lowered;
	[smem:$0x3FD2] =	sst s25  }
0xa7: {  	s6 =	sshll.u32 s26, $0x1;
	_ =	strace $0x80000046;
	[dreg:$0x1] =	wrdreg $0xFFFFFFFF  }
0xa8: {  	s28 =	simm.s32 $_size_execute0_lowered;
	s4 =	sadd.s32 s4, s6;
	[dreg:$0x0] =	wrdreg $0x0  }
0xa9: {  	s6 =	sshll.u32 s28, $0x1;
	[dreg:$0x2] =	wrdreg s4  }
0xaa: {  	[dreg:$0x3] =	wrdreg s6  }
0xab: {  	[dreg:$0x4] =	wrdreg $0xC0  }
0xac: {  	_ =	task [dreg:s8], $0x5FFFF  }
0xad: {  	[dreg:$0x1] =	wrdreg $0xFFFFFFFF  }
0xae: {  	[dreg:$0x0] =	wrdreg $0x60  }
0xaf: {  	[dreg:$0x2] =	wrdreg s2  }
0xb0: {  	[dreg:$0x3] =	wrdreg s18  }
0xb1: {  	[dreg:$0x4] =	wrdreg s24  }
0xb2: {  	[dreg:$0x5] =	wrdreg $0x9  }
0xb3: {  	_ =	task.clear_ibuf [dreg:s8], $0x6FFFF;
	_ =	strace $0x90000046  }
0xb4: {  	s29 =	simm.s32 $0x9;
	_ =	strace $0x80000048  }
0xb5: {  	_ =	swait.ge [sflag:s29], $0x1  }
0xb6: {  	[sflag:s29] =	ssyncadd.s32 $0xFFFFFFFF  }
0xb7: {  	_ =	strace $0x90000048  }
0xb8: {  	_ =	sfence  }
0xb9: {  	s30 =	sld [smem:$0x0];
	_ =	sdelay $0x2  }
0xba: {  	s31 =	sshll.u32 s1, $0xD;
	s1 =	sshrl.u32 s1, $0x2  }
0xbb: {  	s3 =	sand.u32 $0x4000, s31;
	s1 =	sadd.s32 s1, s30  }
0xbc: {  	s0 =	sor.u32 s3, s0;
	s1 =	sshll.u32 s1, $0x11  }
0xbd: {  	s0 =	sor.u32 s1, s0  }
0xbe: {  	s0 =	sadd.s32 $0x8F2B, s0  }
0xbf: {  	[sflag:s0] =	ssyncadd.remote.s32 $0x1  }
0xc0: {  	_ =	sfence.sel $0xFFFF  }
0xc1: {  	[dreg:$0x0] =	wrdreg $0xFFFFFFFF;
	(pc) =	sbr.abs _section_cstart, $3  }
0xc2: {  	[dreg:$0x1] =	wrdreg $0xFFFFFFFF  }
0xc3: {  	_ =	task.clear_ibuf [dreg:s8], $0x2FFFF;
	_ =	strace $0x9FFFFFFF  }
0xc4: {  	(tm) =	ssettm $0x7FFFFFFF  }
0xc5: {  	_ =	shalt  }
tec
execute0_lowered:
.L_overlay_start_1:
0x0: {  	(tag) =	ssettag $0x1  }
0x1: {  	s2 =	stileid.u32  }
0x2: {  	p0 =	sgt.u32 s2, $0x1  }
.Ltmp0:
0x3: {  	s1 =	rddreg [dreg:$0x0];
	(pc) =	sbr.rel @p0 .LBB2_3-.Ltmp0, $4  }
0x4: {  	s3 =	rddreg [dreg:$0x1]  }
0x5: {  	s5 =	rddreg [dreg:$0x2];
	s4 =	simm.s32 $0x0  }
0x6: {  	[smem:$0x7FF] =	sst s4  }
0x7: {  	s0 =	rddreg [dreg:$0x3];
	_ =	strace $0x80000047  }
0x8: {  	s6 =	srdreg.scid;
	s7 =	sshll.u32 s2, $0x1  }
0x9: {  	s8 =	sadd.s32 $0xE00, s5;
	s12 =	simm.s32 $0x100;
	s6 =	sand.u32 $0x1, s6  }
0xa: {  	s13 =	simm.s32 $0x900;
	s14 =	simm.s32 $0x1;
	s7 =	sor.u32 s6, s7  }
0xb: {  	s15 =	simm.s32 $0x2;
	s10 =	ssub.s32 $0x2, s6;
	s9 =	sshll.u32 s7, $0x1  }
0xc: {  	s7 =	sshll.u32 s7, $0x8;
	s11 =	sshrl.u32 s10, $0x1;
	s31 =	sadd.s32 s9, s5  }
0xd: {  	s7 =	sadd.s32 s7, s5;
	s10 =	ssub.s32 s10, s11;
	s11 =	simm.s32 $0x10  }
0xe: {  	s5 =	sadd.s32 $0xC00, s31;
	s6 =	sadd.s32 $0x1000, s7;
	s7 =	sadd.s32 s8, s9  }
0xf: {  	s8 =	smax.u32 s10, $0x1;
	s9 =	simm.s32 $0x3;
	s10 =	simm.s32 $0x80  }
.LBB2_2:
0x10: {  	[tilespmem:s4], [sflag:$0x3] =	stream.linear.gather [hbm4b:s7+s4], $0x10, $0x38;
	[tilespmem:$0x1100] =	vst v63  }
0x11: {  	_ =	swait.ge [sflag:s9], $0x10  }
0x12: {  	[sflag:s9] =	ssyncset.done $0x0  }
0x13: {  	[sflag:s9] =	ssyncadd.s32 $0xFFFFFFF0  }
0x14: {  	[tilespmem:s10], [sflag:$0x3] =	stream.linear.gather [hbm4b:s5+s4], $0x10, $0x38;
	[tilespmem:$0x1100] =	vst v63  }
0x15: {  	_ =	swait.ge [sflag:s9], $0x10  }
0x16: {  	[sflag:s9] =	ssyncset.done $0x0  }
0x17: {  	[sflag:s9] =	ssyncadd.s32 $0xFFFFFFF0  }
0x18: {  	[tilespmem:s12], [sflag:$0x1] =	stream.indirect.gather [hbm4b:s1+s11], $0x80, s4, s11, $0xb8;
	[tilespmem:$0x1100] =	vst v63  }
0x19: {  	_ = 	snop  }
0x1a: {  	[tilespmem:s13], [sflag:$0x2] =	stream.indirect.gather [hbm4b:s3+s11], $0x80, s10, s11, $0xb8;
	[tilespmem:$0x1100] =	vst v63  }
0x1b: {  	_ =	swait.ge [sflag:s14], $0x800  }
0x1c: {  	[sflag:s14] =	ssyncset.done $0x0  }
0x1d: {  	[sflag:s14] =	ssyncadd.s32 $0xFFFFF800  }
0x1e: {  	_ =	swait.ge [sflag:s15], $0x800  }
0x1f: {  	[sflag:s15] =	ssyncset.done $0x0  }
0x20: {  	[sflag:s15] =	ssyncadd.s32 $0xFFFFF800  }
0x21: {  	v3 =	vld [tilespmem:$0x900]  }
0x22: {  	v0 =	vld [tilespmem:$0x100]  }
0x23: {  	v4 =	vld [tilespmem:$0x910]  }
0x24: {  	v1 =	vld [tilespmem:$0x110]  }
0x25: {  	v6 =	vld [tilespmem:$0x920]  }
0x26: {  	v2 =	vld [tilespmem:$0x120]  }
0x27: {  	v8 =	vld [tilespmem:$0x930]  }
0x28: {  	v5 =	vld [tilespmem:$0x130]  }
0x29: {  	v10 =	vld [tilespmem:$0x940]  }
0x2a: {  	v7 =	vld [tilespmem:$0x140]  }
0x2b: {  	v12 =	vld [tilespmem:$0x950]  }
0x2c: {  	v9 =	vld [tilespmem:$0x150]  }
0x2d: {  	v14 =	vld [tilespmem:$0x960]  }
0x2e: {  	v11 =	vld [tilespmem:$0x160]  }
0x2f: {  	v16 =	vld [tilespmem:$0x970]  }
0x30: {  	v13 =	vld [tilespmem:$0x170]  }
0x31: {  	v18 =	vld [tilespmem:$0x980]  }
0x32: {  	v15 =	vld [tilespmem:$0x180]  }
0x33: {  	v20 =	vld [tilespmem:$0x990]  }
0x34: {  	v17 =	vld [tilespmem:$0x190]  }
0x35: {  	v22 =	vld [tilespmem:$0x9A0]  }
0x36: {  	v19 =	vld [tilespmem:$0x1A0]  }
0x37: {  	v24 =	vld [tilespmem:$0x9B0]  }
0x38: {  	v21 =	vld [tilespmem:$0x1B0]  }
0x39: {  	v26 =	vld [tilespmem:$0x9C0]  }
0x3a: {  	v23 =	vld [tilespmem:$0x1C0]  }
0x3b: {  	v28 =	vld [tilespmem:$0x9D0]  }
0x3c: {  	v25 =	vld [tilespmem:$0x1D0]  }
0x3d: {  	v58 =	vld [tilespmem:$0x9E0]  }
0x3e: {  	v27 =	vld [tilespmem:$0x1E0]  }
0x3f: {  	v59 =	vld [tilespmem:$0x9F0]  }
0x40: {  	v29 =	vld [tilespmem:$0x1F0]  }
0x41: {  	v50 =	vld [tilespmem:$0xA00]  }
0x42: {  	v30 =	vld [tilespmem:$0x200]  }
0x43: {  	v47 =	vld [tilespmem:$0xA10]  }
0x44: {  	v31 =	vld [tilespmem:$0x210]  }
0x45: {  	v38 =	vld [tilespmem:$0xA20]  }
0x46: {  	v32 =	vld [tilespmem:$0x220]  }
0x47: {  	v39 =	vld [tilespmem:$0xA30]  }
0x48: {  	v33 =	vld [tilespmem:$0x230]  }
0x49: {  	v36 =	vld [tilespmem:$0xA40]  }
0x4a: {  	v34 =	vld [tilespmem:$0x240]  }
0x4b: {  	v40 =	vld [tilespmem:$0xA50]  }
0x4c: {  	v35 =	vld [tilespmem:$0x250]  }
0x4d: {  	v42 =	vld [tilespmem:$0xA60]  }
0x4e: {  	v37 =	vld [tilespmem:$0x260]  }
0x4f: {  	v43 =	vld [tilespmem:$0xA70]  }
0x50: {  	v41 =	vld [tilespmem:$0x270]  }
0x51: {  	v46 =	vld [tilespmem:$0xA80]  }
0x52: {  	v44 =	vld [tilespmem:$0x280]  }
0x53: {  	v49 =	vld [tilespmem:$0xA90]  }
0x54: {  	v45 =	vld [tilespmem:$0x290]  }
0x55: {  	v52 =	vld [tilespmem:$0xAA0]  }
0x56: {  	v48 =	vld [tilespmem:$0x2A0]  }
0x57: {  	v63 =	vld [tilespmem:$0xB00];
	_ =	sdelay $0x4  }
0x58: {  	[tilespmem:$0x1FAE0] =	vst v63;
	v63 =	vld [tilespmem:$0x300];
	_ =	sdelay $0x4  }
0x59: {  	[tilespmem:$0x1FAF0] =	vst v63;
	v63 =	vld [tilespmem:$0xB10];
	_ =	sdelay $0x4  }
0x5a: {  	[tilespmem:$0x1FB00] =	vst v63;
	v63 =	vld [tilespmem:$0x310];
	_ =	sdelay $0x4  }
0x5b: {  	[tilespmem:$0x1FB10] =	vst v63;
	v63 =	vld [tilespmem:$0xB20];
	_ =	sdelay $0x4  }
0x5c: {  	[tilespmem:$0x1FB20] =	vst v63;
	v63 =	vld [tilespmem:$0x320];
	_ =	sdelay $0x4  }
0x5d: {  	[tilespmem:$0x1FB30] =	vst v63;
	v63 =	vld [tilespmem:$0xB30];
	_ =	sdelay $0x4  }
0x5e: {  	[tilespmem:$0x1FB40] =	vst v63;
	v63 =	vld [tilespmem:$0x330];
	_ =	sdelay $0x4  }
0x5f: {  	[tilespmem:$0x1FB50] =	vst v63;
	v63 =	vld [tilespmem:$0xB40];
	_ =	sdelay $0x4  }
0x60: {  	[tilespmem:$0x1FB60] =	vst v63;
	v63 =	vld [tilespmem:$0x340];
	_ =	sdelay $0x4  }
0x61: {  	[tilespmem:$0x1FB70] =	vst v63;
	v63 =	vld [tilespmem:$0xB50];
	_ =	sdelay $0x4  }
0x62: {  	[tilespmem:$0x1FB80] =	vst v63;
	v63 =	vld [tilespmem:$0x350];
	_ =	sdelay $0x4  }
0x63: {  	[tilespmem:$0x1FB90] =	vst v63;
	v63 =	vld [tilespmem:$0xB60];
	_ =	sdelay $0x4  }
0x64: {  	[tilespmem:$0x1FBA0] =	vst v63;
	v63 =	vld [tilespmem:$0x360];
	_ =	sdelay $0x4  }
0x65: {  	[tilespmem:$0x1FBB0] =	vst v63;
	v63 =	vld [tilespmem:$0xB70];
	_ =	sdelay $0x4  }
0x66: {  	[tilespmem:$0x1FBC0] =	vst v63;
	v63 =	vld [tilespmem:$0x370];
	_ =	sdelay $0x4  }
0x67: {  	[tilespmem:$0x1FBD0] =	vst v63;
	v63 =	vld [tilespmem:$0xB80];
	_ =	sdelay $0x4  }
0x68: {  	[tilespmem:$0x1FBE0] =	vst v63;
	v63 =	vld [tilespmem:$0x380];
	_ =	sdelay $0x4  }
0x69: {  	[tilespmem:$0x1FBF0] =	vst v63;
	v63 =	vld [tilespmem:$0xB90];
	_ =	sdelay $0x4  }
0x6a: {  	[tilespmem:$0x1FC00] =	vst v63;
	v63 =	vld [tilespmem:$0x390];
	_ =	sdelay $0x4  }
0x6b: {  	[tilespmem:$0x1FC10] =	vst v63;
	v63 =	vld [tilespmem:$0xBA0];
	_ =	sdelay $0x4  }
0x6c: {  	[tilespmem:$0x1FC20] =	vst v63;
	v63 =	vld [tilespmem:$0x3A0];
	_ =	sdelay $0x4  }
0x6d: {  	[tilespmem:$0x1FC30] =	vst v63;
	v63 =	vld [tilespmem:$0xBB0];
	_ =	sdelay $0x4  }
0x6e: {  	[tilespmem:$0x1FC40] =	vst v63;
	v63 =	vld [tilespmem:$0x3B0];
	_ =	sdelay $0x4  }
0x6f: {  	[tilespmem:$0x1FC50] =	vst v63;
	v63 =	vld [tilespmem:$0xBC0];
	_ =	sdelay $0x4  }
0x70: {  	[tilespmem:$0x1FC60] =	vst v63;
	v63 =	vld [tilespmem:$0x3C0];
	_ =	sdelay $0x4  }
0x71: {  	[tilespmem:$0x1FC70] =	vst v63;
	v63 =	vld [tilespmem:$0xBD0];
	_ =	sdelay $0x4  }
0x72: {  	[tilespmem:$0x1FC80] =	vst v63;
	v63 =	vld [tilespmem:$0x3D0];
	_ =	sdelay $0x4  }
0x73: {  	[tilespmem:$0x1FC90] =	vst v63;
	v63 =	vld [tilespmem:$0xBE0];
	_ =	sdelay $0x2  }
0x74: {  	v54 =	vld [tilespmem:$0xAB0]  }
0x75: {  	v51 =	vld [tilespmem:$0x2B0]  }
0x76: {  	[tilespmem:$0x1FCA0] =	vst v63;
	v63 =	vld [tilespmem:$0x3E0]  }
0x77: {  	v56 =	vld [tilespmem:$0xAC0]  }
0x78: {  	v53 =	vld [tilespmem:$0x2C0]  }
0x79: {  	v57 =	vld [tilespmem:$0xAD0]  }
0x7a: {  	v61 =	vld [tilespmem:$0xAF0]  }
0x7b: {  	[tilespmem:$0x1FCB0] =	vst v63;
	v63 =	vld [tilespmem:$0xBF0]  }
0x7c: {  	v55 =	vld [tilespmem:$0x2D0]  }
0x7d: {  	v62 =	vld [tilespmem:$0xAE0]  }
0x7e: {  	v60 =	vld [tilespmem:$0x2E0]  }
0x7f: {  	[tilespmem:$0x1FAD0] =	vst v61;
	v61 =	vld [tilespmem:$0x2F0]  }
0x80: {  	[tilespmem:$0x1FCC0] =	vst v63;
	v63 =	vld [tilespmem:$0x3F0]  }
0x81: {  	v1 =	vadd.f32 v1, v4;
	v4 =	vld [tilespmem:$0x530]  }
0x82: {  	v5 =	vadd.f32 v5, v8;
	v8 =	vld [tilespmem:$0x540]  }
0x83: {  	v7 =	vadd.f32 v7, v10;
	v10 =	vld [tilespmem:$0xD50]  }
0x84: {  	v9 =	vadd.f32 v9, v12;
	v12 =	vld [tilespmem:$0x550]  }
0x85: {  	[tilespmem:$0x1FCD0] =	vst v63;
	v63 =	vld [tilespmem:$0xC00]  }
0x86: {  	v11 =	vadd.f32 v11, v14;
	v14 =	vld [tilespmem:$0xD60]  }
0x87: {  	v13 =	vadd.f32 v13, v16;
	v16 =	vld [tilespmem:$0x560]  }
0x88: {  	v15 =	vadd.f32 v15, v18;
	v18 =	vld [tilespmem:$0xD70]  }
0x89: {  	v17 =	vadd.f32 v17, v20;
	v20 =	vld [tilespmem:$0x570]  }
0x8a: {  	[tilespmem:$0x1FCE0] =	vst v63;
	v63 =	vld [tilespmem:$0x400]  }
0x8b: {  	v19 =	vadd.f32 v19, v22;
	v22 =	vld [tilespmem:$0xD80]  }
0x8c: {  	v21 =	vadd.f32 v21, v24;
	v24 =	vld [tilespmem:$0x580]  }
0x8d: {  	v23 =	vadd.f32 v23, v26;
	v26 =	vld [tilespmem:$0xD90]  }
0x8e: {  	v25 =	vadd.f32 v25, v28;
	v28 =	vadd.f32 v27, v58;
	v58 =	vld [tilespmem:$0x590]  }
0x8f: {  	[tilespmem:$0x1FCF0] =	vst v63;
	v63 =	vld [tilespmem:$0xC10]  }
0x90: {  	v29 =	vadd.f32 v29, v59;
	v59 =	vld [tilespmem:$0xDA0]  }
0x91: {  	v30 =	vadd.f32 v30, v50;
	v50 =	vld [tilespmem:$0x5A0]  }
0x92: {  	v31 =	vadd.f32 v31, v47;
	v47 =	vld [tilespmem:$0xDB0]  }
0x93: {  	v32 =	vadd.f32 v32, v38;
	v38 =	vld [tilespmem:$0x5B0]  }
0x94: {  	[tilespmem:$0x1FD00] =	vst v63;
	v63 =	vld [tilespmem:$0x410]  }
0x95: {  	v33 =	vadd.f32 v33, v39;
	v39 =	vld [tilespmem:$0xDC0]  }
0x96: {  	v27 =	vld [tilespmem:$0xDD0]  }
0x97: {  	v0 =	vadd.f32 v0, v3;
	v44 =	vadd.f32 v44, v46;
	v3 =	vld [tilespmem:$0xE10]  }
0x98: {  	v46 =	vadd.f32 v45, v49;
	v49 =	vadd.f32 v51, v54;
	v54 =	vld [tilespmem:$0x1FAD0]  }
0x99: {  	[tilespmem:$0x1FD10] =	vst v63;
	v63 =	vld [tilespmem:$0xC20]  }
0x9a: {  	v51 =	vadd.f32 v53, v56;
	v56 =	vld [tilespmem:$0x1FAE0]  }
0x9b: {  	[tilespmem:$0x900] =	vst v0;
	v0 =	vadd.f32 v2, v6;
	v6 =	vld [tilespmem:$0xD40]  }
0x9c: {  	[tilespmem:$0xA00] =	vst v30;
	v30 =	vld [tilespmem:$0x5C0]  }
0x9d: {  	[tilespmem:$0x9A0] =	vst v19;
	v19 =	vld [tilespmem:$0xDE0]  }
0x9e: {  	[tilespmem:$0x1FD20] =	vst v63;
	v63 =	vld [tilespmem:$0x420]  }
0x9f: {  	[tilespmem:$0x940] =	vst v7;
	v7 =	vld [tilespmem:$0xDF0]  }
0xa0: {  	[tilespmem:$0x910] =	vst v1;
	v1 =	vld [tilespmem:$0xE00]  }
0xa1: {  	v2 =	vld [tilespmem:$0x600]  }
0xa2: {  	[tilespmem:$0x930] =	vst v5;
	v5 =	vld [tilespmem:$0xE20]  }
0xa3: {  	[tilespmem:$0x1FD30] =	vst v63;
	v63 =	vld [tilespmem:$0xC30]  }
0xa4: {  	[tilespmem:$0x920] =	vst v0;
	v0 =	vld [tilespmem:$0x5F0]  }
0xa5: {  	[tilespmem:$0x1FFB0] =	vst v18;
	v18 =	vld [tilespmem:$0x5D0]  }
0xa6: {  	[tilespmem:$0x1FF70] =	vst v10;
	v10 =	vld [tilespmem:$0x5E0]  }
0xa7: {  	v48 =	vadd.f32 v48, v52;
	v52 =	vadd.f32 v55, v57;
	v57 =	vld [tilespmem:$0x1FAF0]  }
0xa8: {  	[tilespmem:$0x1FD40] =	vst v63;
	v63 =	vld [tilespmem:$0x430]  }
0xa9: {  	[tilespmem:$0x1FF40] =	vst v4;
	v4 =	vld [tilespmem:$0x610]  }
0xaa: {  	[tilespmem:$0x1FF60] =	vst v8;
	v8 =	vld [tilespmem:$0xE30]  }
0xab: {  	[tilespmem:$0x1FF50] =	vst v6;
	v6 =	vld [tilespmem:$0x620]  }
0xac: {  	[tilespmem:$0x950] =	vst v9;
	v1 =	vadd.f32 v2, v1;
	v2 =	vld [tilespmem:$0x7A0];
	v9 =	vadd.f32 v57, v56  }
0xad: {  	[tilespmem:$0x1FD50] =	vst v63;
	v63 =	vld [tilespmem:$0xC40]  }
0xae: {  	[tilespmem:$0xB00] =	vst v9;
	v9 =	vld [tilespmem:$0x630]  }
0xaf: {  	v0 =	vadd.f32 v0, v7;
	v7 =	vld [tilespmem:$0xFA0]  }
0xb0: {  	v53 =	vadd.f32 v60, v62;
	[tilespmem:$0x960] =	vst v11;
	v60 =	vld [tilespmem:$0x1FB00]  }
0xb1: {  	[tilespmem:$0x970] =	vst v13;
	v55 =	vadd.f32 v61, v54;
	v10 =	vadd.f32 v10, v19;
	v61 =	vld [tilespmem:$0x1FB10]  }
0xb2: {  	[tilespmem:$0x1FD60] =	vst v63;
	v63 =	vld [tilespmem:$0x440]  }
0xb3: {  	[tilespmem:$0xDE0] =	vst v10;
	v10 =	vadd.f32 v9, v8;
	v8 =	vld [tilespmem:$0xFD0]  }
0xb4: {  	[tilespmem:$0x990] =	vst v17;
	v9 =	vld [tilespmem:$0x7D0]  }
0xb5: {  	[tilespmem:$0x9B0] =	vst v21;
	v62 =	vld [tilespmem:$0x1FB20]  }
0xb6: {  	[tilespmem:$0x1FFA0] =	vst v16;
	v16 =	vld [tilespmem:$0x1FB30]  }
0xb7: {  	[tilespmem:$0x1FD70] =	vst v63;
	v63 =	vld [tilespmem:$0xC50]  }
0xb8: {  	[tilespmem:$0x1FF80] =	vst v12;
	v17 =	vld [tilespmem:$0x1FB40]  }
0xb9: {  	[tilespmem:$0x1FFC0] =	vst v20;
	v20 =	vld [tilespmem:$0x1FB50]  }
0xba: {  	[tilespmem:$0x1FF90] =	vst v14;
	v21 =	vld [tilespmem:$0x1FB60]  }
0xbb: {  	[tilespmem:$0x1FFD0] =	vst v22;
	v22 =	vld [tilespmem:$0x1FB70]  }
0xbc: {  	v11 =	vadd.f32 v61, v60;
	[tilespmem:$0x1FD80] =	vst v63;
	v63 =	vld [tilespmem:$0x450]  }
0xbd: {  	[tilespmem:$0xE30] =	vst v10;
	v10 =	vld [tilespmem:$0xFE0];
	v12 =	vadd.f32 v16, v62  }
0xbe: {  	[tilespmem:$0xB10] =	vst v11;
	v11 =	vld [tilespmem:$0xE40];
	v13 =	vadd.f32 v20, v17  }
0xbf: {  	[tilespmem:$0xB20] =	vst v12;
	v12 =	vld [tilespmem:$0x640]  }
0xc0: {  	[tilespmem:$0xB30] =	vst v13;
	v13 =	vld [tilespmem:$0xE50]  }
0xc1: {  	v14 =	vadd.f32 v22, v21;
	[tilespmem:$0x1FD90] =	vst v63;
	v63 =	vld [tilespmem:$0xC60]  }
0xc2: {  	[tilespmem:$0x9C0] =	vst v23;
	v23 =	vld [tilespmem:$0x1FB80]  }
0xc3: {  	[tilespmem:$0xB40] =	vst v14;
	v14 =	vld [tilespmem:$0x650]  }
0xc4: {  	[tilespmem:$0x1FFE0] =	vst v24;
	v24 =	vld [tilespmem:$0x1FB90]  }
0xc5: {  	[tilespmem:$0x9D0] =	vst v25;
	v25 =	vld [tilespmem:$0x1FBA0]  }
0xc6: {  	[tilespmem:$0x1FDA0] =	vst v63;
	v63 =	vld [tilespmem:$0x460]  }
0xc7: {  	[tilespmem:$0x1FFF0] =	vst v26;
	v12 =	vadd.f32 v12, v11;
	v26 =	vld [tilespmem:$0x1FBB0]  }
0xc8: {  	v11 =	vld [tilespmem:$0x7E0]  }
0xc9: {  	[tilespmem:$0xE40] =	vst v12;
	v12 =	vld [tilespmem:$0xFF0]  }
0xca: {  	[tilespmem:$0x980] =	vst v15;
	v14 =	vadd.f32 v14, v13;
	v13 =	vld [tilespmem:$0x7F0]  }
0xcb: {  	v15 =	vadd.f32 v24, v23;
	[tilespmem:$0x1FDB0] =	vst v63;
	v63 =	vld [tilespmem:$0xC70]  }
0xcc: {  	[tilespmem:$0xE50] =	vst v14;
	v14 =	vld [tilespmem:$0x1000];
	v16 =	vadd.f32 v26, v25  }
0xcd: {  	[tilespmem:$0xB50] =	vst v15;
	v15 =	vld [tilespmem:$0xE60]  }
0xce: {  	[tilespmem:$0xB60] =	vst v16;
	v16 =	vld [tilespmem:$0x660]  }
0xcf: {  	[tilespmem:$0x9E0] =	vst v28;
	v28 =	vld [tilespmem:$0x1FBC0]  }
0xd0: {  	[tilespmem:$0x1FDC0] =	vst v63;
	v63 =	vld [tilespmem:$0x470]  }
0xd1: {  	v18 =	vadd.f32 v18, v27;
	v26 =	vld [tilespmem:$0x690]  }
0xd2: {  	[tilespmem:$0x9F0] =	vst v29;
	v29 =	vld [tilespmem:$0x1FBD0]  }
0xd3: {  	[tilespmem:$0xDD0] =	vst v18;
	v18 =	vadd.f32 v16, v15;
	v15 =	vld [tilespmem:$0x800]  }
0xd4: {  	v16 =	vld [tilespmem:$0x1010]  }
0xd5: {  	[tilespmem:$0x1FDD0] =	vst v63;
	v63 =	vld [tilespmem:$0xC80]  }
0xd6: {  	[tilespmem:$0xA10] =	vst v31;
	v31 =	vld [tilespmem:$0x1FBE0]  }
0xd7: {  	[tilespmem:$0xA20] =	vst v32;
	v32 =	vld [tilespmem:$0x1FBF0]  }
0xd8: {  	[tilespmem:$0xE60] =	vst v18;
	v18 =	vld [tilespmem:$0x1020]  }
0xd9: {  	v17 =	vadd.f32 v29, v28;
	v28 =	vld [tilespmem:$0xEA0]  }
0xda: {  	[tilespmem:$0x1FDE0] =	vst v63;
	v63 =	vld [tilespmem:$0x480]  }
0xdb: {  	[tilespmem:$0xB70] =	vst v17;
	v17 =	vld [tilespmem:$0xE70]  }
0xdc: {  	v20 =	vadd.f32 v32, v31;
	v31 =	vld [tilespmem:$0xEB0]  }
0xdd: {  	v32 =	vld [tilespmem:$0x6B0]  }
0xde: {  	[tilespmem:$0xB80] =	vst v20;
	v20 =	vld [tilespmem:$0x670]  }
0xdf: {  	[tilespmem:$0x1FDF0] =	vst v63;
	v63 =	vld [tilespmem:$0xC90]  }
0xe0: {  	v29 =	vld [tilespmem:$0x6A0]  }
0xe1: {  	[tilespmem:$0xA30] =	vst v33;
	v33 =	vld [tilespmem:$0x1FC00]  }
0xe2: {  	v36 =	vadd.f32 v34, v36;
	v34 =	vld [tilespmem:$0x1FC10]  }
0xe3: {  	v32 =	vadd.f32 v32, v31;
	v20 =	vadd.f32 v20, v17;
	v17 =	vld [tilespmem:$0x810]  }
0xe4: {  	[tilespmem:$0x1FE00] =	vst v63;
	v63 =	vld [tilespmem:$0x490]  }
0xe5: {  	[tilespmem:$0xEB0] =	vst v32;
	v32 =	vld [tilespmem:$0x1090]  }
0xe6: {  	v40 =	vadd.f32 v35, v40;
	v35 =	vld [tilespmem:$0x1FC20]  }
0xe7: {  	v21 =	vadd.f32 v34, v33;
	v33 =	vld [tilespmem:$0xEC0]  }
0xe8: {  	v34 =	vld [tilespmem:$0x6C0]  }
0xe9: {  	[tilespmem:$0x1FE10] =	vst v63;
	v63 =	vld [tilespmem:$0xCA0]  }
0xea: {  	[tilespmem:$0xA40] =	vst v36;
	v36 =	vld [tilespmem:$0x1FC30]  }
0xeb: {  	[tilespmem:$0xB90] =	vst v21;
	v21 =	vld [tilespmem:$0xE80]  }
0xec: {  	v42 =	vadd.f32 v37, v42;
	v37 =	vld [tilespmem:$0x1FC40]  }
0xed: {  	[tilespmem:$0xA50] =	vst v40;
	v34 =	vadd.f32 v34, v33;
	v40 =	vld [tilespmem:$0x1FC50]  }
0xee: {  	[tilespmem:$0x1FE20] =	vst v63;
	v63 =	vld [tilespmem:$0x4A0]  }
0xef: {  	[tilespmem:$0xEC0] =	vst v34;
	v34 =	vld [tilespmem:$0x890];
	v22 =	vadd.f32 v36, v35  }
0xf0: {  	v35 =	vld [tilespmem:$0xED0]  }
0xf1: {  	[tilespmem:$0xBA0] =	vst v22;
	v22 =	vld [tilespmem:$0x680]  }
0xf2: {  	v43 =	vadd.f32 v41, v43;
	v23 =	vadd.f32 v40, v37;
	v41 =	vld [tilespmem:$0x1FC60]  }
0xf3: {  	[tilespmem:$0x1FE30] =	vst v63;
	v63 =	vld [tilespmem:$0xCB0]  }
0xf4: {  	[tilespmem:$0xBB0] =	vst v23;
	v23 =	vld [tilespmem:$0xE90]  }
0xf5: {  	[tilespmem:$0xA60] =	vst v42;
	v42 =	vld [tilespmem:$0x1FC70]  }
0xf6: {  	[tilespmem:$0xA70] =	vst v43;
	v43 =	vld [tilespmem:$0x1FC80]  }
0xf7: {  	[tilespmem:$0xA80] =	vst v44;
	v44 =	vld [tilespmem:$0x1FC90]  }
0xf8: {  	[tilespmem:$0x1FE40] =	vst v63;
	v63 =	vld [tilespmem:$0x4B0]  }
0xf9: {  	v45 =	vld [tilespmem:$0x1FCA0]  }
0xfa: {  	[tilespmem:$0xA90] =	vst v46;
	v46 =	vld [tilespmem:$0x1FCB0]  }
0xfb: {  	[tilespmem:$0xAA0] =	vst v48;
	v48 =	vld [tilespmem:$0x1FCC0]  }
0xfc: {  	[tilespmem:$0xAB0] =	vst v49;
	v49 =	vld [tilespmem:$0x1FCD0]  }
0xfd: {  	[tilespmem:$0x1FE50] =	vst v63;
	v63 =	vld [tilespmem:$0xCC0]  }
0xfe: {  	[tilespmem:$0xAC0] =	vst v51;
	v51 =	vld [tilespmem:$0x1FCE0]  }
0xff: {  	[tilespmem:$0xAD0] =	vst v52;
	v52 =	vld [tilespmem:$0x1FCF0]  }
0x100: {  	[tilespmem:$0xAE0] =	vst v53;
	v53 =	vld [tilespmem:$0x1FD00]  }
0x101: {  	v54 =	vld [tilespmem:$0x1FD10]  }
0x102: {  	v25 =	vadd.f32 v44, v43;
	[tilespmem:$0x1FE60] =	vst v63;
	v63 =	vld [tilespmem:$0x4C0]  }
0x103: {  	v57 =	vld [tilespmem:$0x1FD40]  }
0x104: {  	[tilespmem:$0xBD0] =	vst v25;
	v25 =	vadd.f32 v49, v48;
	v60 =	vld [tilespmem:$0x1FD50]  }
0x105: {  	v36 =	vld [tilespmem:$0x1FD80]  }
0x106: {  	[tilespmem:$0xBF0] =	vst v25;
	v37 =	vld [tilespmem:$0x1FD90]  }
0x107: {  	v25 =	vadd.f32 v54, v53;
	[tilespmem:$0x1FE70] =	vst v63;
	v63 =	vld [tilespmem:$0xCD0]  }
0x108: {  	[tilespmem:$0xAF0] =	vst v55;
	v55 =	vld [tilespmem:$0x1FD20]  }
0x109: {  	[tilespmem:$0xC10] =	vst v25;
	v56 =	vld [tilespmem:$0x1FD30];
	v25 =	vadd.f32 v60, v57  }
0x10a: {  	v61 =	vld [tilespmem:$0x1FD60]  }
0x10b: {  	[tilespmem:$0xC30] =	vst v25;
	v25 =	vadd.f32 v37, v36;
	v36 =	vld [tilespmem:$0x6D0]  }
0x10c: {  	v24 =	vadd.f32 v42, v41;
	[tilespmem:$0x1FE80] =	vst v63;
	v63 =	vld [tilespmem:$0x4D0]  }
0x10d: {  	v62 =	vld [tilespmem:$0x1FD70]  }
0x10e: {  	[tilespmem:$0xBC0] =	vst v24;
	v24 =	vadd.f32 v46, v45;
	v40 =	vld [tilespmem:$0x1FDA0]  }
0x10f: {  	v37 =	vld [tilespmem:$0xEE0]  }
0x110: {  	[tilespmem:$0xBE0] =	vst v24;
	v41 =	vld [tilespmem:$0x1FDB0];
	v36 =	vadd.f32 v36, v35  }
0x111: {  	v24 =	vadd.f32 v52, v51;
	[tilespmem:$0x1FE90] =	vst v63;
	v63 =	vld [tilespmem:$0xCE0]  }
0x112: {  	[tilespmem:$0xED0] =	vst v36;
	v36 =	vld [tilespmem:$0x10A0]  }
0x113: {  	[tilespmem:$0xC00] =	vst v24;
	v24 =	vadd.f32 v56, v55;
	v42 =	vld [tilespmem:$0x1FDC0]  }
0x114: {  	v43 =	vld [tilespmem:$0x1FDD0]  }
0x115: {  	[tilespmem:$0xC20] =	vst v24;
	v44 =	vld [tilespmem:$0x1FDE0]  }
0x116: {  	v24 =	vadd.f32 v62, v61;
	[tilespmem:$0x1FEA0] =	vst v63;
	v63 =	vld [tilespmem:$0x4E0]  }
0x117: {  	v45 =	vld [tilespmem:$0x1FDF0]  }
0x118: {  	[tilespmem:$0xC40] =	vst v24;
	v24 =	vadd.f32 v41, v40;
	v40 =	vld [tilespmem:$0x6E0]  }
0x119: {  	v41 =	vld [tilespmem:$0xEF0]  }
0x11a: {  	[tilespmem:$0xC50] =	vst v25;
	v25 =	vadd.f32 v43, v42;
	v43 =	vld [tilespmem:$0xF00]  }
0x11b: {  	[tilespmem:$0x1FEB0] =	vst v63;
	v63 =	vld [tilespmem:$0xCF0]  }
0x11c: {  	[tilespmem:$0xC60] =	vst v24;
	v24 =	vadd.f32 v45, v44;
	v44 =	vld [tilespmem:$0x700]  }
0x11d: {  	v42 =	vld [tilespmem:$0x6F0]  }
0x11e: {  	v46 =	vld [tilespmem:$0x1FE00]  }
0x11f: {  	v45 =	vld [tilespmem:$0xF10]  }
0x120: {  	[tilespmem:$0x1FEC0] =	vst v63;
	v63 =	vld [tilespmem:$0x4F0]  }
0x121: {  	v37 =	vadd.f32 v40, v37;
	v48 =	vld [tilespmem:$0x1FE10];
	v40 =	vadd.f32 v44, v43  }
0x122: {  	v44 =	vld [tilespmem:$0x830]  }
0x123: {  	[tilespmem:$0xF00] =	vst v40;
	v40 =	vld [tilespmem:$0x10B0]  }
0x124: {  	v49 =	vld [tilespmem:$0x1FE20]  }
0x125: {  	[tilespmem:$0x1FED0] =	vst v63;
	v63 =	vld [tilespmem:$0xD00]  }
0x126: {  	v51 =	vld [tilespmem:$0x1FE30]  }
0x127: {  	[tilespmem:$0xC70] =	vst v25;
	v25 =	vadd.f32 v48, v46;
	v46 =	vld [tilespmem:$0x710]  }
0x128: {  	v48 =	vld [tilespmem:$0xF20]  }
0x129: {  	v52 =	vld [tilespmem:$0x1FE40]  }
0x12a: {  	[tilespmem:$0x1FEE0] =	vst v63;
	v63 =	vld [tilespmem:$0x500]  }
0x12b: {  	[tilespmem:$0xC80] =	vst v24;
	v24 =	vadd.f32 v51, v49;
	v49 =	vld [tilespmem:$0x720]  }
0x12c: {  	v51 =	vld [tilespmem:$0xF30]  }
0x12d: {  	v53 =	vld [tilespmem:$0x1FE50]  }
0x12e: {  	v54 =	vld [tilespmem:$0x1FE60]  }
0x12f: {  	[tilespmem:$0x1FEF0] =	vst v63;
	v63 =	vld [tilespmem:$0xD10]  }
0x130: {  	v55 =	vld [tilespmem:$0x1FE70]  }
0x131: {  	v56 =	vld [tilespmem:$0x1FE80]  }
0x132: {  	v57 =	vld [tilespmem:$0x1FE90]  }
0x133: {  	v60 =	vld [tilespmem:$0x1FEA0]  }
0x134: {  	[tilespmem:$0x1FF00] =	vst v63;
	v63 =	vld [tilespmem:$0x510]  }
0x135: {  	v61 =	vld [tilespmem:$0x1FEB0]  }
0x136: {  	[tilespmem:$0xC90] =	vst v25;
	v25 =	vadd.f32 v53, v52;
	v62 =	vld [tilespmem:$0x1FEC0]  }
0x137: {  	[tilespmem:$0xCA0] =	vst v24;
	v52 =	vld [tilespmem:$0x1FED0]  }
0x138: {  	v43 =	vadd.f32 v49, v48;
	v48 =	vld [tilespmem:$0x840];
	[tilespmem:$0xCB0] =	vst v25;
	v24 =	vadd.f32 v55, v54  }
0x139: {  	[tilespmem:$0x1FF10] =	vst v63;
	v63 =	vld [tilespmem:$0xD20]  }
0x13a: {  	[tilespmem:$0xCC0] =	vst v24;
	v25 =	vadd.f32 v57, v56;
	v24 =	vadd.f32 v61, v60;
	v61 =	vld [tilespmem:$0x1FF40]  }
0x13b: {  	v53 =	vld [tilespmem:$0x1FEE0]  }
0x13c: {  	[tilespmem:$0xCD0] =	vst v25;
	v25 =	vadd.f32 v52, v62;
	v52 =	vld [tilespmem:$0x730]  }
0x13d: {  	v54 =	vld [tilespmem:$0x1FEF0]  }
0x13e: {  	[tilespmem:$0x1FF20] =	vst v63;
	v63 =	vld [tilespmem:$0x520]  }
0x13f: {  	v62 =	vld [tilespmem:$0x1FF50]  }
0x140: {  	v55 =	vld [tilespmem:$0x1FF00]  }
0x141: {  	v56 =	vld [tilespmem:$0x1FF10]  }
0x142: {  	[tilespmem:$0xCE0] =	vst v24;
	v24 =	vadd.f32 v54, v53;
	v53 =	vld [tilespmem:$0xF40]  }
0x143: {  	[tilespmem:$0x1FF30] =	vst v63;
	v63 =	vld [tilespmem:$0xD30]  }
0x144: {  	[tilespmem:$0xE00] =	vst v1;
	v57 =	vld [tilespmem:$0x1FF20]  }
0x145: {  	[tilespmem:$0xDF0] =	vst v0;
	v29 =	vadd.f32 v29, v28;
	v60 =	vld [tilespmem:$0x1FF30]  }
0x146: {  	[tilespmem:$0xCF0] =	vst v25;
	v54 =	vld [tilespmem:$0x740];
	v25 =	vadd.f32 v56, v55  }
0x147: {  	[tilespmem:$0xEA0] =	vst v29;
	v31 =	vadd.f32 v9, v8;
	v55 =	vld [tilespmem:$0xF50]  }
0x148: {  	[tilespmem:$0xD10] =	vst v25;
	v25 =	vadd.f32 v61, v63;
	v63 =	vld [tilespmem:$0x1FF60]  }
0x149: {  	[tilespmem:$0xFD0] =	vst v31;
	v56 =	vld [tilespmem:$0x750]  }
0x14a: {  	v33 =	vadd.f32 v11, v10;
	[tilespmem:$0xD00] =	vst v24;
	v24 =	vadd.f32 v60, v57;
	v57 =	vld [tilespmem:$0x1FF70]  }
0x14b: {  	[tilespmem:$0xE70] =	vst v20;
	v60 =	vld [tilespmem:$0x1FF80]  }
0x14c: {  	[tilespmem:$0xFE0] =	vst v33;
	v27 =	vadd.f32 v26, v23;
	v61 =	vld [tilespmem:$0x1FF90]  }
0x14d: {  	v35 =	vadd.f32 v13, v12;
	[tilespmem:$0xD20] =	vst v24;
	v24 =	vadd.f32 v63, v62;
	v62 =	vld [tilespmem:$0x1FFA0]  }
0x14e: {  	[tilespmem:$0xE90] =	vst v27;
	v49 =	vadd.f32 v56, v55;
	v55 =	vld [tilespmem:$0x1060]  }
0x14f: {  	[tilespmem:$0xFF0] =	vst v35;
	v63 =	vld [tilespmem:$0x1FFB0]  }
0x150: {  	[tilespmem:$0xD30] =	vst v25;
	v25 =	vadd.f32 v60, v57;
	v60 =	vld [tilespmem:$0x1FFC0]  }
0x151: {  	[tilespmem:$0xEE0] =	vst v37;
	v37 =	vadd.f32 v15, v14;
	v57 =	vld [tilespmem:$0xF60]  }
0x152: {  	[tilespmem:$0xD40] =	vst v24;
	v24 =	vadd.f32 v62, v61;
	v61 =	vld [tilespmem:$0x1FFF0]  }
0x153: {  	[tilespmem:$0x1000] =	vst v37;
	v62 =	vadd.f32 v50, v59;
	v50 =	vld [tilespmem:$0x770]  }
0x154: {  	[tilespmem:$0xF20] =	vst v43;
	v59 =	vld [tilespmem:$0x790]  }
0x155: {  	[tilespmem:$0xD50] =	vst v25;
	v25 =	vadd.f32 v60, v63;
	v60 =	vld [tilespmem:$0x1FFE0]  }
0x156: {  	[tilespmem:$0xF50] =	vst v49;
	v63 =	vadd.f32 v38, v47;
	v38 =	vld [tilespmem:$0xF80]  }
0x157: {  	v47 =	vadd.f32 v30, v39;
	v30 =	vld [tilespmem:$0x780];
	[tilespmem:$0xD60] =	vst v24  }
0x158: {  	v39 =	vadd.f32 v42, v41;
	v41 =	vld [tilespmem:$0x820];
	[tilespmem:$0xDA0] =	vst v62  }
0x159: {  	v42 =	vadd.f32 v46, v45;
	v46 =	vld [tilespmem:$0x1040];
	[tilespmem:$0xD70] =	vst v25  }
0x15a: {  	v45 =	vadd.f32 v52, v51;
	v51 =	vld [tilespmem:$0x1050];
	[tilespmem:$0xDB0] =	vst v63  }
0x15b: {  	v24 =	vld [tilespmem:$0x1FFD0];
	[tilespmem:$0xDC0] =	vst v47  }
0x15c: {  	v62 =	vadd.f32 v6, v5;
	v5 =	vld [tilespmem:$0xFC0];
	[tilespmem:$0xEF0] =	vst v39  }
0x15d: {  	v6 =	vld [tilespmem:$0x7C0];
	[tilespmem:$0xF10] =	vst v42  }
0x15e: {  	v63 =	vld [tilespmem:$0x7B0];
	v47 =	vadd.f32 v54, v53;
	[tilespmem:$0xF30] =	vst v45  }
0x15f: {  	v53 =	vld [tilespmem:$0x850];
	v39 =	vadd.f32 v17, v16;
	[tilespmem:$0xE20] =	vst v62  }
0x160: {  	v42 =	vld [tilespmem:$0x8B0];
	v25 =	vadd.f32 v58, v61;
	[tilespmem:$0xF40] =	vst v47  }
0x161: {  	v58 =	vld [tilespmem:$0xF70];
	v61 =	vadd.f32 v4, v3;
	[tilespmem:$0x1010] =	vst v39  }
0x162: {  	v3 =	vld [tilespmem:$0xFB0];
	v56 =	vadd.f32 v30, v38;
	[tilespmem:$0xD90] =	vst v25  }
0x163: {  	v30 =	vld [tilespmem:$0x880];
	v41 =	vadd.f32 v41, v18;
	[tilespmem:$0xE10] =	vst v61  }
0x164: {  	v38 =	vld [tilespmem:$0x8A0];
	v45 =	vadd.f32 v48, v46;
	[tilespmem:$0xF80] =	vst v56  }
0x165: {  	v24 =	vadd.f32 v60, v24;
	v60 =	vld [tilespmem:$0x760];
	[tilespmem:$0x1020] =	vst v41  }
0x166: {  	v25 =	vld [tilespmem:$0xF90];
	v47 =	vadd.f32 v53, v51;
	[tilespmem:$0x1040] =	vst v45  }
0x167: {  	v46 =	vld [tilespmem:$0x8C0];
	[tilespmem:$0xD80] =	vst v24;
	v24 =	vadd.f32 v22, v21  }
0x168: {  	v61 =	vld [tilespmem:$0x870];
	v54 =	vadd.f32 v50, v58;
	[tilespmem:$0x1050] =	vst v47  }
0x169: {  	v21 =	vld [tilespmem:$0x1030];
	v62 =	vadd.f32 v63, v3;
	[tilespmem:$0xE80] =	vst v24  }
0x16a: {  	v63 =	vld [tilespmem:$0x1080];
	v52 =	vadd.f32 v60, v57;
	[tilespmem:$0xF70] =	vst v54  }
0x16b: {  	v57 =	vld [tilespmem:$0x860];
	v58 =	vadd.f32 v59, v25;
	[tilespmem:$0xFB0] =	vst v62  }
0x16c: {  	v59 =	vld [tilespmem:$0x1070];
	v60 =	vadd.f32 v2, v7;
	[tilespmem:$0xF60] =	vst v52  }
0x16d: {  	v48 =	vld [tilespmem:$0x10D0];
	v25 =	vadd.f32 v6, v5;
	[tilespmem:$0xF90] =	vst v58  }
0x16e: {  	v56 =	vld [tilespmem:$0x10F0];
	[tilespmem:$0xFA0] =	vst v60;
	v43 =	vadd.f32 v44, v21  }
0x16f: {  	v50 =	vld [tilespmem:$0x8D0];
	[tilespmem:$0xFC0] =	vst v25;
	v53 =	vadd.f32 v30, v63  }
0x170: {  	v54 =	vld [tilespmem:$0x8E0];
	[tilespmem:$0x1030] =	vst v43;
	v49 =	vadd.f32 v57, v55  }
0x171: {  	v44 =	vld [tilespmem:$0x10C0];
	v51 =	vadd.f32 v61, v59;
	[tilespmem:$0x1080] =	vst v53  }
0x172: {  	v52 =	vld [tilespmem:$0x10E0];
	v55 =	vadd.f32 v34, v32;
	[tilespmem:$0x1060] =	vst v49  }
0x173: {  	v58 =	vld [tilespmem:$0x8F0];
	v57 =	vadd.f32 v38, v36;
	[tilespmem:$0x1070] =	vst v51  }
0x174: {  	v59 =	vadd.f32 v42, v40;
	[tilespmem:$0x1090] =	vst v55  }
0x175: {  	v61 =	vadd.f32 v50, v48;
	[tilespmem:$0x10A0] =	vst v57  }
0x176: {  	v60 =	vadd.f32 v46, v44;
	[tilespmem:$0x10B0] =	vst v59  }
0x177: {  	v62 =	vadd.f32 v54, v52;
	[tilespmem:$0x10D0] =	vst v61  }
0x178: {  	v63 =	vadd.f32 v58, v56;
	[tilespmem:$0x10C0] =	vst v60  }
0x179: {  	p0 =	sne.s32 s8, $0x1;
	[tilespmem:$0x10E0] =	vst v62  }
.Ltmp1:
0x17a: {  	[tilespmem:$0x10F0] =	vst v63;
	(pc) =	sbr.rel @p0 .LBB2_2-.Ltmp1, $4  }
0x17b: {  	[hbm4b:s6+s4] =	stream.linear.scatter [tilespmem:s13], [sflag:$0x3], $0x800, $0x38;
	[tilespmem:$0x1100] =	vst v63  }
0x17c: {  	_ =	swait.ge [sflag:s9], $0x800  }
0x17d: {  	[sflag:s9] =	ssyncset.done $0x0  }
0x17e: {  	s8 =	sadd.s32 $0xFFFFFFFF, s8;
	[sflag:s9] =	ssyncadd.s32 $0xFFFFF800  }
.LBB2_3:
0x17f: {  	_ =	sfence.sel $0x180000  }
0x180: {  	[bflag:$0x0] =	sbarrier.arrive $0xFFFF  }
0x181: {  	p0 =	sne.s32 s2, $0x0;
	_ =	strace $0x90000047  }
0x182: {  	s0 =	sadd.s32 @!p0 $0x100000, s0;
	[bflag:$0x2] =	sbarrier.arrive $0xFFFF  }
0x183: {  	[sflag:s0] =	ssyncadd.tile.s32 @!p0 $0x1;
	_ =	shalt  }
.Lfunc_end2:
_tile_overlayer_lowered:
.L_overlay_start_2:
0x184: {  	(tag) =	ssettag $0x2  }
0x185: {  	s0 =	rddreg [dreg:$0x0];
	s2 =	stileid.u32  }
0x186: {  	s1 =	rddreg [dreg:$0x1];
	p0 =	sne.s32 s2, $0x0  }
0x187: {  	s3 =	rddreg [dreg:$0x2];
	[bflag:$0x3] =	sbarrier.arrive $0xFFFF;
	s2 =	simm.s32 @!p0 $0x1C03  }
0x188: {  	[timem:s3], [sflag:s2] =	dma.local @!p0 [hbm:s0], s1  }
0x189: {  	s0 =	simm.s32 @!p0 $0x3  }
0x18a: {  	_ =	swait.ge @!p0 [sflag:s0], s1  }
0x18b: {  	s1 =	ssub.s32 @!p0 $0x0, s1;
	[sflag:s0] =	ssyncset.done @!p0 $0x0  }
0x18c: {  	[sflag:s0] =	ssyncadd.s32 @!p0 s1  }
0x18d: {  	[bflag:$0x3] =	sbarrier.arrive $0xFFFF  }
0x18e: {  	_ =	shalt  }

</sc_bundles>
